<compile_context>
chip_gen: v7x
topology: tpu7x:2x2x1
jax: 0.10.2.dev20260603
libtpu: 0.0.44.dev20260713+nightly
codegen_flags: <defaults>
</compile_context>

<pallas_src>
import functools

import jax
import jax.numpy as jnp
import numpy as np
from jax import lax
from jax.experimental import pallas as pl
from jax.experimental.pallas import tpu as pltpu
from jax.experimental.pallas import tpu_sc as plsc

N = 10000
E = 320000
D = 128
NP = 10240
RP = 2560
RA = 160
DH = 64
NA = 10112
NT = 632
NB = 10240 // 16
BN_INV = float(1.0 / np.sqrt(1.0 + 1e-5))


def _basis(L):
    hm1 = int(L / 2 - 1)
    t = np.arange(L, dtype=np.float64) / L * 2.0 * np.pi
    vecs = [np.ones(L, dtype=np.float64)]
    vecs += [np.cos(t * i) for i in range(1, hm1 + 1)]
    vecs += [np.sin(t * i) for i in range(1, hm1 + 1)]
    return np.stack(vecs, axis=0).astype(np.float32)


_BB = _basis(128)
_BF = _basis(64)


def _tc1_body(x_ref, wm_ref, bm_ref, g1_ref, b1_ref, wg_ref, hw_ref):
    h = lax.dot_general(x_ref[...], wm_ref[...], (((1,), (1,)), ((), ())),
                        preferred_element_type=jnp.float32,
                        precision=lax.Precision.HIGHEST)
    h = jnp.maximum(h + bm_ref[...], 0.0)
    h = h * (g1_ref[...] * BN_INV) + b1_ref[...]
    hww = lax.dot_general(h, wg_ref[...], (((1,), (1,)), ((), ())),
                          preferred_element_type=jnp.float32,
                          precision=lax.Precision.HIGHEST)
    hw_ref[0] = hww[:, :DH]
    hw_ref[1] = hww[:, DH:]


def _tc1(xp, W_mlp, b_mlp, g1, b1, W_gcn):
    blk = NP // 10
    return pl.pallas_call(
        _tc1_body,
        grid=(10,),
        in_specs=[
            pl.BlockSpec((blk, D), lambda i: (i, 0)),
            pl.BlockSpec((D, D), lambda i: (0, 0)),
            pl.BlockSpec((1, D), lambda i: (0, 0)),
            pl.BlockSpec((1, D), lambda i: (0, 0)),
            pl.BlockSpec((1, D), lambda i: (0, 0)),
            pl.BlockSpec((D, D), lambda i: (0, 0)),
        ],
        out_specs=pl.BlockSpec((2, blk, DH), lambda i: (0, i, 0)),
        out_shape=jax.ShapeDtypeStruct((2, NP, DH), jnp.float32),
    )(xp, W_mlp, b_mlp.reshape(1, D), g1.reshape(1, D), b1.reshape(1, D),
      W_gcn)


def _tc2_body(p_ref, bg_ref, g2_ref, b2_ref, wb_ref, wf_ref,
              bb_ref, bf_ref, bc_ref, fc_ref):
    o = jnp.concatenate([p_ref[0], p_ref[1]], axis=1) + bg_ref[...]
    o = jnp.maximum(o, 0.0)
    o = o * (g2_ref[...] * BN_INV) + b2_ref[...]
    pb = lax.dot_general(wb_ref[...], bb_ref[...], (((0,), (0,)), ((), ())),
                         preferred_element_type=jnp.float32,
                         precision=lax.Precision.HIGHEST)
    bc_ref[...] = lax.dot_general(o, pb, (((1,), (0,)), ((), ())),
                                  preferred_element_type=jnp.float32,
                                  precision=lax.Precision.HIGHEST)
    pf = lax.dot_general(wf_ref[...], bf_ref[...], (((0,), (0,)), ((), ())),
                         preferred_element_type=jnp.float32,
                         precision=lax.Precision.HIGHEST)
    fc_ref[...] = lax.dot_general(o, pf, (((1,), (0,)), ((), ())),
                                  preferred_element_type=jnp.float32,
                                  precision=lax.Precision.HIGHEST)


def _tc2(part, b_gcn, g2, b2, W_b, W_f):
    blk = N // 10
    return pl.pallas_call(
        _tc2_body,
        grid=(10,),
        in_specs=[
            pl.BlockSpec((2, blk, DH), lambda i: (0, i, 0)),
            pl.BlockSpec((1, D), lambda i: (0, 0)),
            pl.BlockSpec((1, D), lambda i: (0, 0)),
            pl.BlockSpec((1, D), lambda i: (0, 0)),
            pl.BlockSpec((127, D), lambda i: (0, 0)),
            pl.BlockSpec((63, D), lambda i: (0, 0)),
            pl.BlockSpec((127, D), lambda i: (0, 0)),
            pl.BlockSpec((63, 64), lambda i: (0, 0)),
        ],
        out_specs=(
            pl.BlockSpec((blk, D), lambda i: (i, 0)),
            pl.BlockSpec((blk, 64), lambda i: (i, 0)),
        ),
        out_shape=(
            jax.ShapeDtypeStruct((N, D), jnp.float32),
            jax.ShapeDtypeStruct((N, 64), jnp.float32),
        ),
    )(part, b_gcn.reshape(1, D), g2.reshape(1, D), b2.reshape(1, D),
      W_b, W_f, jnp.asarray(_BB), jnp.asarray(_BF))


def _rsqrt16(d):
    i = plsc.bitcast(d, jnp.int32)
    i = jnp.int32(0x5F3759DF) - lax.shift_right_logical(i, 1)
    y = plsc.bitcast(i, jnp.float32)
    for _ in range(3):
        y = y * (1.5 - 0.5 * d * y * y)
    return y


def _gather2d(ref, idx):
    return plsc.load_gather(ref, [lax.shift_right_logical(idx, 6),
                                  lax.bitwise_and(idx, 63)])


def _sc_body(hw_hbm, row_hbm, col_hbm, ew_hbm, part_hbm,
             rowA, colA, ewA, dd, dsum, rows, rows1, idbuf,
             acc_sh, sem, gsem0, gsem1, ssem0, ssem1):
    cid = lax.axis_index("c")
    sid = lax.axis_index("s")

    pltpu.sync_copy(row_hbm.at[pl.ds(sid * RA, RA)], rowA)
    pltpu.sync_copy(col_hbm.at[pl.ds(sid * RA, RA)], colA)
    pltpu.sync_copy(ew_hbm.at[pl.ds(sid * RA, RA)], ewA)

    for j in range(2):
        for k in range(5):
            idbuf[j, pl.ds(k * 16, 16)] = (
                jnp.full((16,), j * 80 + k * 16, jnp.int32)
                + lax.iota(jnp.int32, 16))

    def _zrow(r, _):
        for k in range(DH // 16):
            rows[r, pl.ds(k * 16, 16)] = jnp.zeros((16,), jnp.float32)
        return _
    lax.fori_loop(0, 128, _zrow, None)

    def _zdeg(r, _):
        for k in range(DH // 16):
            dd[r, pl.ds(k * 16, 16)] = jnp.zeros((16,), jnp.float32)
        return _
    lax.fori_loop(0, 160, _zdeg, None)

    @pl.when(sid < 2)
    def _():
        pltpu.sync_copy(rows.at[pl.ds(0, 80)], acc_sh.at[pl.ds(sid * 80, 80)])
    plsc.subcore_barrier()

    def _deg_row(j, _):
        for k in range(8):
            c = colA[j, pl.ds(k * 16, 16)]
            w = ewA[j, pl.ds(k * 16, 16)]
            plsc.addupdate_scatter(
                dd, [lax.shift_right_logical(c, 6),
                     lax.bitwise_and(c, 63)], w)
        return _
    lax.fori_loop(0, RA, _deg_row, None)

    for j in range(2):
        pltpu.sync_copy(dd.at[pl.ds(j * 80, 80)],
                        acc_sh.at[idbuf.at[j]], add=True)
    plsc.subcore_barrier()

    pltpu.sync_copy(acc_sh.at[pl.ds(sid * 10, 10)], dsum)

    def _dinv_slice(r, _):
        for k in range(DH // 16):
            sl = pl.ds(k * 16, 16)
            dsum[r, sl] = _rsqrt16(dsum[r, sl] + 1.0)
        return _
    lax.fori_loop(0, 10, _dinv_slice, None)
    pltpu.sync_copy(dsum, acc_sh.at[pl.ds(sid * 10, 10)])
    plsc.subcore_barrier()
    pltpu.sync_copy(acc_sh.at[pl.ds(0, 160)], dd)
    plsc.subcore_barrier()

    def _norm_row(j, _):
        for k in range(8):
            sl = pl.ds(k * 16, 16)
            r = rowA[j, sl]
            c = colA[j, sl]
            w = ewA[j, sl]
            ewA[j, sl] = _gather2d(dd, r) * w * _gather2d(dd, c)
        return _
    lax.fori_loop(0, RA, _norm_row, None)

    for t in range(5):
        c128 = sid * 5 + t

        @pl.when(c128 < NA // 128)
        def _():
            base = c128 * 128
            pltpu.sync_copy(hw_hbm.at[cid, pl.ds(base, 128)], rows)

            def _selfrow(r, _):
                i = base + r
                y = _gather2d(dd, jnp.full((16,), i, jnp.int32))
                y = y * y
                for k in range(DH // 16):
                    sl = pl.ds(k * 16, 16)
                    rows[r, sl] = rows[r, sl] * y
                return _
            lax.fori_loop(0, 128, _selfrow, None)
            pltpu.sync_copy(rows, acc_sh.at[pl.ds(base, 128)])

    plsc.subcore_barrier()

    bufs = ((rows, gsem0, ssem0), (rows1, gsem1, ssem1))
    pltpu.async_copy(hw_hbm.at[cid].at[rowA.at[0]], rows, gsem0)
    pltpu.async_copy(hw_hbm.at[cid].at[rowA.at[1]], rows1, gsem1)

    def _pipe(jj, _):
        for b in range(2):
            buf, gs, ss = bufs[b]
            c = 2 * jj + b
            pltpu.make_async_copy(hw_hbm.at[cid].at[rowA.at[c]],
                                  buf, gs).wait()

            def _scale(e8, _, buf=buf, c=c):
                for u in range(8):
                    e = e8 * 8 + u
                    ns = plsc.load_gather(
                        ewA, [jnp.full((16,), c, jnp.int32),
                              jnp.full((16,), e, jnp.int32)])
                    for k in range(DH // 16):
                        sl = pl.ds(k * 16, 16)
                        buf[e, sl] = buf[e, sl] * ns
                return _
            lax.fori_loop(0, 16, _scale, None)
            pltpu.async_copy(buf, acc_sh.at[colA.at[c]], ss, add=True)
        for b in range(2):
            buf, gs, ss = bufs[b]
            c = 2 * jj + b

            @pl.when(c + 2 < RA)
            def _(buf=buf, gs=gs, ss=ss, c=c):
                pltpu.make_async_copy(buf, acc_sh.at[colA.at[c]], ss).wait()
                pltpu.async_copy(hw_hbm.at[cid].at[rowA.at[c + 2]], buf, gs)
        return _
    lax.fori_loop(0, RA // 2, _pipe, None)
    pltpu.make_async_copy(rows, acc_sh.at[colA.at[RA - 2]], ssem0).wait()
    pltpu.make_async_copy(rows1, acc_sh.at[colA.at[RA - 1]], ssem1).wait()

    plsc.subcore_barrier()
    pltpu.sync_copy(acc_sh.at[pl.ds(sid * NT, NT)],
                    part_hbm.at[cid, pl.ds(sid * NT, NT)])


def _sc_pass(hw, rowp, colp, ewp):
    mesh = plsc.VectorSubcoreMesh(core_axis_name="c", subcore_axis_name="s",
                                  num_cores=2, num_subcores=16)
    f = pl.kernel(
        _sc_body,
        out_type=jax.ShapeDtypeStruct((2, NA, DH), jnp.float32),
        mesh=mesh,
        compiler_params=pltpu.CompilerParams(needs_layout_passes=False,
                                             use_tc_tiling_on_sc=False),
        scratch_types=[
            pltpu.VMEM((RA, 128), jnp.int32),
            pltpu.VMEM((RA, 128), jnp.int32),
            pltpu.VMEM((RA, 128), jnp.float32),
            pltpu.VMEM((160, DH), jnp.float32),
            pltpu.VMEM((10, DH), jnp.float32),
            pltpu.VMEM((128, DH), jnp.float32),
            pltpu.VMEM((128, DH), jnp.float32),
            pltpu.VMEM((2, 80), jnp.int32),
            pltpu.VMEM_SHARED((NA, DH), jnp.float32),
            pltpu.SemaphoreType.DMA,
            pltpu.SemaphoreType.DMA,
            pltpu.SemaphoreType.DMA,
            pltpu.SemaphoreType.DMA,
            pltpu.SemaphoreType.DMA,
        ],
    )
    return f(hw, rowp, colp, ewp)


def kernel(x, edge_index, edge_weight, W_mlp, b_mlp, bn1_gamma, bn1_beta,
           W_gcn, b_gcn, bn2_gamma, bn2_beta, W_b, W_f):
    xp = jnp.pad(x, ((0, NP - N), (0, 0)))
    pad = RP * 128 - E
    rowp = jnp.concatenate(
        [edge_index[0], jnp.zeros((pad,), jnp.int32)]).reshape(RP, 128)
    colp = jnp.concatenate(
        [edge_index[1], jnp.zeros((pad,), jnp.int32)]).reshape(RP, 128)
    ewp = jnp.concatenate(
        [edge_weight, jnp.zeros((pad,), jnp.float32)]).reshape(RP, 128)

    hw = _tc1(xp, W_mlp, b_mlp, bn1_gamma, bn1_beta, W_gcn)
    part = _sc_pass(hw, rowp, colp, ewp)
    bc, fc = _tc2(part[:, :N], b_gcn, bn2_gamma, bn2_beta, W_b, W_f)
    return (bc, fc)

# --- scband reference (transcript-rebuilt; emitter-appended) ---
"""Pipeline reference for scband-gnn-seasonality-block-44178033607256 (READ-ONLY COPY).

The authoritative reference and input builder live on the scoring server;
editing this copy changes nothing except your own understanding.
"""

import jax, jax.numpy as jnp
import numpy as np

N = 10000
E = 320000
D = 128
BACKCAST = 128
FORECAST = 64
TB = 127
TF = 63


def make_basis(L):
    # torch: stack([ones] + cos + sin, dim=1).T -> [n_basis, L]
    hm1 = int(L / 2 - 1)
    t = np.arange(L, dtype=np.float64) / L * 2.0 * np.pi
    vecs = [np.ones(L, dtype=np.float64)]
    vecs += [np.cos(t * i) for i in range(1, hm1 + 1)]
    vecs += [np.sin(t * i) for i in range(1, hm1 + 1)]
    return jnp.asarray(np.stack(vecs, axis=0), dtype=jnp.float32)


BASIS_B = make_basis(BACKCAST)  # [127, 128]
BASIS_F = make_basis(FORECAST)  # [63, 64]


def setup_inputs(seed: int = 0) -> dict:
    key = jax.random.key(seed)
    ks = jax.random.split(key, 8)
    x = jax.random.normal(ks[0], (N, BACKCAST), dtype=jnp.float32)
    edge_index = jax.random.randint(ks[1], (2, E), 0, N, dtype=jnp.int32)
    edge_weight = jax.random.uniform(ks[2], (E,), dtype=jnp.float32)
    W_mlp = jax.random.normal(ks[3], (D, BACKCAST), dtype=jnp.float32) * 0.05
    b_mlp = jnp.zeros((D,), dtype=jnp.float32)
    bn1_gamma = jnp.ones((D,), dtype=jnp.float32)
    bn1_beta = jnp.zeros((D,), dtype=jnp.float32)
    W_gcn = jax.random.normal(ks[4], (D, D), dtype=jnp.float32) * 0.05
    b_gcn = jnp.zeros((D,), dtype=jnp.float32)
    bn2_gamma = jnp.ones((D,), dtype=jnp.float32)
    bn2_beta = jnp.zeros((D,), dtype=jnp.float32)
    W_b = jax.random.normal(ks[5], (TB, D), dtype=jnp.float32) * 0.05
    W_f = jax.random.normal(ks[6], (TF, D), dtype=jnp.float32) * 0.05
    return {
        'x': x, 'edge_index': edge_index, 'edge_weight': edge_weight,
        'W_mlp': W_mlp, 'b_mlp': b_mlp, 'bn1_gamma': bn1_gamma, 'bn1_beta': bn1_beta,
        'W_gcn': W_gcn, 'b_gcn': b_gcn, 'bn2_gamma': bn2_gamma, 'bn2_beta': bn2_beta,
        'W_b': W_b, 'W_f': W_f,
    }


def _bn_eval(h, gamma, beta):
    # BatchNorm1d in eval mode with fresh running stats (mean=0, var=1)
    return (h / jnp.sqrt(1.0 + 1e-5)) * gamma + beta


def reference(x, edge_index, edge_weight, W_mlp, b_mlp, bn1_gamma, bn1_beta,
              W_gcn, b_gcn, bn2_gamma, bn2_beta, W_b, W_f):
    # MLP stack: Linear -> ReLU -> BatchNorm (dropout inactive in eval)
    h = x @ W_mlp.T + b_mlp
    h = jax.nn.relu(h)
    h = _bn_eval(h, bn1_gamma, bn1_beta)
    # GCNConv: add self-loops (weight 1), symmetric normalization
    row = edge_index[0]
    col = edge_index[1]
    loop = jnp.arange(N, dtype=row.dtype)
    row_f = jnp.concatenate([row, loop])
    col_f = jnp.concatenate([col, loop])
    ew_f = jnp.concatenate([edge_weight, jnp.ones((N,), dtype=edge_weight.dtype)])
    deg = jnp.zeros((N,), dtype=h.dtype).at[col_f].add(ew_f)
    dinv = jax.lax.rsqrt(deg)  # deg >= 1 thanks to self-loops
    norm = dinv[row_f] * ew_f * dinv[col_f]
    hw = h @ W_gcn.T
    msg = hw[row_f] * norm[:, None]
    out = jnp.zeros((N, D), dtype=h.dtype).at[col_f].add(msg) + b_gcn
    # activation -> BN -> (dropout inactive)
    out = jax.nn.relu(out)
    out = _bn_eval(out, bn2_gamma, bn2_beta)
    # seasonality heads
    theta_b = out @ W_b.T
    theta_f = out @ W_f.T
    backcast = theta_b @ BASIS_B
    forecast = theta_f @ BASIS_F
    return (backcast, forecast)

if __name__ == "__main__":
    import jax
    _d = setup_inputs()
    print(jax.jit(kernel)(*tuple(_d.values())))

</pallas_src>

<mosaic_0001>
#map = affine_map<(d0, d1) -> (0, 0, 0)>
#map1 = affine_map<(d0, d1) -> (0, 0)>
module attributes {stable_mosaic.version = 14 : i64} {
  func.func @_sc_body(%arg0: i32, %arg1: i32, %arg2: memref<2x10240x64xf32, #tpu.memory_space<hbm>>, %arg3: memref<2560x128xi32, #tpu.memory_space<hbm>>, %arg4: memref<2560x128xi32, #tpu.memory_space<hbm>>, %arg5: memref<2560x128xf32, #tpu.memory_space<hbm>>, %arg6: memref<2x10112x64xf32, #tpu.memory_space<hbm>>, %arg7: memref<160x128xi32, #tpu.memory_space<vmem>>, %arg8: memref<160x128xi32, #tpu.memory_space<vmem>>, %arg9: memref<160x128xf32, #tpu.memory_space<vmem>>, %arg10: memref<160x64xf32, #tpu.memory_space<vmem>>, %arg11: memref<10x64xf32, #tpu.memory_space<vmem>>, %arg12: memref<128x64xf32, #tpu.memory_space<vmem>>, %arg13: memref<128x64xf32, #tpu.memory_space<vmem>>, %arg14: memref<2x80xi32, #tpu.memory_space<vmem>>, %arg15: memref<10112x64xf32, #tpu.memory_space<vmem_shared>>, %arg16: memref<!tpu.dma_semaphore, #tpu.memory_space<semaphore_mem>>, %arg17: memref<!tpu.dma_semaphore, #tpu.memory_space<semaphore_mem>>, %arg18: memref<!tpu.dma_semaphore, #tpu.memory_space<semaphore_mem>>, %arg19: memref<!tpu.dma_semaphore, #tpu.memory_space<semaphore_mem>>, %arg20: memref<!tpu.dma_semaphore, #tpu.memory_space<semaphore_mem>>) attributes {dimension_semantics = [#tpu.dimension_semantics<core_parallel>, #tpu.dimension_semantics<subcore_parallel>], iteration_bounds = array<i64: 2, 16>, scalar_prefetch = 0 : i64, scratch_operands = 14 : i64, tpu.core_type = #tpu.core_type<sc_vector_subcore>, window_params = [{transform_indices = #map}, {transform_indices = #map1}, {transform_indices = #map1}, {transform_indices = #map1}, {transform_indices = #map}]} {
    %mul3A = arith.constant 160 : i32
    %mul3A_0 = arith.muli %arg1, %mul3A : i32
    "tpu.region"() ({
      %run_scoped3A_205 = tpu.sem_alloc : memref<!tpu.dma_semaphore, #tpu.memory_space<semaphore_mem>>
      %dma_start3A_206 = arith.constant 0 : i32
      %dma_start3A_207 = tpu.memref_slice %arg3[%mul3A_0, %dma_start3A_206] : memref<2560x128xi32, #tpu.memory_space<hbm>> -> memref<160x128xi32, #tpu.memory_space<hbm>>
      %dma_start3A_208 = arith.constant 0 : i32
      %dma_start3A_209 = tpu.memref_slice %arg3[%mul3A_0, %dma_start3A_208] : memref<2560x128xi32, #tpu.memory_space<hbm>> -> memref<160x128xi32, #tpu.memory_space<hbm>>
      tpu.enqueue_dma source(%dma_start3A_209 : memref<160x128xi32, #tpu.memory_space<hbm>>) target(%arg7 : memref<160x128xi32, #tpu.memory_space<vmem>>) target_semaphore(%run_scoped3A_205 : memref<!tpu.dma_semaphore, #tpu.memory_space<semaphore_mem>>)
      %dma_wait3A_210 = arith.constant 0 : i32
      %dma_wait3A_211 = tpu.memref_slice %arg3[%mul3A_0, %dma_wait3A_210] : memref<2560x128xi32, #tpu.memory_space<hbm>> -> memref<160x128xi32, #tpu.memory_space<hbm>>
      %dma_wait3A_212 = arith.constant 0 : i32
      %dma_wait3A_213 = tpu.memref_slice %arg3[%mul3A_0, %dma_wait3A_212] : memref<2560x128xi32, #tpu.memory_space<hbm>> -> memref<160x128xi32, #tpu.memory_space<hbm>>
      tpu.wait_dma2 semaphore(%run_scoped3A_205 : memref<!tpu.dma_semaphore, #tpu.memory_space<semaphore_mem>>) src(%dma_wait3A_213 : memref<160x128xi32, #tpu.memory_space<hbm>>) dst(%arg7 : memref<160x128xi32, #tpu.memory_space<vmem>>)
      tpu.yield
    }) : () -> ()
    %mul3A_1 = arith.constant 160 : i32
    %mul3A_2 = arith.muli %arg1, %mul3A_1 : i32
    "tpu.region"() ({
      %run_scoped3A_205 = tpu.sem_alloc : memref<!tpu.dma_semaphore, #tpu.memory_space<semaphore_mem>>
      %dma_start3A_206 = arith.constant 0 : i32
      %dma_start3A_207 = tpu.memref_slice %arg4[%mul3A_2, %dma_start3A_206] : memref<2560x128xi32, #tpu.memory_space<hbm>> -> memref<160x128xi32, #tpu.memory_space<hbm>>
      %dma_start3A_208 = arith.constant 0 : i32
      %dma_start3A_209 = tpu.memref_slice %arg4[%mul3A_2, %dma_start3A_208] : memref<2560x128xi32, #tpu.memory_space<hbm>> -> memref<160x128xi32, #tpu.memory_space<hbm>>
      tpu.enqueue_dma source(%dma_start3A_209 : memref<160x128xi32, #tpu.memory_space<hbm>>) target(%arg8 : memref<160x128xi32, #tpu.memory_space<vmem>>) target_semaphore(%run_scoped3A_205 : memref<!tpu.dma_semaphore, #tpu.memory_space<semaphore_mem>>)
      %dma_wait3A_210 = arith.constant 0 : i32
      %dma_wait3A_211 = tpu.memref_slice %arg4[%mul3A_2, %dma_wait3A_210] : memref<2560x128xi32, #tpu.memory_space<hbm>> -> memref<160x128xi32, #tpu.memory_space<hbm>>
      %dma_wait3A_212 = arith.constant 0 : i32
      %dma_wait3A_213 = tpu.memref_slice %arg4[%mul3A_2, %dma_wait3A_212] : memref<2560x128xi32, #tpu.memory_space<hbm>> -> memref<160x128xi32, #tpu.memory_space<hbm>>
      tpu.wait_dma2 semaphore(%run_scoped3A_205 : memref<!tpu.dma_semaphore, #tpu.memory_space<semaphore_mem>>) src(%dma_wait3A_213 : memref<160x128xi32, #tpu.memory_space<hbm>>) dst(%arg8 : memref<160x128xi32, #tpu.memory_space<vmem>>)
      tpu.yield
    }) : () -> ()
    %mul3A_3 = arith.constant 160 : i32
    %mul3A_4 = arith.muli %arg1, %mul3A_3 : i32
    "tpu.region"() ({
      %run_scoped3A_205 = tpu.sem_alloc : memref<!tpu.dma_semaphore, #tpu.memory_space<semaphore_mem>>
      %dma_start3A_206 = arith.constant 0 : i32
      %dma_start3A_207 = tpu.memref_slice %arg5[%mul3A_4, %dma_start3A_206] : memref<2560x128xf32, #tpu.memory_space<hbm>> -> memref<160x128xf32, #tpu.memory_space<hbm>>
      %dma_start3A_208 = arith.constant 0 : i32
      %dma_start3A_209 = tpu.memref_slice %arg5[%mul3A_4, %dma_start3A_208] : memref<2560x128xf32, #tpu.memory_space<hbm>> -> memref<160x128xf32, #tpu.memory_space<hbm>>
      tpu.enqueue_dma source(%dma_start3A_209 : memref<160x128xf32, #tpu.memory_space<hbm>>) target(%arg9 : memref<160x128xf32, #tpu.memory_space<vmem>>) target_semaphore(%run_scoped3A_205 : memref<!tpu.dma_semaphore, #tpu.memory_space<semaphore_mem>>)
      %dma_wait3A_210 = arith.constant 0 : i32
      %dma_wait3A_211 = tpu.memref_slice %arg5[%mul3A_4, %dma_wait3A_210] : memref<2560x128xf32, #tpu.memory_space<hbm>> -> memref<160x128xf32, #tpu.memory_space<hbm>>
      %dma_wait3A_212 = arith.constant 0 : i32
      %dma_wait3A_213 = tpu.memref_slice %arg5[%mul3A_4, %dma_wait3A_212] : memref<2560x128xf32, #tpu.memory_space<hbm>> -> memref<160x128xf32, #tpu.memory_space<hbm>>
      tpu.wait_dma2 semaphore(%run_scoped3A_205 : memref<!tpu.dma_semaphore, #tpu.memory_space<semaphore_mem>>) src(%dma_wait3A_213 : memref<160x128xf32, #tpu.memory_space<hbm>>) dst(%arg9 : memref<160x128xf32, #tpu.memory_space<vmem>>)
      tpu.yield
    }) : () -> ()
    %broadcast_in_dim3A = arith.constant 0 : i32
    %broadcast_in_dim3A_5 = vector.broadcast %broadcast_in_dim3A : i32 to vector<16xi32>
    %iota3A = tpu.iota {dimensions = array<i32: 0>} : vector<16xi32>
    %add3A = arith.addi %broadcast_in_dim3A_5, %iota3A : vector<16xi32>
    %swap3A = arith.constant 0 : i32
    %swap3A_6 = arith.index_cast %swap3A : i32 to index
    %swap3A_7 = arith.constant 0 : index
    %swap3A_8 = tpu.vector_load %arg14[%swap3A_6, %swap3A_7] {strides = array<i32>} : memref<2x80xi32, #tpu.memory_space<vmem>>, vector<16xi32>,
    tpu.vector_store %arg14[%swap3A_6, %swap3A_7], %add3A {strides = array<i32>} : memref<2x80xi32, #tpu.memory_space<vmem>>, vector<16xi32>,
    %broadcast_in_dim3A_9 = arith.constant 16 : i32
    %broadcast_in_dim3A_10 = vector.broadcast %broadcast_in_dim3A_9 : i32 to vector<16xi32>
    %iota3A_11 = tpu.iota {dimensions = array<i32: 0>} : vector<16xi32>
    %add3A_12 = arith.addi %broadcast_in_dim3A_10, %iota3A_11 : vector<16xi32>
    %swap3A_13 = arith.constant 0 : i32
    %swap3A_14 = arith.index_cast %swap3A_13 : i32 to index
    %swap3A_15 = arith.constant 16 : index
    %swap3A_16 = tpu.vector_load %arg14[%swap3A_14, %swap3A_15] {strides = array<i32>} : memref<2x80xi32, #tpu.memory_space<vmem>>, vector<16xi32>,
    tpu.vector_store %arg14[%swap3A_14, %swap3A_15], %add3A_12 {strides = array<i32>} : memref<2x80xi32, #tpu.memory_space<vmem>>, vector<16xi32>,
    %broadcast_in_dim3A_17 = arith.constant 32 : i32
    %broadcast_in_dim3A_18 = vector.broadcast %broadcast_in_dim3A_17 : i32 to vector<16xi32>
    %iota3A_19 = tpu.iota {dimensions = array<i32: 0>} : vector<16xi32>
    %add3A_20 = arith.addi %broadcast_in_dim3A_18, %iota3A_19 : vector<16xi32>
    %swap3A_21 = arith.constant 0 : i32
    %swap3A_22 = arith.index_cast %swap3A_21 : i32 to index
    %swap3A_23 = arith.constant 32 : index
    %swap3A_24 = tpu.vector_load %arg14[%swap3A_22, %swap3A_23] {strides = array<i32>} : memref<2x80xi32, #tpu.memory_space<vmem>>, vector<16xi32>,
    tpu.vector_store %arg14[%swap3A_22, %swap3A_23], %add3A_20 {strides = array<i32>} : memref<2x80xi32, #tpu.memory_space<vmem>>, vector<16xi32>,
    %broadcast_in_dim3A_25 = arith.constant 48 : i32
    %broadcast_in_dim3A_26 = vector.broadcast %broadcast_in_dim3A_25 : i32 to vector<16xi32>
    %iota3A_27 = tpu.iota {dimensions = array<i32: 0>} : vector<16xi32>
    %add3A_28 = arith.addi %broadcast_in_dim3A_26, %iota3A_27 : vector<16xi32>
    %swap3A_29 = arith.constant 0 : i32
    %swap3A_30 = arith.index_cast %swap3A_29 : i32 to index
    %swap3A_31 = arith.constant 48 : index
    %swap3A_32 = tpu.vector_load %arg14[%swap3A_30, %swap3A_31] {strides = array<i32>} : memref<2x80xi32, #tpu.memory_space<vmem>>, vector<16xi32>,
    tpu.vector_store %arg14[%swap3A_30, %swap3A_31], %add3A_28 {strides = array<i32>} : memref<2x80xi32, #tpu.memory_space<vmem>>, vector<16xi32>,
    %broadcast_in_dim3A_33 = arith.constant 64 : i32
    %broadcast_in_dim3A_34 = vector.broadcast %broadcast_in_dim3A_33 : i32 to vector<16xi32>
    %iota3A_35 = tpu.iota {dimensions = array<i32: 0>} : vector<16xi32>
    %add3A_36 = arith.addi %broadcast_in_dim3A_34, %iota3A_35 : vector<16xi32>
    %swap3A_37 = arith.constant 0 : i32
    %swap3A_38 = arith.index_cast %swap3A_37 : i32 to index
    %swap3A_39 = arith.constant 64 : index
    %swap3A_40 = tpu.vector_load %arg14[%swap3A_38, %swap3A_39] {strides = array<i32>} : memref<2x80xi32, #tpu.memory_space<vmem>>, vector<16xi32>,
    tpu.vector_store %arg14[%swap3A_38, %swap3A_39], %add3A_36 {strides = array<i32>} : memref<2x80xi32, #tpu.memory_space<vmem>>, vector<16xi32>,
    %broadcast_in_dim3A_41 = arith.constant 80 : i32
    %broadcast_in_dim3A_42 = vector.broadcast %broadcast_in_dim3A_41 : i32 to vector<16xi32>
    %iota3A_43 = tpu.iota {dimensions = array<i32: 0>} : vector<16xi32>
    %add3A_44 = arith.addi %broadcast_in_dim3A_42, %iota3A_43 : vector<16xi32>
    %swap3A_45 = arith.constant 1 : i32
    %swap3A_46 = arith.index_cast %swap3A_45 : i32 to index
    %swap3A_47 = arith.constant 0 : index
    %swap3A_48 = tpu.vector_load %arg14[%swap3A_46, %swap3A_47] {strides = array<i32>} : memref<2x80xi32, #tpu.memory_space<vmem>>, vector<16xi32>,
    tpu.vector_store %arg14[%swap3A_46, %swap3A_47], %add3A_44 {strides = array<i32>} : memref<2x80xi32, #tpu.memory_space<vmem>>, vector<16xi32>,
    %broadcast_in_dim3A_49 = arith.constant 96 : i32
    %broadcast_in_dim3A_50 = vector.broadcast %broadcast_in_dim3A_49 : i32 to vector<16xi32>
    %iota3A_51 = tpu.iota {dimensions = array<i32: 0>} : vector<16xi32>
    %add3A_52 = arith.addi %broadcast_in_dim3A_50, %iota3A_51 : vector<16xi32>
    %swap3A_53 = arith.constant 1 : i32
    %swap3A_54 = arith.index_cast %swap3A_53 : i32 to index
    %swap3A_55 = arith.constant 16 : index
    %swap3A_56 = tpu.vector_load %arg14[%swap3A_54, %swap3A_55] {strides = array<i32>} : memref<2x80xi32, #tpu.memory_space<vmem>>, vector<16xi32>,
    tpu.vector_store %arg14[%swap3A_54, %swap3A_55], %add3A_52 {strides = array<i32>} : memref<2x80xi32, #tpu.memory_space<vmem>>, vector<16xi32>,
    %broadcast_in_dim3A_57 = arith.constant 112 : i32
    %broadcast_in_dim3A_58 = vector.broadcast %broadcast_in_dim3A_57 : i32 to vector<16xi32>
    %iota3A_59 = tpu.iota {dimensions = array<i32: 0>} : vector<16xi32>
    %add3A_60 = arith.addi %broadcast_in_dim3A_58, %iota3A_59 : vector<16xi32>
    %swap3A_61 = arith.constant 1 : i32
    %swap3A_62 = arith.index_cast %swap3A_61 : i32 to index
    %swap3A_63 = arith.constant 32 : index
    %swap3A_64 = tpu.vector_load %arg14[%swap3A_62, %swap3A_63] {strides = array<i32>} : memref<2x80xi32, #tpu.memory_space<vmem>>, vector<16xi32>,
    tpu.vector_store %arg14[%swap3A_62, %swap3A_63], %add3A_60 {strides = array<i32>} : memref<2x80xi32, #tpu.memory_space<vmem>>, vector<16xi32>,
    %broadcast_in_dim3A_65 = arith.constant 128 : i32
    %broadcast_in_dim3A_66 = vector.broadcast %broadcast_in_dim3A_65 : i32 to vector<16xi32>
    %iota3A_67 = tpu.iota {dimensions = array<i32: 0>} : vector<16xi32>
    %add3A_68 = arith.addi %broadcast_in_dim3A_66, %iota3A_67 : vector<16xi32>
    %swap3A_69 = arith.constant 1 : i32
    %swap3A_70 = arith.index_cast %swap3A_69 : i32 to index
    %swap3A_71 = arith.constant 48 : index
    %swap3A_72 = tpu.vector_load %arg14[%swap3A_70, %swap3A_71] {strides = array<i32>} : memref<2x80xi32, #tpu.memory_space<vmem>>, vector<16xi32>,
    tpu.vector_store %arg14[%swap3A_70, %swap3A_71], %add3A_68 {strides = array<i32>} : memref<2x80xi32, #tpu.memory_space<vmem>>, vector<16xi32>,
    %broadcast_in_dim3A_73 = arith.constant 144 : i32
    %broadcast_in_dim3A_74 = vector.broadcast %broadcast_in_dim3A_73 : i32 to vector<16xi32>
    %iota3A_75 = tpu.iota {dimensions = array<i32: 0>} : vector<16xi32>
    %add3A_76 = arith.addi %broadcast_in_dim3A_74, %iota3A_75 : vector<16xi32>
    %swap3A_77 = arith.constant 1 : i32
    %swap3A_78 = arith.index_cast %swap3A_77 : i32 to index
    %swap3A_79 = arith.constant 64 : index
    %swap3A_80 = tpu.vector_load %arg14[%swap3A_78, %swap3A_79] {strides = array<i32>} : memref<2x80xi32, #tpu.memory_space<vmem>>, vector<16xi32>,
    tpu.vector_store %arg14[%swap3A_78, %swap3A_79], %add3A_76 {strides = array<i32>} : memref<2x80xi32, #tpu.memory_space<vmem>>, vector<16xi32>,
    %scan3A = arith.constant 0 : i32
    %scan3A_81 = arith.constant 128 : i32
    %scan3A_82 = arith.addi %scan3A, %scan3A_81 : i32
    %scan3A_83 = arith.constant 1 : i32
    scf.for %scan3A_205 = %scan3A to %scan3A_82 step %scan3A_83  : i32 {
      %broadcast_in_dim3A_206 = arith.constant 0.000000e+00 : f32
      %broadcast_in_dim3A_207 = vector.broadcast %broadcast_in_dim3A_206 : f32 to vector<16xf32>
      %swap3A_208 = arith.index_cast %scan3A_205 : i32 to index
      %swap3A_209 = arith.constant 0 : index
      %swap3A_210 = tpu.vector_load %arg12[%swap3A_208, %swap3A_209] {strides = array<i32>} : memref<128x64xf32, #tpu.memory_space<vmem>>, vector<16xf32>,
      tpu.vector_store %arg12[%swap3A_208, %swap3A_209], %broadcast_in_dim3A_207 {strides = array<i32>} : memref<128x64xf32, #tpu.memory_space<vmem>>, vector<16xf32>,
      %broadcast_in_dim3A_211 = arith.constant 0.000000e+00 : f32
      %broadcast_in_dim3A_212 = vector.broadcast %broadcast_in_dim3A_211 : f32 to vector<16xf32>
      %swap3A_213 = arith.index_cast %scan3A_205 : i32 to index
      %swap3A_214 = arith.constant 16 : index
      %swap3A_215 = tpu.vector_load %arg12[%swap3A_213, %swap3A_214] {strides = array<i32>} : memref<128x64xf32, #tpu.memory_space<vmem>>, vector<16xf32>,
      tpu.vector_store %arg12[%swap3A_213, %swap3A_214], %broadcast_in_dim3A_212 {strides = array<i32>} : memref<128x64xf32, #tpu.memory_space<vmem>>, vector<16xf32>,
      %broadcast_in_dim3A_216 = arith.constant 0.000000e+00 : f32
      %broadcast_in_dim3A_217 = vector.broadcast %broadcast_in_dim3A_216 : f32 to vector<16xf32>
      %swap3A_218 = arith.index_cast %scan3A_205 : i32 to index
      %swap3A_219 = arith.constant 32 : index
      %swap3A_220 = tpu.vector_load %arg12[%swap3A_218, %swap3A_219] {strides = array<i32>} : memref<128x64xf32, #tpu.memory_space<vmem>>, vector<16xf32>,
      tpu.vector_store %arg12[%swap3A_218, %swap3A_219], %broadcast_in_dim3A_217 {strides = array<i32>} : memref<128x64xf32, #tpu.memory_space<vmem>>, vector<16xf32>,
      %broadcast_in_dim3A_221 = arith.constant 0.000000e+00 : f32
      %broadcast_in_dim3A_222 = vector.broadcast %broadcast_in_dim3A_221 : f32 to vector<16xf32>
      %swap3A_223 = arith.index_cast %scan3A_205 : i32 to index
      %swap3A_224 = arith.constant 48 : index
      %swap3A_225 = tpu.vector_load %arg12[%swap3A_223, %swap3A_224] {strides = array<i32>} : memref<128x64xf32, #tpu.memory_space<vmem>>, vector<16xf32>,
      tpu.vector_store %arg12[%swap3A_223, %swap3A_224], %broadcast_in_dim3A_222 {strides = array<i32>} : memref<128x64xf32, #tpu.memory_space<vmem>>, vector<16xf32>,
    }
    %scan3A_84 = arith.constant 128 : i32
    %scan3A_85 = arith.constant 0 : i32
    %scan3A_86 = arith.constant 160 : i32
    %scan3A_87 = arith.addi %scan3A_85, %scan3A_86 : i32
    %scan3A_88 = arith.constant 1 : i32
    scf.for %scan3A_205 = %scan3A_85 to %scan3A_87 step %scan3A_88  : i32 {
      %broadcast_in_dim3A_206 = arith.constant 0.000000e+00 : f32
      %broadcast_in_dim3A_207 = vector.broadcast %broadcast_in_dim3A_206 : f32 to vector<16xf32>
      %swap3A_208 = arith.index_cast %scan3A_205 : i32 to index
      %swap3A_209 = arith.constant 0 : index
      %swap3A_210 = tpu.vector_load %arg10[%swap3A_208, %swap3A_209] {strides = array<i32>} : memref<160x64xf32, #tpu.memory_space<vmem>>, vector<16xf32>,
      tpu.vector_store %arg10[%swap3A_208, %swap3A_209], %broadcast_in_dim3A_207 {strides = array<i32>} : memref<160x64xf32, #tpu.memory_space<vmem>>, vector<16xf32>,
      %broadcast_in_dim3A_211 = arith.constant 0.000000e+00 : f32
      %broadcast_in_dim3A_212 = vector.broadcast %broadcast_in_dim3A_211 : f32 to vector<16xf32>
      %swap3A_213 = arith.index_cast %scan3A_205 : i32 to index
      %swap3A_214 = arith.constant 16 : index
      %swap3A_215 = tpu.vector_load %arg10[%swap3A_213, %swap3A_214] {strides = array<i32>} : memref<160x64xf32, #tpu.memory_space<vmem>>, vector<16xf32>,
      tpu.vector_store %arg10[%swap3A_213, %swap3A_214], %broadcast_in_dim3A_212 {strides = array<i32>} : memref<160x64xf32, #tpu.memory_space<vmem>>, vector<16xf32>,
      %broadcast_in_dim3A_216 = arith.constant 0.000000e+00 : f32
      %broadcast_in_dim3A_217 = vector.broadcast %broadcast_in_dim3A_216 : f32 to vector<16xf32>
      %swap3A_218 = arith.index_cast %scan3A_205 : i32 to index
      %swap3A_219 = arith.constant 32 : index
      %swap3A_220 = tpu.vector_load %arg10[%swap3A_218, %swap3A_219] {strides = array<i32>} : memref<160x64xf32, #tpu.memory_space<vmem>>, vector<16xf32>,
      tpu.vector_store %arg10[%swap3A_218, %swap3A_219], %broadcast_in_dim3A_217 {strides = array<i32>} : memref<160x64xf32, #tpu.memory_space<vmem>>, vector<16xf32>,
      %broadcast_in_dim3A_221 = arith.constant 0.000000e+00 : f32
      %broadcast_in_dim3A_222 = vector.broadcast %broadcast_in_dim3A_221 : f32 to vector<16xf32>
      %swap3A_223 = arith.index_cast %scan3A_205 : i32 to index
      %swap3A_224 = arith.constant 48 : index
      %swap3A_225 = tpu.vector_load %arg10[%swap3A_223, %swap3A_224] {strides = array<i32>} : memref<160x64xf32, #tpu.memory_space<vmem>>, vector<16xf32>,
      tpu.vector_store %arg10[%swap3A_223, %swap3A_224], %broadcast_in_dim3A_222 {strides = array<i32>} : memref<160x64xf32, #tpu.memory_space<vmem>>, vector<16xf32>,
    }
    %scan3A_89 = arith.constant 160 : i32
    %lt3A = arith.constant 2 : i32
    %lt3A_90 = arith.cmpi slt, %arg1, %lt3A : i32
    %convert_element_type3A = arith.extui %lt3A_90 : i1 to i32
    %cond3A = arith.constant 0 : i32
    %cond3A_91 = arith.cmpi ne, %convert_element_type3A, %cond3A : i32
    scf.if %cond3A_91 {
      %mul3A_205 = arith.constant 80 : i32
      %mul3A_206 = arith.muli %arg1, %mul3A_205 : i32
      "tpu.region"() ({
        %run_scoped3A_207 = tpu.sem_alloc : memref<!tpu.dma_semaphore, #tpu.memory_space<semaphore_mem>>
        %dma_start3A_208 = arith.constant 0 : i32
        %dma_start3A_209 = arith.constant 0 : i32
        %dma_start3A_210 = tpu.memref_slice %arg12[%dma_start3A_208, %dma_start3A_209] : memref<128x64xf32, #tpu.memory_space<vmem>> -> memref<80x64xf32, #tpu.memory_space<vmem>>
        %dma_start3A_211 = arith.constant 0 : i32
        %dma_start3A_212 = tpu.memref_slice %arg15[%mul3A_206, %dma_start3A_211] : memref<10112x64xf32, #tpu.memory_space<vmem_shared>> -> memref<80x64xf32, #tpu.memory_space<vmem_shared>>
        %dma_start3A_213 = arith.constant 0 : i32
        %dma_start3A_214 = tpu.memref_slice %arg15[%mul3A_206, %dma_start3A_213] : memref<10112x64xf32, #tpu.memory_space<vmem_shared>> -> memref<80x64xf32, #tpu.memory_space<vmem_shared>>
        %dma_start3A_215 = arith.constant 0 : i32
        %dma_start3A_216 = arith.constant 0 : i32
        %dma_start3A_217 = tpu.memref_slice %arg12[%dma_start3A_215, %dma_start3A_216] : memref<128x64xf32, #tpu.memory_space<vmem>> -> memref<80x64xf32, #tpu.memory_space<vmem>>
        tpu.enqueue_dma source(%dma_start3A_217 : memref<80x64xf32, #tpu.memory_space<vmem>>) target(%dma_start3A_214 : memref<80x64xf32, #tpu.memory_space<vmem_shared>>) target_semaphore(%run_scoped3A_207 : memref<!tpu.dma_semaphore, #tpu.memory_space<semaphore_mem>>)
        %dma_wait3A_218 = arith.constant 0 : i32
        %dma_wait3A_219 = arith.constant 0 : i32
        %dma_wait3A_220 = tpu.memref_slice %arg12[%dma_wait3A_218, %dma_wait3A_219] : memref<128x64xf32, #tpu.memory_space<vmem>> -> memref<80x64xf32, #tpu.memory_space<vmem>>
        %dma_wait3A_221 = arith.constant 0 : i32
        %dma_wait3A_222 = tpu.memref_slice %arg15[%mul3A_206, %dma_wait3A_221] : memref<10112x64xf32, #tpu.memory_space<vmem_shared>> -> memref<80x64xf32, #tpu.memory_space<vmem_shared>>
        %dma_wait3A_223 = arith.constant 0 : i32
        %dma_wait3A_224 = tpu.memref_slice %arg15[%mul3A_206, %dma_wait3A_223] : memref<10112x64xf32, #tpu.memory_space<vmem_shared>> -> memref<80x64xf32, #tpu.memory_space<vmem_shared>>
        %dma_wait3A_225 = arith.constant 0 : i32
        %dma_wait3A_226 = arith.constant 0 : i32
        %dma_wait3A_227 = tpu.memref_slice %arg12[%dma_wait3A_225, %dma_wait3A_226] : memref<128x64xf32, #tpu.memory_space<vmem>> -> memref<80x64xf32, #tpu.memory_space<vmem>>
        tpu.wait_dma2 semaphore(%run_scoped3A_207 : memref<!tpu.dma_semaphore, #tpu.memory_space<semaphore_mem>>) src(%dma_wait3A_227 : memref<80x64xf32, #tpu.memory_space<vmem>>) dst(%dma_wait3A_224 : memref<80x64xf32, #tpu.memory_space<vmem_shared>>)
        tpu.yield
      }) : () -> ()
    } else {
    }
    %barrier3A = arith.constant 0 : index
    tpu.barrier barrier_id(%barrier3A)
    %scan3A_92 = arith.constant 0 : i32
    %scan3A_93 = arith.constant 160 : i32
    %scan3A_94 = arith.addi %scan3A_92, %scan3A_93 : i32
    %scan3A_95 = arith.constant 1 : i32
    scf.for %scan3A_205 = %scan3A_92 to %scan3A_94 step %scan3A_95  : i32 {
      %get3A = arith.index_cast %scan3A_205 : i32 to index
      %get3A_206 = arith.constant 0 : index
      %get3A_207 = tpu.vector_load %arg8[%get3A, %get3A_206] {strides = array<i32>} : memref<160x128xi32, #tpu.memory_space<vmem>>, vector<16xi32>,
      %get3A_208 = arith.index_cast %scan3A_205 : i32 to index
      %get3A_209 = arith.constant 0 : index
      %get3A_210 = tpu.vector_load %arg9[%get3A_208, %get3A_209] {strides = array<i32>} : memref<160x128xf32, #tpu.memory_space<vmem>>, vector<16xf32>,
      %shift_right_logical3A = arith.constant 6 : i32
      %shift_right_logical3A_211 = vector.broadcast %shift_right_logical3A : i32 to vector<16xi32>
      %shift_right_logical3A_212 = arith.shrui %get3A_207, %shift_right_logical3A_211 : vector<16xi32>
      %and3A = arith.constant 63 : i32
      %and3A_213 = vector.broadcast %and3A : i32 to vector<16xi32>
      %and3A_214 = arith.andi %get3A_207, %and3A_213 : vector<16xi32>
      tpu.vector_store_idx %arg10[%shift_right_logical3A_212, %and3A_214], %get3A_210 {add = true} : memref<160x64xf32, #tpu.memory_space<vmem>>[vector<16xi32>, vector<16xi32>], vector<16xf32>,
      %get3A_215 = arith.index_cast %scan3A_205 : i32 to index
      %get3A_216 = arith.constant 16 : index
      %get3A_217 = tpu.vector_load %arg8[%get3A_215, %get3A_216] {strides = array<i32>} : memref<160x128xi32, #tpu.memory_space<vmem>>, vector<16xi32>,
      %get3A_218 = arith.index_cast %scan3A_205 : i32 to index
      %get3A_219 = arith.constant 16 : index
      %get3A_220 = tpu.vector_load %arg9[%get3A_218, %get3A_219] {strides = array<i32>} : memref<160x128xf32, #tpu.memory_space<vmem>>, vector<16xf32>,
      %shift_right_logical3A_221 = arith.constant 6 : i32
      %shift_right_logical3A_222 = vector.broadcast %shift_right_logical3A_221 : i32 to vector<16xi32>
      %shift_right_logical3A_223 = arith.shrui %get3A_217, %shift_right_logical3A_222 : vector<16xi32>
      %and3A_224 = arith.constant 63 : i32
      %and3A_225 = vector.broadcast %and3A_224 : i32 to vector<16xi32>
      %and3A_226 = arith.andi %get3A_217, %and3A_225 : vector<16xi32>
      tpu.vector_store_idx %arg10[%shift_right_logical3A_223, %and3A_226], %get3A_220 {add = true} : memref<160x64xf32, #tpu.memory_space<vmem>>[vector<16xi32>, vector<16xi32>], vector<16xf32>,
      %get3A_227 = arith.index_cast %scan3A_205 : i32 to index
      %get3A_228 = arith.constant 32 : index
      %get3A_229 = tpu.vector_load %arg8[%get3A_227, %get3A_228] {strides = array<i32>} : memref<160x128xi32, #tpu.memory_space<vmem>>, vector<16xi32>,
      %get3A_230 = arith.index_cast %scan3A_205 : i32 to index
      %get3A_231 = arith.constant 32 : index
      %get3A_232 = tpu.vector_load %arg9[%get3A_230, %get3A_231] {strides = array<i32>} : memref<160x128xf32, #tpu.memory_space<vmem>>, vector<16xf32>,
      %shift_right_logical3A_233 = arith.constant 6 : i32
      %shift_right_logical3A_234 = vector.broadcast %shift_right_logical3A_233 : i32 to vector<16xi32>
      %shift_right_logical3A_235 = arith.shrui %get3A_229, %shift_right_logical3A_234 : vector<16xi32>
      %and3A_236 = arith.constant 63 : i32
      %and3A_237 = vector.broadcast %and3A_236 : i32 to vector<16xi32>
      %and3A_238 = arith.andi %get3A_229, %and3A_237 : vector<16xi32>
      tpu.vector_store_idx %arg10[%shift_right_logical3A_235, %and3A_238], %get3A_232 {add = true} : memref<160x64xf32, #tpu.memory_space<vmem>>[vector<16xi32>, vector<16xi32>], vector<16xf32>,
      %get3A_239 = arith.index_cast %scan3A_205 : i32 to index
      %get3A_240 = arith.constant 48 : index
      %get3A_241 = tpu.vector_load %arg8[%get3A_239, %get3A_240] {strides = array<i32>} : memref<160x128xi32, #tpu.memory_space<vmem>>, vector<16xi32>,
      %get3A_242 = arith.index_cast %scan3A_205 : i32 to index
      %get3A_243 = arith.constant 48 : index
      %get3A_244 = tpu.vector_load %arg9[%get3A_242, %get3A_243] {strides = array<i32>} : memref<160x128xf32, #tpu.memory_space<vmem>>, vector<16xf32>,
      %shift_right_logical3A_245 = arith.constant 6 : i32
      %shift_right_logical3A_246 = vector.broadcast %shift_right_logical3A_245 : i32 to vector<16xi32>
      %shift_right_logical3A_247 = arith.shrui %get3A_241, %shift_right_logical3A_246 : vector<16xi32>
      %and3A_248 = arith.constant 63 : i32
      %and3A_249 = vector.broadcast %and3A_248 : i32 to vector<16xi32>
      %and3A_250 = arith.andi %get3A_241, %and3A_249 : vector<16xi32>
      tpu.vector_store_idx %arg10[%shift_right_logical3A_247, %and3A_250], %get3A_244 {add = true} : memref<160x64xf32, #tpu.memory_space<vmem>>[vector<16xi32>, vector<16xi32>], vector<16xf32>,
      %get3A_251 = arith.index_cast %scan3A_205 : i32 to index
      %get3A_252 = arith.constant 64 : index
      %get3A_253 = tpu.vector_load %arg8[%get3A_251, %get3A_252] {strides = array<i32>} : memref<160x128xi32, #tpu.memory_space<vmem>>, vector<16xi32>,
      %get3A_254 = arith.index_cast %scan3A_205 : i32 to index
      %get3A_255 = arith.constant 64 : index
      %get3A_256 = tpu.vector_load %arg9[%get3A_254, %get3A_255] {strides = array<i32>} : memref<160x128xf32, #tpu.memory_space<vmem>>, vector<16xf32>,
      %shift_right_logical3A_257 = arith.constant 6 : i32
      %shift_right_logical3A_258 = vector.broadcast %shift_right_logical3A_257 : i32 to vector<16xi32>
      %shift_right_logical3A_259 = arith.shrui %get3A_253, %shift_right_logical3A_258 : vector<16xi32>
      %and3A_260 = arith.constant 63 : i32
      %and3A_261 = vector.broadcast %and3A_260 : i32 to vector<16xi32>
      %and3A_262 = arith.andi %get3A_253, %and3A_261 : vector<16xi32>
      tpu.vector_store_idx %arg10[%shift_right_logical3A_259, %and3A_262], %get3A_256 {add = true} : memref<160x64xf32, #tpu.memory_space<vmem>>[vector<16xi32>, vector<16xi32>], vector<16xf32>,
      %get3A_263 = arith.index_cast %scan3A_205 : i32 to index
      %get3A_264 = arith.constant 80 : index
      %get3A_265 = tpu.vector_load %arg8[%get3A_263, %get3A_264] {strides = array<i32>} : memref<160x128xi32, #tpu.memory_space<vmem>>, vector<16xi32>,
      %get3A_266 = arith.index_cast %scan3A_205 : i32 to index
      %get3A_267 = arith.constant 80 : index
      %get3A_268 = tpu.vector_load %arg9[%get3A_266, %get3A_267] {strides = array<i32>} : memref<160x128xf32, #tpu.memory_space<vmem>>, vector<16xf32>,
      %shift_right_logical3A_269 = arith.constant 6 : i32
      %shift_right_logical3A_270 = vector.broadcast %shift_right_logical3A_269 : i32 to vector<16xi32>
      %shift_right_logical3A_271 = arith.shrui %get3A_265, %shift_right_logical3A_270 : vector<16xi32>
      %and3A_272 = arith.constant 63 : i32
      %and3A_273 = vector.broadcast %and3A_272 : i32 to vector<16xi32>
      %and3A_274 = arith.andi %get3A_265, %and3A_273 : vector<16xi32>
      tpu.vector_store_idx %arg10[%shift_right_logical3A_271, %and3A_274], %get3A_268 {add = true} : memref<160x64xf32, #tpu.memory_space<vmem>>[vector<16xi32>, vector<16xi32>], vector<16xf32>,
      %get3A_275 = arith.index_cast %scan3A_205 : i32 to index
      %get3A_276 = arith.constant 96 : index
      %get3A_277 = tpu.vector_load %arg8[%get3A_275, %get3A_276] {strides = array<i32>} : memref<160x128xi32, #tpu.memory_space<vmem>>, vector<16xi32>,
      %get3A_278 = arith.index_cast %scan3A_205 : i32 to index
      %get3A_279 = arith.constant 96 : index
      %get3A_280 = tpu.vector_load %arg9[%get3A_278, %get3A_279] {strides = array<i32>} : memref<160x128xf32, #tpu.memory_space<vmem>>, vector<16xf32>,
      %shift_right_logical3A_281 = arith.constant 6 : i32
      %shift_right_logical3A_282 = vector.broadcast %shift_right_logical3A_281 : i32 to vector<16xi32>
      %shift_right_logical3A_283 = arith.shrui %get3A_277, %shift_right_logical3A_282 : vector<16xi32>
      %and3A_284 = arith.constant 63 : i32
      %and3A_285 = vector.broadcast %and3A_284 : i32 to vector<16xi32>
      %and3A_286 = arith.andi %get3A_277, %and3A_285 : vector<16xi32>
      tpu.vector_store_idx %arg10[%shift_right_logical3A_283, %and3A_286], %get3A_280 {add = true} : memref<160x64xf32, #tpu.memory_space<vmem>>[vector<16xi32>, vector<16xi32>], vector<16xf32>,
      %get3A_287 = arith.index_cast %scan3A_205 : i32 to index
      %get3A_288 = arith.constant 112 : index
      %get3A_289 = tpu.vector_load %arg8[%get3A_287, %get3A_288] {strides = array<i32>} : memref<160x128xi32, #tpu.memory_space<vmem>>, vector<16xi32>,
      %get3A_290 = arith.index_cast %scan3A_205 : i32 to index
      %get3A_291 = arith.constant 112 : index
      %get3A_292 = tpu.vector_load %arg9[%get3A_290, %get3A_291] {strides = array<i32>} : memref<160x128xf32, #tpu.memory_space<vmem>>, vector<16xf32>,
      %shift_right_logical3A_293 = arith.constant 6 : i32
      %shift_right_logical3A_294 = vector.broadcast %shift_right_logical3A_293 : i32 to vector<16xi32>
      %shift_right_logical3A_295 = arith.shrui %get3A_289, %shift_right_logical3A_294 : vector<16xi32>
      %and3A_296 = arith.constant 63 : i32
      %and3A_297 = vector.broadcast %and3A_296 : i32 to vector<16xi32>
      %and3A_298 = arith.andi %get3A_289, %and3A_297 : vector<16xi32>
      tpu.vector_store_idx %arg10[%shift_right_logical3A_295, %and3A_298], %get3A_292 {add = true} : memref<160x64xf32, #tpu.memory_space<vmem>>[vector<16xi32>, vector<16xi32>], vector<16xf32>,
    }
    %scan3A_96 = arith.constant 160 : i32
    %run_scoped3A = arith.constant 0 : i32
    "tpu.region"() ({
      %run_scoped3A_205 = tpu.sem_alloc : memref<!tpu.dma_semaphore, #tpu.memory_space<semaphore_mem>>
      %dma_start3A_206 = arith.constant 0 : i32
      %dma_start3A_207 = arith.constant 0 : i32
      %dma_start3A_208 = tpu.memref_slice %arg10[%dma_start3A_206, %dma_start3A_207] : memref<160x64xf32, #tpu.memory_space<vmem>> -> memref<80x64xf32, #tpu.memory_space<vmem>>
      %dma_start3A_209 = arith.constant 0 : i32
      %dma_start3A_210 = tpu.memref_slice %arg14[%run_scoped3A, %dma_start3A_209] : memref<2x80xi32, #tpu.memory_space<vmem>> -> memref<1x80xi32, #tpu.memory_space<vmem>>
      %dma_start3A_211 = tpu.memref_squeeze %dma_start3A_210 : memref<1x80xi32, #tpu.memory_space<vmem>> -> memref<80xi32, #tpu.memory_space<vmem>>
      %dma_start3A_212 = arith.constant 0 : i32
      %dma_start3A_213 = arith.constant 0 : i32
      %dma_start3A_214 = tpu.memref_slice %arg15[%dma_start3A_212, %dma_start3A_213] : memref<10112x64xf32, #tpu.memory_space<vmem_shared>> -> memref<10112x64xf32, #tpu.memory_space<vmem_shared>>
      tpu.enqueue_indirect_dma source(%dma_start3A_208 : memref<80x64xf32, #tpu.memory_space<vmem>>) target(%dma_start3A_214 : memref<10112x64xf32, #tpu.memory_space<vmem_shared>>) offsets(%dma_start3A_211 : memref<80xi32, #tpu.memory_space<vmem>>) semaphore(%run_scoped3A_205 : memref<!tpu.dma_semaphore, #tpu.memory_space<semaphore_mem>>) {add = true}
      %dma_wait3A_215 = arith.constant 0 : i32
      %dma_wait3A_216 = arith.constant 0 : i32
      %dma_wait3A_217 = tpu.memref_slice %arg10[%dma_wait3A_215, %dma_wait3A_216] : memref<160x64xf32, #tpu.memory_space<vmem>> -> memref<80x64xf32, #tpu.memory_space<vmem>>
      %dma_wait3A_218 = arith.constant 0 : i32
      %dma_wait3A_219 = tpu.memref_slice %arg14[%run_scoped3A, %dma_wait3A_218] : memref<2x80xi32, #tpu.memory_space<vmem>> -> memref<1x80xi32, #tpu.memory_space<vmem>>
      %dma_wait3A_220 = tpu.memref_squeeze %dma_wait3A_219 : memref<1x80xi32, #tpu.memory_space<vmem>> -> memref<80xi32, #tpu.memory_space<vmem>>
      %dma_wait3A_221 = arith.constant 0 : i32
      %dma_wait3A_222 = arith.constant 0 : i32
      %dma_wait3A_223 = tpu.memref_slice %arg15[%dma_wait3A_221, %dma_wait3A_222] : memref<10112x64xf32, #tpu.memory_space<vmem_shared>> -> memref<10112x64xf32, #tpu.memory_space<vmem_shared>>
      tpu.wait_indirect_dma semaphore(%run_scoped3A_205 : memref<!tpu.dma_semaphore, #tpu.memory_space<semaphore_mem>>) src(%dma_wait3A_217 : memref<80x64xf32, #tpu.memory_space<vmem>>) dst(%dma_wait3A_223 : memref<10112x64xf32, #tpu.memory_space<vmem_shared>>)
      tpu.yield
    }) : () -> ()
    %run_scoped3A_97 = arith.constant 1 : i32
    "tpu.region"() ({
      %run_scoped3A_205 = tpu.sem_alloc : memref<!tpu.dma_semaphore, #tpu.memory_space<semaphore_mem>>
      %dma_start3A_206 = arith.constant 80 : i32
      %dma_start3A_207 = arith.constant 0 : i32
      %dma_start3A_208 = tpu.memref_slice %arg10[%dma_start3A_206, %dma_start3A_207] : memref<160x64xf32, #tpu.memory_space<vmem>> -> memref<80x64xf32, #tpu.memory_space<vmem>>
      %dma_start3A_209 = arith.constant 0 : i32
      %dma_start3A_210 = tpu.memref_slice %arg14[%run_scoped3A_97, %dma_start3A_209] : memref<2x80xi32, #tpu.memory_space<vmem>> -> memref<1x80xi32, #tpu.memory_space<vmem>>
      %dma_start3A_211 = tpu.memref_squeeze %dma_start3A_210 : memref<1x80xi32, #tpu.memory_space<vmem>> -> memref<80xi32, #tpu.memory_space<vmem>>
      %dma_start3A_212 = arith.constant 0 : i32
      %dma_start3A_213 = arith.constant 0 : i32
      %dma_start3A_214 = tpu.memref_slice %arg15[%dma_start3A_212, %dma_start3A_213] : memref<10112x64xf32, #tpu.memory_space<vmem_shared>> -> memref<10112x64xf32, #tpu.memory_space<vmem_shared>>
      tpu.enqueue_indirect_dma source(%dma_start3A_208 : memref<80x64xf32, #tpu.memory_space<vmem>>) target(%dma_start3A_214 : memref<10112x64xf32, #tpu.memory_space<vmem_shared>>) offsets(%dma_start3A_211 : memref<80xi32, #tpu.memory_space<vmem>>) semaphore(%run_scoped3A_205 : memref<!tpu.dma_semaphore, #tpu.memory_space<semaphore_mem>>) {add = true}
      %dma_wait3A_215 = arith.constant 80 : i32
      %dma_wait3A_216 = arith.constant 0 : i32
      %dma_wait3A_217 = tpu.memref_slice %arg10[%dma_wait3A_215, %dma_wait3A_216] : memref<160x64xf32, #tpu.memory_space<vmem>> -> memref<80x64xf32, #tpu.memory_space<vmem>>
      %dma_wait3A_218 = arith.constant 0 : i32
      %dma_wait3A_219 = tpu.memref_slice %arg14[%run_scoped3A_97, %dma_wait3A_218] : memref<2x80xi32, #tpu.memory_space<vmem>> -> memref<1x80xi32, #tpu.memory_space<vmem>>
      %dma_wait3A_220 = tpu.memref_squeeze %dma_wait3A_219 : memref<1x80xi32, #tpu.memory_space<vmem>> -> memref<80xi32, #tpu.memory_space<vmem>>
      %dma_wait3A_221 = arith.constant 0 : i32
      %dma_wait3A_222 = arith.constant 0 : i32
      %dma_wait3A_223 = tpu.memref_slice %arg15[%dma_wait3A_221, %dma_wait3A_222] : memref<10112x64xf32, #tpu.memory_space<vmem_shared>> -> memref<10112x64xf32, #tpu.memory_space<vmem_shared>>
      tpu.wait_indirect_dma semaphore(%run_scoped3A_205 : memref<!tpu.dma_semaphore, #tpu.memory_space<semaphore_mem>>) src(%dma_wait3A_217 : memref<80x64xf32, #tpu.memory_space<vmem>>) dst(%dma_wait3A_223 : memref<10112x64xf32, #tpu.memory_space<vmem_shared>>)
      tpu.yield
    }) : () -> ()
    %barrier3A_98 = arith.constant 0 : index
    tpu.barrier barrier_id(%barrier3A_98)
    %mul3A_99 = arith.constant 10 : i32
    %mul3A_100 = arith.muli %arg1, %mul3A_99 : i32
    "tpu.region"() ({
      %run_scoped3A_205 = tpu.sem_alloc : memref<!tpu.dma_semaphore, #tpu.memory_space<semaphore_mem>>
      %dma_start3A_206 = arith.constant 0 : i32
      %dma_start3A_207 = tpu.memref_slice %arg15[%mul3A_100, %dma_start3A_206] : memref<10112x64xf32, #tpu.memory_space<vmem_shared>> -> memref<10x64xf32, #tpu.memory_space<vmem_shared>>
      %dma_start3A_208 = arith.constant 0 : i32
      %dma_start3A_209 = tpu.memref_slice %arg15[%mul3A_100, %dma_start3A_208] : memref<10112x64xf32, #tpu.memory_space<vmem_shared>> -> memref<10x64xf32, #tpu.memory_space<vmem_shared>>
      tpu.enqueue_dma source(%dma_start3A_209 : memref<10x64xf32, #tpu.memory_space<vmem_shared>>) target(%arg11 : memref<10x64xf32, #tpu.memory_space<vmem>>) target_semaphore(%run_scoped3A_205 : memref<!tpu.dma_semaphore, #tpu.memory_space<semaphore_mem>>)
      %dma_wait3A_210 = arith.constant 0 : i32
      %dma_wait3A_211 = tpu.memref_slice %arg15[%mul3A_100, %dma_wait3A_210] : memref<10112x64xf32, #tpu.memory_space<vmem_shared>> -> memref<10x64xf32, #tpu.memory_space<vmem_shared>>
      %dma_wait3A_212 = arith.constant 0 : i32
      %dma_wait3A_213 = tpu.memref_slice %arg15[%mul3A_100, %dma_wait3A_212] : memref<10112x64xf32, #tpu.memory_space<vmem_shared>> -> memref<10x64xf32, #tpu.memory_space<vmem_shared>>
      tpu.wait_dma2 semaphore(%run_scoped3A_205 : memref<!tpu.dma_semaphore, #tpu.memory_space<semaphore_mem>>) src(%dma_wait3A_213 : memref<10x64xf32, #tpu.memory_space<vmem_shared>>) dst(%arg11 : memref<10x64xf32, #tpu.memory_space<vmem>>)
      tpu.yield
    }) : () -> ()
    %scan3A_101 = arith.constant 0 : i32
    %scan3A_102 = arith.constant 10 : i32
    %scan3A_103 = arith.addi %scan3A_101, %scan3A_102 : i32
    %scan3A_104 = arith.constant 1 : i32
    scf.for %scan3A_205 = %scan3A_101 to %scan3A_103 step %scan3A_104  : i32 {
      %get3A = arith.index_cast %scan3A_205 : i32 to index
      %get3A_206 = arith.constant 0 : index
      %get3A_207 = tpu.vector_load %arg11[%get3A, %get3A_206] {strides = array<i32>} : memref<10x64xf32, #tpu.memory_space<vmem>>, vector<16xf32>,
      %add3A_208 = arith.constant 1.000000e+00 : f32
      %add3A_209 = vector.broadcast %add3A_208 : f32 to vector<16xf32>
      %add3A_210 = arith.addf %get3A_207, %add3A_209 : vector<16xf32>
      %bitcast3A = vector.bitcast %add3A_210 : vector<16xf32> to vector<16xi32>
      %shift_right_logical3A = arith.constant 1 : i32
      %shift_right_logical3A_211 = vector.broadcast %shift_right_logical3A : i32 to vector<16xi32>
      %shift_right_logical3A_212 = arith.shrui %bitcast3A, %shift_right_logical3A_211 : vector<16xi32>
      %sub3A = arith.constant 1597463007 : i32
      %sub3A_213 = vector.broadcast %sub3A : i32 to vector<16xi32>
      %sub3A_214 = arith.subi %sub3A_213, %shift_right_logical3A_212 : vector<16xi32>
      %bitcast3A_215 = vector.bitcast %sub3A_214 : vector<16xi32> to vector<16xf32>
      %mul3A_216 = arith.constant 5.000000e-01 : f32
      %mul3A_217 = vector.broadcast %mul3A_216 : f32 to vector<16xf32>
      %mul3A_218 = arith.mulf %mul3A_217, %add3A_210 : vector<16xf32>
      %mul3A_219 = arith.mulf %mul3A_218, %bitcast3A_215 : vector<16xf32>
      %mul3A_220 = arith.mulf %mul3A_219, %bitcast3A_215 : vector<16xf32>
      %sub3A_221 = arith.constant 1.500000e+00 : f32
      %sub3A_222 = vector.broadcast %sub3A_221 : f32 to vector<16xf32>
      %sub3A_223 = arith.subf %sub3A_222, %mul3A_220 : vector<16xf32>
      %mul3A_224 = arith.mulf %bitcast3A_215, %sub3A_223 : vector<16xf32>
      %mul3A_225 = arith.constant 5.000000e-01 : f32
      %mul3A_226 = vector.broadcast %mul3A_225 : f32 to vector<16xf32>
      %mul3A_227 = arith.mulf %mul3A_226, %add3A_210 : vector<16xf32>
      %mul3A_228 = arith.mulf %mul3A_227, %mul3A_224 : vector<16xf32>
      %mul3A_229 = arith.mulf %mul3A_228, %mul3A_224 : vector<16xf32>
      %sub3A_230 = arith.constant 1.500000e+00 : f32
      %sub3A_231 = vector.broadcast %sub3A_230 : f32 to vector<16xf32>
      %sub3A_232 = arith.subf %sub3A_231, %mul3A_229 : vector<16xf32>
      %mul3A_233 = arith.mulf %mul3A_224, %sub3A_232 : vector<16xf32>
      %mul3A_234 = arith.constant 5.000000e-01 : f32
      %mul3A_235 = vector.broadcast %mul3A_234 : f32 to vector<16xf32>
      %mul3A_236 = arith.mulf %mul3A_235, %add3A_210 : vector<16xf32>
      %mul3A_237 = arith.mulf %mul3A_236, %mul3A_233 : vector<16xf32>
      %mul3A_238 = arith.mulf %mul3A_237, %mul3A_233 : vector<16xf32>
      %sub3A_239 = arith.constant 1.500000e+00 : f32
      %sub3A_240 = vector.broadcast %sub3A_239 : f32 to vector<16xf32>
      %sub3A_241 = arith.subf %sub3A_240, %mul3A_238 : vector<16xf32>
      %mul3A_242 = arith.mulf %mul3A_233, %sub3A_241 : vector<16xf32>
      %swap3A_243 = arith.index_cast %scan3A_205 : i32 to index
      %swap3A_244 = arith.constant 0 : index
      %swap3A_245 = tpu.vector_load %arg11[%swap3A_243, %swap3A_244] {strides = array<i32>} : memref<10x64xf32, #tpu.memory_space<vmem>>, vector<16xf32>,
      tpu.vector_store %arg11[%swap3A_243, %swap3A_244], %mul3A_242 {strides = array<i32>} : memref<10x64xf32, #tpu.memory_space<vmem>>, vector<16xf32>,
      %get3A_246 = arith.index_cast %scan3A_205 : i32 to index
      %get3A_247 = arith.constant 16 : index
      %get3A_248 = tpu.vector_load %arg11[%get3A_246, %get3A_247] {strides = array<i32>} : memref<10x64xf32, #tpu.memory_space<vmem>>, vector<16xf32>,
      %add3A_249 = arith.constant 1.000000e+00 : f32
      %add3A_250 = vector.broadcast %add3A_249 : f32 to vector<16xf32>
      %add3A_251 = arith.addf %get3A_248, %add3A_250 : vector<16xf32>
      %bitcast3A_252 = vector.bitcast %add3A_251 : vector<16xf32> to vector<16xi32>
      %shift_right_logical3A_253 = arith.constant 1 : i32
      %shift_right_logical3A_254 = vector.broadcast %shift_right_logical3A_253 : i32 to vector<16xi32>
      %shift_right_logical3A_255 = arith.shrui %bitcast3A_252, %shift_right_logical3A_254 : vector<16xi32>
      %sub3A_256 = arith.constant 1597463007 : i32
      %sub3A_257 = vector.broadcast %sub3A_256 : i32 to vector<16xi32>
      %sub3A_258 = arith.subi %sub3A_257, %shift_right_logical3A_255 : vector<16xi32>
      %bitcast3A_259 = vector.bitcast %sub3A_258 : vector<16xi32> to vector<16xf32>
      %mul3A_260 = arith.constant 5.000000e-01 : f32
      %mul3A_261 = vector.broadcast %mul3A_260 : f32 to vector<16xf32>
      %mul3A_262 = arith.mulf %mul3A_261, %add3A_251 : vector<16xf32>
      %mul3A_263 = arith.mulf %mul3A_262, %bitcast3A_259 : vector<16xf32>
      %mul3A_264 = arith.mulf %mul3A_263, %bitcast3A_259 : vector<16xf32>
      %sub3A_265 = arith.constant 1.500000e+00 : f32
      %sub3A_266 = vector.broadcast %sub3A_265 : f32 to vector<16xf32>
      %sub3A_267 = arith.subf %sub3A_266, %mul3A_264 : vector<16xf32>
      %mul3A_268 = arith.mulf %bitcast3A_259, %sub3A_267 : vector<16xf32>
      %mul3A_269 = arith.constant 5.000000e-01 : f32
      %mul3A_270 = vector.broadcast %mul3A_269 : f32 to vector<16xf32>
      %mul3A_271 = arith.mulf %mul3A_270, %add3A_251 : vector<16xf32>
      %mul3A_272 = arith.mulf %mul3A_271, %mul3A_268 : vector<16xf32>
      %mul3A_273 = arith.mulf %mul3A_272, %mul3A_268 : vector<16xf32>
      %sub3A_274 = arith.constant 1.500000e+00 : f32
      %sub3A_275 = vector.broadcast %sub3A_274 : f32 to vector<16xf32>
      %sub3A_276 = arith.subf %sub3A_275, %mul3A_273 : vector<16xf32>
      %mul3A_277 = arith.mulf %mul3A_268, %sub3A_276 : vector<16xf32>
      %mul3A_278 = arith.constant 5.000000e-01 : f32
      %mul3A_279 = vector.broadcast %mul3A_278 : f32 to vector<16xf32>
      %mul3A_280 = arith.mulf %mul3A_279, %add3A_251 : vector<16xf32>
      %mul3A_281 = arith.mulf %mul3A_280, %mul3A_277 : vector<16xf32>
      %mul3A_282 = arith.mulf %mul3A_281, %mul3A_277 : vector<16xf32>
      %sub3A_283 = arith.constant 1.500000e+00 : f32
      %sub3A_284 = vector.broadcast %sub3A_283 : f32 to vector<16xf32>
      %sub3A_285 = arith.subf %sub3A_284, %mul3A_282 : vector<16xf32>
      %mul3A_286 = arith.mulf %mul3A_277, %sub3A_285 : vector<16xf32>
      %swap3A_287 = arith.index_cast %scan3A_205 : i32 to index
      %swap3A_288 = arith.constant 16 : index
      %swap3A_289 = tpu.vector_load %arg11[%swap3A_287, %swap3A_288] {strides = array<i32>} : memref<10x64xf32, #tpu.memory_space<vmem>>, vector<16xf32>,
      tpu.vector_store %arg11[%swap3A_287, %swap3A_288], %mul3A_286 {strides = array<i32>} : memref<10x64xf32, #tpu.memory_space<vmem>>, vector<16xf32>,
      %get3A_290 = arith.index_cast %scan3A_205 : i32 to index
      %get3A_291 = arith.constant 32 : index
      %get3A_292 = tpu.vector_load %arg11[%get3A_290, %get3A_291] {strides = array<i32>} : memref<10x64xf32, #tpu.memory_space<vmem>>, vector<16xf32>,
      %add3A_293 = arith.constant 1.000000e+00 : f32
      %add3A_294 = vector.broadcast %add3A_293 : f32 to vector<16xf32>
      %add3A_295 = arith.addf %get3A_292, %add3A_294 : vector<16xf32>
      %bitcast3A_296 = vector.bitcast %add3A_295 : vector<16xf32> to vector<16xi32>
      %shift_right_logical3A_297 = arith.constant 1 : i32
      %shift_right_logical3A_298 = vector.broadcast %shift_right_logical3A_297 : i32 to vector<16xi32>
      %shift_right_logical3A_299 = arith.shrui %bitcast3A_296, %shift_right_logical3A_298 : vector<16xi32>
      %sub3A_300 = arith.constant 1597463007 : i32
      %sub3A_301 = vector.broadcast %sub3A_300 : i32 to vector<16xi32>
      %sub3A_302 = arith.subi %sub3A_301, %shift_right_logical3A_299 : vector<16xi32>
      %bitcast3A_303 = vector.bitcast %sub3A_302 : vector<16xi32> to vector<16xf32>
      %mul3A_304 = arith.constant 5.000000e-01 : f32
      %mul3A_305 = vector.broadcast %mul3A_304 : f32 to vector<16xf32>
      %mul3A_306 = arith.mulf %mul3A_305, %add3A_295 : vector<16xf32>
      %mul3A_307 = arith.mulf %mul3A_306, %bitcast3A_303 : vector<16xf32>
      %mul3A_308 = arith.mulf %mul3A_307, %bitcast3A_303 : vector<16xf32>
      %sub3A_309 = arith.constant 1.500000e+00 : f32
      %sub3A_310 = vector.broadcast %sub3A_309 : f32 to vector<16xf32>
      %sub3A_311 = arith.subf %sub3A_310, %mul3A_308 : vector<16xf32>
      %mul3A_312 = arith.mulf %bitcast3A_303, %sub3A_311 : vector<16xf32>
      %mul3A_313 = arith.constant 5.000000e-01 : f32
      %mul3A_314 = vector.broadcast %mul3A_313 : f32 to vector<16xf32>
      %mul3A_315 = arith.mulf %mul3A_314, %add3A_295 : vector<16xf32>
      %mul3A_316 = arith.mulf %mul3A_315, %mul3A_312 : vector<16xf32>
      %mul3A_317 = arith.mulf %mul3A_316, %mul3A_312 : vector<16xf32>
      %sub3A_318 = arith.constant 1.500000e+00 : f32
      %sub3A_319 = vector.broadcast %sub3A_318 : f32 to vector<16xf32>
      %sub3A_320 = arith.subf %sub3A_319, %mul3A_317 : vector<16xf32>
      %mul3A_321 = arith.mulf %mul3A_312, %sub3A_320 : vector<16xf32>
      %mul3A_322 = arith.constant 5.000000e-01 : f32
      %mul3A_323 = vector.broadcast %mul3A_322 : f32 to vector<16xf32>
      %mul3A_324 = arith.mulf %mul3A_323, %add3A_295 : vector<16xf32>
      %mul3A_325 = arith.mulf %mul3A_324, %mul3A_321 : vector<16xf32>
      %mul3A_326 = arith.mulf %mul3A_325, %mul3A_321 : vector<16xf32>
      %sub3A_327 = arith.constant 1.500000e+00 : f32
      %sub3A_328 = vector.broadcast %sub3A_327 : f32 to vector<16xf32>
      %sub3A_329 = arith.subf %sub3A_328, %mul3A_326 : vector<16xf32>
      %mul3A_330 = arith.mulf %mul3A_321, %sub3A_329 : vector<16xf32>
      %swap3A_331 = arith.index_cast %scan3A_205 : i32 to index
      %swap3A_332 = arith.constant 32 : index
      %swap3A_333 = tpu.vector_load %arg11[%swap3A_331, %swap3A_332] {strides = array<i32>} : memref<10x64xf32, #tpu.memory_space<vmem>>, vector<16xf32>,
      tpu.vector_store %arg11[%swap3A_331, %swap3A_332], %mul3A_330 {strides = array<i32>} : memref<10x64xf32, #tpu.memory_space<vmem>>, vector<16xf32>,
      %get3A_334 = arith.index_cast %scan3A_205 : i32 to index
      %get3A_335 = arith.constant 48 : index
      %get3A_336 = tpu.vector_load %arg11[%get3A_334, %get3A_335] {strides = array<i32>} : memref<10x64xf32, #tpu.memory_space<vmem>>, vector<16xf32>,
      %add3A_337 = arith.constant 1.000000e+00 : f32
      %add3A_338 = vector.broadcast %add3A_337 : f32 to vector<16xf32>
      %add3A_339 = arith.addf %get3A_336, %add3A_338 : vector<16xf32>
      %bitcast3A_340 = vector.bitcast %add3A_339 : vector<16xf32> to vector<16xi32>
      %shift_right_logical3A_341 = arith.constant 1 : i32
      %shift_right_logical3A_342 = vector.broadcast %shift_right_logical3A_341 : i32 to vector<16xi32>
      %shift_right_logical3A_343 = arith.shrui %bitcast3A_340, %shift_right_logical3A_342 : vector<16xi32>
      %sub3A_344 = arith.constant 1597463007 : i32
      %sub3A_345 = vector.broadcast %sub3A_344 : i32 to vector<16xi32>
      %sub3A_346 = arith.subi %sub3A_345, %shift_right_logical3A_343 : vector<16xi32>
      %bitcast3A_347 = vector.bitcast %sub3A_346 : vector<16xi32> to vector<16xf32>
      %mul3A_348 = arith.constant 5.000000e-01 : f32
      %mul3A_349 = vector.broadcast %mul3A_348 : f32 to vector<16xf32>
      %mul3A_350 = arith.mulf %mul3A_349, %add3A_339 : vector<16xf32>
      %mul3A_351 = arith.mulf %mul3A_350, %bitcast3A_347 : vector<16xf32>
      %mul3A_352 = arith.mulf %mul3A_351, %bitcast3A_347 : vector<16xf32>
      %sub3A_353 = arith.constant 1.500000e+00 : f32
      %sub3A_354 = vector.broadcast %sub3A_353 : f32 to vector<16xf32>
      %sub3A_355 = arith.subf %sub3A_354, %mul3A_352 : vector<16xf32>
      %mul3A_356 = arith.mulf %bitcast3A_347, %sub3A_355 : vector<16xf32>
      %mul3A_357 = arith.constant 5.000000e-01 : f32
      %mul3A_358 = vector.broadcast %mul3A_357 : f32 to vector<16xf32>
      %mul3A_359 = arith.mulf %mul3A_358, %add3A_339 : vector<16xf32>
      %mul3A_360 = arith.mulf %mul3A_359, %mul3A_356 : vector<16xf32>
      %mul3A_361 = arith.mulf %mul3A_360, %mul3A_356 : vector<16xf32>
      %sub3A_362 = arith.constant 1.500000e+00 : f32
      %sub3A_363 = vector.broadcast %sub3A_362 : f32 to vector<16xf32>
      %sub3A_364 = arith.subf %sub3A_363, %mul3A_361 : vector<16xf32>
      %mul3A_365 = arith.mulf %mul3A_356, %sub3A_364 : vector<16xf32>
      %mul3A_366 = arith.constant 5.000000e-01 : f32
      %mul3A_367 = vector.broadcast %mul3A_366 : f32 to vector<16xf32>
      %mul3A_368 = arith.mulf %mul3A_367, %add3A_339 : vector<16xf32>
      %mul3A_369 = arith.mulf %mul3A_368, %mul3A_365 : vector<16xf32>
      %mul3A_370 = arith.mulf %mul3A_369, %mul3A_365 : vector<16xf32>
      %sub3A_371 = arith.constant 1.500000e+00 : f32
      %sub3A_372 = vector.broadcast %sub3A_371 : f32 to vector<16xf32>
      %sub3A_373 = arith.subf %sub3A_372, %mul3A_370 : vector<16xf32>
      %mul3A_374 = arith.mulf %mul3A_365, %sub3A_373 : vector<16xf32>
      %swap3A_375 = arith.index_cast %scan3A_205 : i32 to index
      %swap3A_376 = arith.constant 48 : index
      %swap3A_377 = tpu.vector_load %arg11[%swap3A_375, %swap3A_376] {strides = array<i32>} : memref<10x64xf32, #tpu.memory_space<vmem>>, vector<16xf32>,
      tpu.vector_store %arg11[%swap3A_375, %swap3A_376], %mul3A_374 {strides = array<i32>} : memref<10x64xf32, #tpu.memory_space<vmem>>, vector<16xf32>,
    }
    %scan3A_105 = arith.constant 10 : i32
    %mul3A_106 = arith.constant 10 : i32
    %mul3A_107 = arith.muli %arg1, %mul3A_106 : i32
    "tpu.region"() ({
      %run_scoped3A_205 = tpu.sem_alloc : memref<!tpu.dma_semaphore, #tpu.memory_space<semaphore_mem>>
      %dma_start3A_206 = arith.constant 0 : i32
      %dma_start3A_207 = tpu.memref_slice %arg15[%mul3A_107, %dma_start3A_206] : memref<10112x64xf32, #tpu.memory_space<vmem_shared>> -> memref<10x64xf32, #tpu.memory_space<vmem_shared>>
      %dma_start3A_208 = arith.constant 0 : i32
      %dma_start3A_209 = tpu.memref_slice %arg15[%mul3A_107, %dma_start3A_208] : memref<10112x64xf32, #tpu.memory_space<vmem_shared>> -> memref<10x64xf32, #tpu.memory_space<vmem_shared>>
      tpu.enqueue_dma source(%arg11 : memref<10x64xf32, #tpu.memory_space<vmem>>) target(%dma_start3A_209 : memref<10x64xf32, #tpu.memory_space<vmem_shared>>) target_semaphore(%run_scoped3A_205 : memref<!tpu.dma_semaphore, #tpu.memory_space<semaphore_mem>>)
      %dma_wait3A_210 = arith.constant 0 : i32
      %dma_wait3A_211 = tpu.memref_slice %arg15[%mul3A_107, %dma_wait3A_210] : memref<10112x64xf32, #tpu.memory_space<vmem_shared>> -> memref<10x64xf32, #tpu.memory_space<vmem_shared>>
      %dma_wait3A_212 = arith.constant 0 : i32
      %dma_wait3A_213 = tpu.memref_slice %arg15[%mul3A_107, %dma_wait3A_212] : memref<10112x64xf32, #tpu.memory_space<vmem_shared>> -> memref<10x64xf32, #tpu.memory_space<vmem_shared>>
      tpu.wait_dma2 semaphore(%run_scoped3A_205 : memref<!tpu.dma_semaphore, #tpu.memory_space<semaphore_mem>>) src(%arg11 : memref<10x64xf32, #tpu.memory_space<vmem>>) dst(%dma_wait3A_213 : memref<10x64xf32, #tpu.memory_space<vmem_shared>>)
      tpu.yield
    }) : () -> ()
    %barrier3A_108 = arith.constant 0 : index
    tpu.barrier barrier_id(%barrier3A_108)
    "tpu.region"() ({
      %run_scoped3A_205 = tpu.sem_alloc : memref<!tpu.dma_semaphore, #tpu.memory_space<semaphore_mem>>
      %dma_start3A_206 = arith.constant 0 : i32
      %dma_start3A_207 = arith.constant 0 : i32
      %dma_start3A_208 = tpu.memref_slice %arg15[%dma_start3A_206, %dma_start3A_207] : memref<10112x64xf32, #tpu.memory_space<vmem_shared>> -> memref<160x64xf32, #tpu.memory_space<vmem_shared>>
      %dma_start3A_209 = arith.constant 0 : i32
      %dma_start3A_210 = arith.constant 0 : i32
      %dma_start3A_211 = tpu.memref_slice %arg15[%dma_start3A_209, %dma_start3A_210] : memref<10112x64xf32, #tpu.memory_space<vmem_shared>> -> memref<160x64xf32, #tpu.memory_space<vmem_shared>>
      tpu.enqueue_dma source(%dma_start3A_211 : memref<160x64xf32, #tpu.memory_space<vmem_shared>>) target(%arg10 : memref<160x64xf32, #tpu.memory_space<vmem>>) target_semaphore(%run_scoped3A_205 : memref<!tpu.dma_semaphore, #tpu.memory_space<semaphore_mem>>)
      %dma_wait3A_212 = arith.constant 0 : i32
      %dma_wait3A_213 = arith.constant 0 : i32
      %dma_wait3A_214 = tpu.memref_slice %arg15[%dma_wait3A_212, %dma_wait3A_213] : memref<10112x64xf32, #tpu.memory_space<vmem_shared>> -> memref<160x64xf32, #tpu.memory_space<vmem_shared>>
      %dma_wait3A_215 = arith.constant 0 : i32
      %dma_wait3A_216 = arith.constant 0 : i32
      %dma_wait3A_217 = tpu.memref_slice %arg15[%dma_wait3A_215, %dma_wait3A_216] : memref<10112x64xf32, #tpu.memory_space<vmem_shared>> -> memref<160x64xf32, #tpu.memory_space<vmem_shared>>
      tpu.wait_dma2 semaphore(%run_scoped3A_205 : memref<!tpu.dma_semaphore, #tpu.memory_space<semaphore_mem>>) src(%dma_wait3A_217 : memref<160x64xf32, #tpu.memory_space<vmem_shared>>) dst(%arg10 : memref<160x64xf32, #tpu.memory_space<vmem>>)
      tpu.yield
    }) : () -> ()
    %barrier3A_109 = arith.constant 0 : index
    tpu.barrier barrier_id(%barrier3A_109)
    %scan3A_110 = arith.constant 0 : i32
    %scan3A_111 = arith.constant 160 : i32
    %scan3A_112 = arith.addi %scan3A_110, %scan3A_111 : i32
    %scan3A_113 = arith.constant 1 : i32
    scf.for %scan3A_205 = %scan3A_110 to %scan3A_112 step %scan3A_113  : i32 {
      %get3A = arith.index_cast %scan3A_205 : i32 to index
      %get3A_206 = arith.constant 0 : index
      %get3A_207 = tpu.vector_load %arg7[%get3A, %get3A_206] {strides = array<i32>} : memref<160x128xi32, #tpu.memory_space<vmem>>, vector<16xi32>,
      %get3A_208 = arith.index_cast %scan3A_205 : i32 to index
      %get3A_209 = arith.constant 0 : index
      %get3A_210 = tpu.vector_load %arg8[%get3A_208, %get3A_209] {strides = array<i32>} : memref<160x128xi32, #tpu.memory_space<vmem>>, vector<16xi32>,
      %get3A_211 = arith.index_cast %scan3A_205 : i32 to index
      %get3A_212 = arith.constant 0 : index
      %get3A_213 = tpu.vector_load %arg9[%get3A_211, %get3A_212] {strides = array<i32>} : memref<160x128xf32, #tpu.memory_space<vmem>>, vector<16xf32>,
      %shift_right_logical3A = arith.constant 6 : i32
      %shift_right_logical3A_214 = vector.broadcast %shift_right_logical3A : i32 to vector<16xi32>
      %shift_right_logical3A_215 = arith.shrui %get3A_207, %shift_right_logical3A_214 : vector<16xi32>
      %and3A = arith.constant 63 : i32
      %and3A_216 = vector.broadcast %and3A : i32 to vector<16xi32>
      %and3A_217 = arith.andi %get3A_207, %and3A_216 : vector<16xi32>
      %gather3A = tpu.vector_load_idx %arg10[%shift_right_logical3A_215, %and3A_217] : memref<160x64xf32, #tpu.memory_space<vmem>>[vector<16xi32>, vector<16xi32>], vector<16xf32>,
      %mul3A_218 = arith.mulf %gather3A, %get3A_213 : vector<16xf32>
      %shift_right_logical3A_219 = arith.constant 6 : i32
      %shift_right_logical3A_220 = vector.broadcast %shift_right_logical3A_219 : i32 to vector<16xi32>
      %shift_right_logical3A_221 = arith.shrui %get3A_210, %shift_right_logical3A_220 : vector<16xi32>
      %and3A_222 = arith.constant 63 : i32
      %and3A_223 = vector.broadcast %and3A_222 : i32 to vector<16xi32>
      %and3A_224 = arith.andi %get3A_210, %and3A_223 : vector<16xi32>
      %gather3A_225 = tpu.vector_load_idx %arg10[%shift_right_logical3A_221, %and3A_224] : memref<160x64xf32, #tpu.memory_space<vmem>>[vector<16xi32>, vector<16xi32>], vector<16xf32>,
      %mul3A_226 = arith.mulf %mul3A_218, %gather3A_225 : vector<16xf32>
      %swap3A_227 = arith.index_cast %scan3A_205 : i32 to index
      %swap3A_228 = arith.constant 0 : index
      %swap3A_229 = tpu.vector_load %arg9[%swap3A_227, %swap3A_228] {strides = array<i32>} : memref<160x128xf32, #tpu.memory_space<vmem>>, vector<16xf32>,
      tpu.vector_store %arg9[%swap3A_227, %swap3A_228], %mul3A_226 {strides = array<i32>} : memref<160x128xf32, #tpu.memory_space<vmem>>, vector<16xf32>,
      %get3A_230 = arith.index_cast %scan3A_205 : i32 to index
      %get3A_231 = arith.constant 16 : index
      %get3A_232 = tpu.vector_load %arg7[%get3A_230, %get3A_231] {strides = array<i32>} : memref<160x128xi32, #tpu.memory_space<vmem>>, vector<16xi32>,
      %get3A_233 = arith.index_cast %scan3A_205 : i32 to index
      %get3A_234 = arith.constant 16 : index
      %get3A_235 = tpu.vector_load %arg8[%get3A_233, %get3A_234] {strides = array<i32>} : memref<160x128xi32, #tpu.memory_space<vmem>>, vector<16xi32>,
      %get3A_236 = arith.index_cast %scan3A_205 : i32 to index
      %get3A_237 = arith.constant 16 : index
      %get3A_238 = tpu.vector_load %arg9[%get3A_236, %get3A_237] {strides = array<i32>} : memref<160x128xf32, #tpu.memory_space<vmem>>, vector<16xf32>,
      %shift_right_logical3A_239 = arith.constant 6 : i32
      %shift_right_logical3A_240 = vector.broadcast %shift_right_logical3A_239 : i32 to vector<16xi32>
      %shift_right_logical3A_241 = arith.shrui %get3A_232, %shift_right_logical3A_240 : vector<16xi32>
      %and3A_242 = arith.constant 63 : i32
      %and3A_243 = vector.broadcast %and3A_242 : i32 to vector<16xi32>
      %and3A_244 = arith.andi %get3A_232, %and3A_243 : vector<16xi32>
      %gather3A_245 = tpu.vector_load_idx %arg10[%shift_right_logical3A_241, %and3A_244] : memref<160x64xf32, #tpu.memory_space<vmem>>[vector<16xi32>, vector<16xi32>], vector<16xf32>,
      %mul3A_246 = arith.mulf %gather3A_245, %get3A_238 : vector<16xf32>
      %shift_right_logical3A_247 = arith.constant 6 : i32
      %shift_right_logical3A_248 = vector.broadcast %shift_right_logical3A_247 : i32 to vector<16xi32>
      %shift_right_logical3A_249 = arith.shrui %get3A_235, %shift_right_logical3A_248 : vector<16xi32>
      %and3A_250 = arith.constant 63 : i32
      %and3A_251 = vector.broadcast %and3A_250 : i32 to vector<16xi32>
      %and3A_252 = arith.andi %get3A_235, %and3A_251 : vector<16xi32>
      %gather3A_253 = tpu.vector_load_idx %arg10[%shift_right_logical3A_249, %and3A_252] : memref<160x64xf32, #tpu.memory_space<vmem>>[vector<16xi32>, vector<16xi32>], vector<16xf32>,
      %mul3A_254 = arith.mulf %mul3A_246, %gather3A_253 : vector<16xf32>
      %swap3A_255 = arith.index_cast %scan3A_205 : i32 to index
      %swap3A_256 = arith.constant 16 : index
      %swap3A_257 = tpu.vector_load %arg9[%swap3A_255, %swap3A_256] {strides = array<i32>} : memref<160x128xf32, #tpu.memory_space<vmem>>, vector<16xf32>,
      tpu.vector_store %arg9[%swap3A_255, %swap3A_256], %mul3A_254 {strides = array<i32>} : memref<160x128xf32, #tpu.memory_space<vmem>>, vector<16xf32>,
      %get3A_258 = arith.index_cast %scan3A_205 : i32 to index
      %get3A_259 = arith.constant 32 : index
      %get3A_260 = tpu.vector_load %arg7[%get3A_258, %get3A_259] {strides = array<i32>} : memref<160x128xi32, #tpu.memory_space<vmem>>, vector<16xi32>,
      %get3A_261 = arith.index_cast %scan3A_205 : i32 to index
      %get3A_262 = arith.constant 32 : index
      %get3A_263 = tpu.vector_load %arg8[%get3A_261, %get3A_262] {strides = array<i32>} : memref<160x128xi32, #tpu.memory_space<vmem>>, vector<16xi32>,
      %get3A_264 = arith.index_cast %scan3A_205 : i32 to index
      %get3A_265 = arith.constant 32 : index
      %get3A_266 = tpu.vector_load %arg9[%get3A_264, %get3A_265] {strides = array<i32>} : memref<160x128xf32, #tpu.memory_space<vmem>>, vector<16xf32>,
      %shift_right_logical3A_267 = arith.constant 6 : i32
      %shift_right_logical3A_268 = vector.broadcast %shift_right_logical3A_267 : i32 to vector<16xi32>
      %shift_right_logical3A_269 = arith.shrui %get3A_260, %shift_right_logical3A_268 : vector<16xi32>
      %and3A_270 = arith.constant 63 : i32
      %and3A_271 = vector.broadcast %and3A_270 : i32 to vector<16xi32>
      %and3A_272 = arith.andi %get3A_260, %and3A_271 : vector<16xi32>
      %gather3A_273 = tpu.vector_load_idx %arg10[%shift_right_logical3A_269, %and3A_272] : memref<160x64xf32, #tpu.memory_space<vmem>>[vector<16xi32>, vector<16xi32>], vector<16xf32>,
      %mul3A_274 = arith.mulf %gather3A_273, %get3A_266 : vector<16xf32>
      %shift_right_logical3A_275 = arith.constant 6 : i32
      %shift_right_logical3A_276 = vector.broadcast %shift_right_logical3A_275 : i32 to vector<16xi32>
      %shift_right_logical3A_277 = arith.shrui %get3A_263, %shift_right_logical3A_276 : vector<16xi32>
      %and3A_278 = arith.constant 63 : i32
      %and3A_279 = vector.broadcast %and3A_278 : i32 to vector<16xi32>
      %and3A_280 = arith.andi %get3A_263, %and3A_279 : vector<16xi32>
      %gather3A_281 = tpu.vector_load_idx %arg10[%shift_right_logical3A_277, %and3A_280] : memref<160x64xf32, #tpu.memory_space<vmem>>[vector<16xi32>, vector<16xi32>], vector<16xf32>,
      %mul3A_282 = arith.mulf %mul3A_274, %gather3A_281 : vector<16xf32>
      %swap3A_283 = arith.index_cast %scan3A_205 : i32 to index
      %swap3A_284 = arith.constant 32 : index
      %swap3A_285 = tpu.vector_load %arg9[%swap3A_283, %swap3A_284] {strides = array<i32>} : memref<160x128xf32, #tpu.memory_space<vmem>>, vector<16xf32>,
      tpu.vector_store %arg9[%swap3A_283, %swap3A_284], %mul3A_282 {strides = array<i32>} : memref<160x128xf32, #tpu.memory_space<vmem>>, vector<16xf32>,
      %get3A_286 = arith.index_cast %scan3A_205 : i32 to index
      %get3A_287 = arith.constant 48 : index
      %get3A_288 = tpu.vector_load %arg7[%get3A_286, %get3A_287] {strides = array<i32>} : memref<160x128xi32, #tpu.memory_space<vmem>>, vector<16xi32>,
      %get3A_289 = arith.index_cast %scan3A_205 : i32 to index
      %get3A_290 = arith.constant 48 : index
      %get3A_291 = tpu.vector_load %arg8[%get3A_289, %get3A_290] {strides = array<i32>} : memref<160x128xi32, #tpu.memory_space<vmem>>, vector<16xi32>,
      %get3A_292 = arith.index_cast %scan3A_205 : i32 to index
      %get3A_293 = arith.constant 48 : index
      %get3A_294 = tpu.vector_load %arg9[%get3A_292, %get3A_293] {strides = array<i32>} : memref<160x128xf32, #tpu.memory_space<vmem>>, vector<16xf32>,
      %shift_right_logical3A_295 = arith.constant 6 : i32
      %shift_right_logical3A_296 = vector.broadcast %shift_right_logical3A_295 : i32 to vector<16xi32>
      %shift_right_logical3A_297 = arith.shrui %get3A_288, %shift_right_logical3A_296 : vector<16xi32>
      %and3A_298 = arith.constant 63 : i32
      %and3A_299 = vector.broadcast %and3A_298 : i32 to vector<16xi32>
      %and3A_300 = arith.andi %get3A_288, %and3A_299 : vector<16xi32>
      %gather3A_301 = tpu.vector_load_idx %arg10[%shift_right_logical3A_297, %and3A_300] : memref<160x64xf32, #tpu.memory_space<vmem>>[vector<16xi32>, vector<16xi32>], vector<16xf32>,
      %mul3A_302 = arith.mulf %gather3A_301, %get3A_294 : vector<16xf32>
      %shift_right_logical3A_303 = arith.constant 6 : i32
      %shift_right_logical3A_304 = vector.broadcast %shift_right_logical3A_303 : i32 to vector<16xi32>
      %shift_right_logical3A_305 = arith.shrui %get3A_291, %shift_right_logical3A_304 : vector<16xi32>
      %and3A_306 = arith.constant 63 : i32
      %and3A_307 = vector.broadcast %and3A_306 : i32 to vector<16xi32>
      %and3A_308 = arith.andi %get3A_291, %and3A_307 : vector<16xi32>
      %gather3A_309 = tpu.vector_load_idx %arg10[%shift_right_logical3A_305, %and3A_308] : memref<160x64xf32, #tpu.memory_space<vmem>>[vector<16xi32>, vector<16xi32>], vector<16xf32>,
      %mul3A_310 = arith.mulf %mul3A_302, %gather3A_309 : vector<16xf32>
      %swap3A_311 = arith.index_cast %scan3A_205 : i32 to index
      %swap3A_312 = arith.constant 48 : index
      %swap3A_313 = tpu.vector_load %arg9[%swap3A_311, %swap3A_312] {strides = array<i32>} : memref<160x128xf32, #tpu.memory_space<vmem>>, vector<16xf32>,
      tpu.vector_store %arg9[%swap3A_311, %swap3A_312], %mul3A_310 {strides = array<i32>} : memref<160x128xf32, #tpu.memory_space<vmem>>, vector<16xf32>,
      %get3A_314 = arith.index_cast %scan3A_205 : i32 to index
      %get3A_315 = arith.constant 64 : index
      %get3A_316 = tpu.vector_load %arg7[%get3A_314, %get3A_315] {strides = array<i32>} : memref<160x128xi32, #tpu.memory_space<vmem>>, vector<16xi32>,
      %get3A_317 = arith.index_cast %scan3A_205 : i32 to index
      %get3A_318 = arith.constant 64 : index
      %get3A_319 = tpu.vector_load %arg8[%get3A_317, %get3A_318] {strides = array<i32>} : memref<160x128xi32, #tpu.memory_space<vmem>>, vector<16xi32>,
      %get3A_320 = arith.index_cast %scan3A_205 : i32 to index
      %get3A_321 = arith.constant 64 : index
      %get3A_322 = tpu.vector_load %arg9[%get3A_320, %get3A_321] {strides = array<i32>} : memref<160x128xf32, #tpu.memory_space<vmem>>, vector<16xf32>,
      %shift_right_logical3A_323 = arith.constant 6 : i32
      %shift_right_logical3A_324 = vector.broadcast %shift_right_logical3A_323 : i32 to vector<16xi32>
      %shift_right_logical3A_325 = arith.shrui %get3A_316, %shift_right_logical3A_324 : vector<16xi32>
      %and3A_326 = arith.constant 63 : i32
      %and3A_327 = vector.broadcast %and3A_326 : i32 to vector<16xi32>
      %and3A_328 = arith.andi %get3A_316, %and3A_327 : vector<16xi32>
      %gather3A_329 = tpu.vector_load_idx %arg10[%shift_right_logical3A_325, %and3A_328] : memref<160x64xf32, #tpu.memory_space<vmem>>[vector<16xi32>, vector<16xi32>], vector<16xf32>,
      %mul3A_330 = arith.mulf %gather3A_329, %get3A_322 : vector<16xf32>
      %shift_right_logical3A_331 = arith.constant 6 : i32
      %shift_right_logical3A_332 = vector.broadcast %shift_right_logical3A_331 : i32 to vector<16xi32>
      %shift_right_logical3A_333 = arith.shrui %get3A_319, %shift_right_logical3A_332 : vector<16xi32>
      %and3A_334 = arith.constant 63 : i32
      %and3A_335 = vector.broadcast %and3A_334 : i32 to vector<16xi32>
      %and3A_336 = arith.andi %get3A_319, %and3A_335 : vector<16xi32>
      %gather3A_337 = tpu.vector_load_idx %arg10[%shift_right_logical3A_333, %and3A_336] : memref<160x64xf32, #tpu.memory_space<vmem>>[vector<16xi32>, vector<16xi32>], vector<16xf32>,
      %mul3A_338 = arith.mulf %mul3A_330, %gather3A_337 : vector<16xf32>
      %swap3A_339 = arith.index_cast %scan3A_205 : i32 to index
      %swap3A_340 = arith.constant 64 : index
      %swap3A_341 = tpu.vector_load %arg9[%swap3A_339, %swap3A_340] {strides = array<i32>} : memref<160x128xf32, #tpu.memory_space<vmem>>, vector<16xf32>,
      tpu.vector_store %arg9[%swap3A_339, %swap3A_340], %mul3A_338 {strides = array<i32>} : memref<160x128xf32, #tpu.memory_space<vmem>>, vector<16xf32>,
      %get3A_342 = arith.index_cast %scan3A_205 : i32 to index
      %get3A_343 = arith.constant 80 : index
      %get3A_344 = tpu.vector_load %arg7[%get3A_342, %get3A_343] {strides = array<i32>} : memref<160x128xi32, #tpu.memory_space<vmem>>, vector<16xi32>,
      %get3A_345 = arith.index_cast %scan3A_205 : i32 to index
      %get3A_346 = arith.constant 80 : index
      %get3A_347 = tpu.vector_load %arg8[%get3A_345, %get3A_346] {strides = array<i32>} : memref<160x128xi32, #tpu.memory_space<vmem>>, vector<16xi32>,
      %get3A_348 = arith.index_cast %scan3A_205 : i32 to index
      %get3A_349 = arith.constant 80 : index
      %get3A_350 = tpu.vector_load %arg9[%get3A_348, %get3A_349] {strides = array<i32>} : memref<160x128xf32, #tpu.memory_space<vmem>>, vector<16xf32>,
      %shift_right_logical3A_351 = arith.constant 6 : i32
      %shift_right_logical3A_352 = vector.broadcast %shift_right_logical3A_351 : i32 to vector<16xi32>
      %shift_right_logical3A_353 = arith.shrui %get3A_344, %shift_right_logical3A_352 : vector<16xi32>
      %and3A_354 = arith.constant 63 : i32
      %and3A_355 = vector.broadcast %and3A_354 : i32 to vector<16xi32>
      %and3A_356 = arith.andi %get3A_344, %and3A_355 : vector<16xi32>
      %gather3A_357 = tpu.vector_load_idx %arg10[%shift_right_logical3A_353, %and3A_356] : memref<160x64xf32, #tpu.memory_space<vmem>>[vector<16xi32>, vector<16xi32>], vector<16xf32>,
      %mul3A_358 = arith.mulf %gather3A_357, %get3A_350 : vector<16xf32>
      %shift_right_logical3A_359 = arith.constant 6 : i32
      %shift_right_logical3A_360 = vector.broadcast %shift_right_logical3A_359 : i32 to vector<16xi32>
      %shift_right_logical3A_361 = arith.shrui %get3A_347, %shift_right_logical3A_360 : vector<16xi32>
      %and3A_362 = arith.constant 63 : i32
      %and3A_363 = vector.broadcast %and3A_362 : i32 to vector<16xi32>
      %and3A_364 = arith.andi %get3A_347, %and3A_363 : vector<16xi32>
      %gather3A_365 = tpu.vector_load_idx %arg10[%shift_right_logical3A_361, %and3A_364] : memref<160x64xf32, #tpu.memory_space<vmem>>[vector<16xi32>, vector<16xi32>], vector<16xf32>,
      %mul3A_366 = arith.mulf %mul3A_358, %gather3A_365 : vector<16xf32>
      %swap3A_367 = arith.index_cast %scan3A_205 : i32 to index
      %swap3A_368 = arith.constant 80 : index
      %swap3A_369 = tpu.vector_load %arg9[%swap3A_367, %swap3A_368] {strides = array<i32>} : memref<160x128xf32, #tpu.memory_space<vmem>>, vector<16xf32>,
      tpu.vector_store %arg9[%swap3A_367, %swap3A_368], %mul3A_366 {strides = array<i32>} : memref<160x128xf32, #tpu.memory_space<vmem>>, vector<16xf32>,
      %get3A_370 = arith.index_cast %scan3A_205 : i32 to index
      %get3A_371 = arith.constant 96 : index
      %get3A_372 = tpu.vector_load %arg7[%get3A_370, %get3A_371] {strides = array<i32>} : memref<160x128xi32, #tpu.memory_space<vmem>>, vector<16xi32>,
      %get3A_373 = arith.index_cast %scan3A_205 : i32 to index
      %get3A_374 = arith.constant 96 : index
      %get3A_375 = tpu.vector_load %arg8[%get3A_373, %get3A_374] {strides = array<i32>} : memref<160x128xi32, #tpu.memory_space<vmem>>, vector<16xi32>,
      %get3A_376 = arith.index_cast %scan3A_205 : i32 to index
      %get3A_377 = arith.constant 96 : index
      %get3A_378 = tpu.vector_load %arg9[%get3A_376, %get3A_377] {strides = array<i32>} : memref<160x128xf32, #tpu.memory_space<vmem>>, vector<16xf32>,
      %shift_right_logical3A_379 = arith.constant 6 : i32
      %shift_right_logical3A_380 = vector.broadcast %shift_right_logical3A_379 : i32 to vector<16xi32>
      %shift_right_logical3A_381 = arith.shrui %get3A_372, %shift_right_logical3A_380 : vector<16xi32>
      %and3A_382 = arith.constant 63 : i32
      %and3A_383 = vector.broadcast %and3A_382 : i32 to vector<16xi32>
      %and3A_384 = arith.andi %get3A_372, %and3A_383 : vector<16xi32>
      %gather3A_385 = tpu.vector_load_idx %arg10[%shift_right_logical3A_381, %and3A_384] : memref<160x64xf32, #tpu.memory_space<vmem>>[vector<16xi32>, vector<16xi32>], vector<16xf32>,
      %mul3A_386 = arith.mulf %gather3A_385, %get3A_378 : vector<16xf32>
      %shift_right_logical3A_387 = arith.constant 6 : i32
      %shift_right_logical3A_388 = vector.broadcast %shift_right_logical3A_387 : i32 to vector<16xi32>
      %shift_right_logical3A_389 = arith.shrui %get3A_375, %shift_right_logical3A_388 : vector<16xi32>
      %and3A_390 = arith.constant 63 : i32
      %and3A_391 = vector.broadcast %and3A_390 : i32 to vector<16xi32>
      %and3A_392 = arith.andi %get3A_375, %and3A_391 : vector<16xi32>
      %gather3A_393 = tpu.vector_load_idx %arg10[%shift_right_logical3A_389, %and3A_392] : memref<160x64xf32, #tpu.memory_space<vmem>>[vector<16xi32>, vector<16xi32>], vector<16xf32>,
      %mul3A_394 = arith.mulf %mul3A_386, %gather3A_393 : vector<16xf32>
      %swap3A_395 = arith.index_cast %scan3A_205 : i32 to index
      %swap3A_396 = arith.constant 96 : index
      %swap3A_397 = tpu.vector_load %arg9[%swap3A_395, %swap3A_396] {strides = array<i32>} : memref<160x128xf32, #tpu.memory_space<vmem>>, vector<16xf32>,
      tpu.vector_store %arg9[%swap3A_395, %swap3A_396], %mul3A_394 {strides = array<i32>} : memref<160x128xf32, #tpu.memory_space<vmem>>, vector<16xf32>,
      %get3A_398 = arith.index_cast %scan3A_205 : i32 to index
      %get3A_399 = arith.constant 112 : index
      %get3A_400 = tpu.vector_load %arg7[%get3A_398, %get3A_399] {strides = array<i32>} : memref<160x128xi32, #tpu.memory_space<vmem>>, vector<16xi32>,
      %get3A_401 = arith.index_cast %scan3A_205 : i32 to index
      %get3A_402 = arith.constant 112 : index
      %get3A_403 = tpu.vector_load %arg8[%get3A_401, %get3A_402] {strides = array<i32>} : memref<160x128xi32, #tpu.memory_space<vmem>>, vector<16xi32>,
      %get3A_404 = arith.index_cast %scan3A_205 : i32 to index
      %get3A_405 = arith.constant 112 : index
      %get3A_406 = tpu.vector_load %arg9[%get3A_404, %get3A_405] {strides = array<i32>} : memref<160x128xf32, #tpu.memory_space<vmem>>, vector<16xf32>,
      %shift_right_logical3A_407 = arith.constant 6 : i32
      %shift_right_logical3A_408 = vector.broadcast %shift_right_logical3A_407 : i32 to vector<16xi32>
      %shift_right_logical3A_409 = arith.shrui %get3A_400, %shift_right_logical3A_408 : vector<16xi32>
      %and3A_410 = arith.constant 63 : i32
      %and3A_411 = vector.broadcast %and3A_410 : i32 to vector<16xi32>
      %and3A_412 = arith.andi %get3A_400, %and3A_411 : vector<16xi32>
      %gather3A_413 = tpu.vector_load_idx %arg10[%shift_right_logical3A_409, %and3A_412] : memref<160x64xf32, #tpu.memory_space<vmem>>[vector<16xi32>, vector<16xi32>], vector<16xf32>,
      %mul3A_414 = arith.mulf %gather3A_413, %get3A_406 : vector<16xf32>
      %shift_right_logical3A_415 = arith.constant 6 : i32
      %shift_right_logical3A_416 = vector.broadcast %shift_right_logical3A_415 : i32 to vector<16xi32>
      %shift_right_logical3A_417 = arith.shrui %get3A_403, %shift_right_logical3A_416 : vector<16xi32>
      %and3A_418 = arith.constant 63 : i32
      %and3A_419 = vector.broadcast %and3A_418 : i32 to vector<16xi32>
      %and3A_420 = arith.andi %get3A_403, %and3A_419 : vector<16xi32>
      %gather3A_421 = tpu.vector_load_idx %arg10[%shift_right_logical3A_417, %and3A_420] : memref<160x64xf32, #tpu.memory_space<vmem>>[vector<16xi32>, vector<16xi32>], vector<16xf32>,
      %mul3A_422 = arith.mulf %mul3A_414, %gather3A_421 : vector<16xf32>
      %swap3A_423 = arith.index_cast %scan3A_205 : i32 to index
      %swap3A_424 = arith.constant 112 : index
      %swap3A_425 = tpu.vector_load %arg9[%swap3A_423, %swap3A_424] {strides = array<i32>} : memref<160x128xf32, #tpu.memory_space<vmem>>, vector<16xf32>,
      tpu.vector_store %arg9[%swap3A_423, %swap3A_424], %mul3A_422 {strides = array<i32>} : memref<160x128xf32, #tpu.memory_space<vmem>>, vector<16xf32>,
    }
    %scan3A_114 = arith.constant 160 : i32
    %mul3A_115 = arith.constant 5 : i32
    %mul3A_116 = arith.muli %arg1, %mul3A_115 : i32
    %add3A_117 = arith.constant 0 : i32
    %add3A_118 = arith.addi %mul3A_116, %add3A_117 : i32
    %lt3A_119 = arith.constant 79 : i32
    %lt3A_120 = arith.cmpi slt, %add3A_118, %lt3A_119 : i32
    %convert_element_type3A_121 = arith.extui %lt3A_120 : i1 to i32
    %cond3A_122 = arith.constant 0 : i32
    %cond3A_123 = arith.cmpi ne, %convert_element_type3A_121, %cond3A_122 : i32
    scf.if %cond3A_123 {
      %mul3A_205 = arith.constant 128 : i32
      %mul3A_206 = arith.muli %add3A_118, %mul3A_205 : i32
      "tpu.region"() ({
        %run_scoped3A_212 = tpu.sem_alloc : memref<!tpu.dma_semaphore, #tpu.memory_space<semaphore_mem>>
        %dma_start3A_213 = arith.constant 0 : i32
        %dma_start3A_214 = tpu.memref_slice %arg2[%arg0, %mul3A_206, %dma_start3A_213] : memref<2x10240x64xf32, #tpu.memory_space<hbm>> -> memref<1x128x64xf32, #tpu.memory_space<hbm>>
        %dma_start3A_215 = tpu.memref_squeeze %dma_start3A_214 : memref<1x128x64xf32, #tpu.memory_space<hbm>> -> memref<128x64xf32, #tpu.memory_space<hbm>>
        %dma_start3A_216 = arith.constant 0 : i32
        %dma_start3A_217 = tpu.memref_slice %arg2[%arg0, %mul3A_206, %dma_start3A_216] : memref<2x10240x64xf32, #tpu.memory_space<hbm>> -> memref<1x128x64xf32, #tpu.memory_space<hbm>>
        %dma_start3A_218 = tpu.memref_squeeze %dma_start3A_217 : memref<1x128x64xf32, #tpu.memory_space<hbm>> -> memref<128x64xf32, #tpu.memory_space<hbm>>
        tpu.enqueue_dma source(%dma_start3A_218 : memref<128x64xf32, #tpu.memory_space<hbm>>) target(%arg12 : memref<128x64xf32, #tpu.memory_space<vmem>>) target_semaphore(%run_scoped3A_212 : memref<!tpu.dma_semaphore, #tpu.memory_space<semaphore_mem>>)
        %dma_wait3A_219 = arith.constant 0 : i32
        %dma_wait3A_220 = tpu.memref_slice %arg2[%arg0, %mul3A_206, %dma_wait3A_219] : memref<2x10240x64xf32, #tpu.memory_space<hbm>> -> memref<1x128x64xf32, #tpu.memory_space<hbm>>
        %dma_wait3A_221 = tpu.memref_squeeze %dma_wait3A_220 : memref<1x128x64xf32, #tpu.memory_space<hbm>> -> memref<128x64xf32, #tpu.memory_space<hbm>>
        %dma_wait3A_222 = arith.constant 0 : i32
        %dma_wait3A_223 = tpu.memref_slice %arg2[%arg0, %mul3A_206, %dma_wait3A_222] : memref<2x10240x64xf32, #tpu.memory_space<hbm>> -> memref<1x128x64xf32, #tpu.memory_space<hbm>>
        %dma_wait3A_224 = tpu.memref_squeeze %dma_wait3A_223 : memref<1x128x64xf32, #tpu.memory_space<hbm>> -> memref<128x64xf32, #tpu.memory_space<hbm>>
        tpu.wait_dma2 semaphore(%run_scoped3A_212 : memref<!tpu.dma_semaphore, #tpu.memory_space<semaphore_mem>>) src(%dma_wait3A_224 : memref<128x64xf32, #tpu.memory_space<hbm>>) dst(%arg12 : memref<128x64xf32, #tpu.memory_space<vmem>>)
        tpu.yield
      }) : () -> ()
      %scan3A_207 = arith.constant 0 : i32
      %scan3A_208 = arith.constant 128 : i32
      %scan3A_209 = arith.addi %scan3A_207, %scan3A_208 : i32
      %scan3A_210 = arith.constant 1 : i32
      scf.for %scan3A_212 = %scan3A_207 to %scan3A_209 step %scan3A_210  : i32 {
        %add3A_213 = arith.addi %mul3A_206, %scan3A_212 : i32
        %broadcast_in_dim3A_214 = vector.broadcast %add3A_213 : i32 to vector<16xi32>
        %shift_right_logical3A = arith.constant 6 : i32
        %shift_right_logical3A_215 = vector.broadcast %shift_right_logical3A : i32 to vector<16xi32>
        %shift_right_logical3A_216 = arith.shrui %broadcast_in_dim3A_214, %shift_right_logical3A_215 : vector<16xi32>
        %and3A = arith.constant 63 : i32
        %and3A_217 = vector.broadcast %and3A : i32 to vector<16xi32>
        %and3A_218 = arith.andi %broadcast_in_dim3A_214, %and3A_217 : vector<16xi32>
        %gather3A = tpu.vector_load_idx %arg10[%shift_right_logical3A_216, %and3A_218] : memref<160x64xf32, #tpu.memory_space<vmem>>[vector<16xi32>, vector<16xi32>], vector<16xf32>,
        %mul3A_219 = arith.mulf %gather3A, %gather3A : vector<16xf32>
        %get3A = arith.index_cast %scan3A_212 : i32 to index
        %get3A_220 = arith.constant 0 : index
        %get3A_221 = tpu.vector_load %arg12[%get3A, %get3A_220] {strides = array<i32>} : memref<128x64xf32, #tpu.memory_space<vmem>>, vector<16xf32>,
        %mul3A_222 = arith.mulf %get3A_221, %mul3A_219 : vector<16xf32>
        %swap3A_223 = arith.index_cast %scan3A_212 : i32 to index
        %swap3A_224 = arith.constant 0 : index
        %swap3A_225 = tpu.vector_load %arg12[%swap3A_223, %swap3A_224] {strides = array<i32>} : memref<128x64xf32, #tpu.memory_space<vmem>>, vector<16xf32>,
        tpu.vector_store %arg12[%swap3A_223, %swap3A_224], %mul3A_222 {strides = array<i32>} : memref<128x64xf32, #tpu.memory_space<vmem>>, vector<16xf32>,
        %get3A_226 = arith.index_cast %scan3A_212 : i32 to index
        %get3A_227 = arith.constant 16 : index
        %get3A_228 = tpu.vector_load %arg12[%get3A_226, %get3A_227] {strides = array<i32>} : memref<128x64xf32, #tpu.memory_space<vmem>>, vector<16xf32>,
        %mul3A_229 = arith.mulf %get3A_228, %mul3A_219 : vector<16xf32>
        %swap3A_230 = arith.index_cast %scan3A_212 : i32 to index
        %swap3A_231 = arith.constant 16 : index
        %swap3A_232 = tpu.vector_load %arg12[%swap3A_230, %swap3A_231] {strides = array<i32>} : memref<128x64xf32, #tpu.memory_space<vmem>>, vector<16xf32>,
        tpu.vector_store %arg12[%swap3A_230, %swap3A_231], %mul3A_229 {strides = array<i32>} : memref<128x64xf32, #tpu.memory_space<vmem>>, vector<16xf32>,
        %get3A_233 = arith.index_cast %scan3A_212 : i32 to index
        %get3A_234 = arith.constant 32 : index
        %get3A_235 = tpu.vector_load %arg12[%get3A_233, %get3A_234] {strides = array<i32>} : memref<128x64xf32, #tpu.memory_space<vmem>>, vector<16xf32>,
        %mul3A_236 = arith.mulf %get3A_235, %mul3A_219 : vector<16xf32>
        %swap3A_237 = arith.index_cast %scan3A_212 : i32 to index
        %swap3A_238 = arith.constant 32 : index
        %swap3A_239 = tpu.vector_load %arg12[%swap3A_237, %swap3A_238] {strides = array<i32>} : memref<128x64xf32, #tpu.memory_space<vmem>>, vector<16xf32>,
        tpu.vector_store %arg12[%swap3A_237, %swap3A_238], %mul3A_236 {strides = array<i32>} : memref<128x64xf32, #tpu.memory_space<vmem>>, vector<16xf32>,
        %get3A_240 = arith.index_cast %scan3A_212 : i32 to index
        %get3A_241 = arith.constant 48 : index
        %get3A_242 = tpu.vector_load %arg12[%get3A_240, %get3A_241] {strides = array<i32>} : memref<128x64xf32, #tpu.memory_space<vmem>>, vector<16xf32>,
        %mul3A_243 = arith.mulf %get3A_242, %mul3A_219 : vector<16xf32>
        %swap3A_244 = arith.index_cast %scan3A_212 : i32 to index
        %swap3A_245 = arith.constant 48 : index
        %swap3A_246 = tpu.vector_load %arg12[%swap3A_244, %swap3A_245] {strides = array<i32>} : memref<128x64xf32, #tpu.memory_space<vmem>>, vector<16xf32>,
        tpu.vector_store %arg12[%swap3A_244, %swap3A_245], %mul3A_243 {strides = array<i32>} : memref<128x64xf32, #tpu.memory_space<vmem>>, vector<16xf32>,
      }
      %scan3A_211 = arith.constant 128 : i32
      "tpu.region"() ({
        %run_scoped3A_212 = tpu.sem_alloc : memref<!tpu.dma_semaphore, #tpu.memory_space<semaphore_mem>>
        %dma_start3A_213 = arith.constant 0 : i32
        %dma_start3A_214 = tpu.memref_slice %arg15[%mul3A_206, %dma_start3A_213] : memref<10112x64xf32, #tpu.memory_space<vmem_shared>> -> memref<128x64xf32, #tpu.memory_space<vmem_shared>>
        %dma_start3A_215 = arith.constant 0 : i32
        %dma_start3A_216 = tpu.memref_slice %arg15[%mul3A_206, %dma_start3A_215] : memref<10112x64xf32, #tpu.memory_space<vmem_shared>> -> memref<128x64xf32, #tpu.memory_space<vmem_shared>>
        tpu.enqueue_dma source(%arg12 : memref<128x64xf32, #tpu.memory_space<vmem>>) target(%dma_start3A_216 : memref<128x64xf32, #tpu.memory_space<vmem_shared>>) target_semaphore(%run_scoped3A_212 : memref<!tpu.dma_semaphore, #tpu.memory_space<semaphore_mem>>)
        %dma_wait3A_217 = arith.constant 0 : i32
        %dma_wait3A_218 = tpu.memref_slice %arg15[%mul3A_206, %dma_wait3A_217] : memref<10112x64xf32, #tpu.memory_space<vmem_shared>> -> memref<128x64xf32, #tpu.memory_space<vmem_shared>>
        %dma_wait3A_219 = arith.constant 0 : i32
        %dma_wait3A_220 = tpu.memref_slice %arg15[%mul3A_206, %dma_wait3A_219] : memref<10112x64xf32, #tpu.memory_space<vmem_shared>> -> memref<128x64xf32, #tpu.memory_space<vmem_shared>>
        tpu.wait_dma2 semaphore(%run_scoped3A_212 : memref<!tpu.dma_semaphore, #tpu.memory_space<semaphore_mem>>) src(%arg12 : memref<128x64xf32, #tpu.memory_space<vmem>>) dst(%dma_wait3A_220 : memref<128x64xf32, #tpu.memory_space<vmem_shared>>)
        tpu.yield
      }) : () -> ()
    } else {
    }
    %mul3A_124 = arith.constant 5 : i32
    %mul3A_125 = arith.muli %arg1, %mul3A_124 : i32
    %add3A_126 = arith.constant 1 : i32
    %add3A_127 = arith.addi %mul3A_125, %add3A_126 : i32
    %lt3A_128 = arith.constant 79 : i32
    %lt3A_129 = arith.cmpi slt, %add3A_127, %lt3A_128 : i32
    %convert_element_type3A_130 = arith.extui %lt3A_129 : i1 to i32
    %cond3A_131 = arith.constant 0 : i32
    %cond3A_132 = arith.cmpi ne, %convert_element_type3A_130, %cond3A_131 : i32
    scf.if %cond3A_132 {
      %mul3A_205 = arith.constant 128 : i32
      %mul3A_206 = arith.muli %add3A_127, %mul3A_205 : i32
      "tpu.region"() ({
        %run_scoped3A_212 = tpu.sem_alloc : memref<!tpu.dma_semaphore, #tpu.memory_space<semaphore_mem>>
        %dma_start3A_213 = arith.constant 0 : i32
        %dma_start3A_214 = tpu.memref_slice %arg2[%arg0, %mul3A_206, %dma_start3A_213] : memref<2x10240x64xf32, #tpu.memory_space<hbm>> -> memref<1x128x64xf32, #tpu.memory_space<hbm>>
        %dma_start3A_215 = tpu.memref_squeeze %dma_start3A_214 : memref<1x128x64xf32, #tpu.memory_space<hbm>> -> memref<128x64xf32, #tpu.memory_space<hbm>>
        %dma_start3A_216 = arith.constant 0 : i32
        %dma_start3A_217 = tpu.memref_slice %arg2[%arg0, %mul3A_206, %dma_start3A_216] : memref<2x10240x64xf32, #tpu.memory_space<hbm>> -> memref<1x128x64xf32, #tpu.memory_space<hbm>>
        %dma_start3A_218 = tpu.memref_squeeze %dma_start3A_217 : memref<1x128x64xf32, #tpu.memory_space<hbm>> -> memref<128x64xf32, #tpu.memory_space<hbm>>
        tpu.enqueue_dma source(%dma_start3A_218 : memref<128x64xf32, #tpu.memory_space<hbm>>) target(%arg12 : memref<128x64xf32, #tpu.memory_space<vmem>>) target_semaphore(%run_scoped3A_212 : memref<!tpu.dma_semaphore, #tpu.memory_space<semaphore_mem>>)
        %dma_wait3A_219 = arith.constant 0 : i32
        %dma_wait3A_220 = tpu.memref_slice %arg2[%arg0, %mul3A_206, %dma_wait3A_219] : memref<2x10240x64xf32, #tpu.memory_space<hbm>> -> memref<1x128x64xf32, #tpu.memory_space<hbm>>
        %dma_wait3A_221 = tpu.memref_squeeze %dma_wait3A_220 : memref<1x128x64xf32, #tpu.memory_space<hbm>> -> memref<128x64xf32, #tpu.memory_space<hbm>>
        %dma_wait3A_222 = arith.constant 0 : i32
        %dma_wait3A_223 = tpu.memref_slice %arg2[%arg0, %mul3A_206, %dma_wait3A_222] : memref<2x10240x64xf32, #tpu.memory_space<hbm>> -> memref<1x128x64xf32, #tpu.memory_space<hbm>>
        %dma_wait3A_224 = tpu.memref_squeeze %dma_wait3A_223 : memref<1x128x64xf32, #tpu.memory_space<hbm>> -> memref<128x64xf32, #tpu.memory_space<hbm>>
        tpu.wait_dma2 semaphore(%run_scoped3A_212 : memref<!tpu.dma_semaphore, #tpu.memory_space<semaphore_mem>>) src(%dma_wait3A_224 : memref<128x64xf32, #tpu.memory_space<hbm>>) dst(%arg12 : memref<128x64xf32, #tpu.memory_space<vmem>>)
        tpu.yield
      }) : () -> ()
      %scan3A_207 = arith.constant 0 : i32
      %scan3A_208 = arith.constant 128 : i32
      %scan3A_209 = arith.addi %scan3A_207, %scan3A_208 : i32
      %scan3A_210 = arith.constant 1 : i32
      scf.for %scan3A_212 = %scan3A_207 to %scan3A_209 step %scan3A_210  : i32 {
        %add3A_213 = arith.addi %mul3A_206, %scan3A_212 : i32
        %broadcast_in_dim3A_214 = vector.broadcast %add3A_213 : i32 to vector<16xi32>
        %shift_right_logical3A = arith.constant 6 : i32
        %shift_right_logical3A_215 = vector.broadcast %shift_right_logical3A : i32 to vector<16xi32>
        %shift_right_logical3A_216 = arith.shrui %broadcast_in_dim3A_214, %shift_right_logical3A_215 : vector<16xi32>
        %and3A = arith.constant 63 : i32
        %and3A_217 = vector.broadcast %and3A : i32 to vector<16xi32>
        %and3A_218 = arith.andi %broadcast_in_dim3A_214, %and3A_217 : vector<16xi32>
        %gather3A = tpu.vector_load_idx %arg10[%shift_right_logical3A_216, %and3A_218] : memref<160x64xf32, #tpu.memory_space<vmem>>[vector<16xi32>, vector<16xi32>], vector<16xf32>,
        %mul3A_219 = arith.mulf %gather3A, %gather3A : vector<16xf32>
        %get3A = arith.index_cast %scan3A_212 : i32 to index
        %get3A_220 = arith.constant 0 : index
        %get3A_221 = tpu.vector_load %arg12[%get3A, %get3A_220] {strides = array<i32>} : memref<128x64xf32, #tpu.memory_space<vmem>>, vector<16xf32>,
        %mul3A_222 = arith.mulf %get3A_221, %mul3A_219 : vector<16xf32>
        %swap3A_223 = arith.index_cast %scan3A_212 : i32 to index
        %swap3A_224 = arith.constant 0 : index
        %swap3A_225 = tpu.vector_load %arg12[%swap3A_223, %swap3A_224] {strides = array<i32>} : memref<128x64xf32, #tpu.memory_space<vmem>>, vector<16xf32>,
        tpu.vector_store %arg12[%swap3A_223, %swap3A_224], %mul3A_222 {strides = array<i32>} : memref<128x64xf32, #tpu.memory_space<vmem>>, vector<16xf32>,
        %get3A_226 = arith.index_cast %scan3A_212 : i32 to index
        %get3A_227 = arith.constant 16 : index
        %get3A_228 = tpu.vector_load %arg12[%get3A_226, %get3A_227] {strides = array<i32>} : memref<128x64xf32, #tpu.memory_space<vmem>>, vector<16xf32>,
        %mul3A_229 = arith.mulf %get3A_228, %mul3A_219 : vector<16xf32>
        %swap3A_230 = arith.index_cast %scan3A_212 : i32 to index
        %swap3A_231 = arith.constant 16 : index
        %swap3A_232 = tpu.vector_load %arg12[%swap3A_230, %swap3A_231] {strides = array<i32>} : memref<128x64xf32, #tpu.memory_space<vmem>>, vector<16xf32>,
        tpu.vector_store %arg12[%swap3A_230, %swap3A_231], %mul3A_229 {strides = array<i32>} : memref<128x64xf32, #tpu.memory_space<vmem>>, vector<16xf32>,
        %get3A_233 = arith.index_cast %scan3A_212 : i32 to index
        %get3A_234 = arith.constant 32 : index
        %get3A_235 = tpu.vector_load %arg12[%get3A_233, %get3A_234] {strides = array<i32>} : memref<128x64xf32, #tpu.memory_space<vmem>>, vector<16xf32>,
        %mul3A_236 = arith.mulf %get3A_235, %mul3A_219 : vector<16xf32>
        %swap3A_237 = arith.index_cast %scan3A_212 : i32 to index
        %swap3A_238 = arith.constant 32 : index
        %swap3A_239 = tpu.vector_load %arg12[%swap3A_237, %swap3A_238] {strides = array<i32>} : memref<128x64xf32, #tpu.memory_space<vmem>>, vector<16xf32>,
        tpu.vector_store %arg12[%swap3A_237, %swap3A_238], %mul3A_236 {strides = array<i32>} : memref<128x64xf32, #tpu.memory_space<vmem>>, vector<16xf32>,
        %get3A_240 = arith.index_cast %scan3A_212 : i32 to index
        %get3A_241 = arith.constant 48 : index
        %get3A_242 = tpu.vector_load %arg12[%get3A_240, %get3A_241] {strides = array<i32>} : memref<128x64xf32, #tpu.memory_space<vmem>>, vector<16xf32>,
        %mul3A_243 = arith.mulf %get3A_242, %mul3A_219 : vector<16xf32>
        %swap3A_244 = arith.index_cast %scan3A_212 : i32 to index
        %swap3A_245 = arith.constant 48 : index
        %swap3A_246 = tpu.vector_load %arg12[%swap3A_244, %swap3A_245] {strides = array<i32>} : memref<128x64xf32, #tpu.memory_space<vmem>>, vector<16xf32>,
        tpu.vector_store %arg12[%swap3A_244, %swap3A_245], %mul3A_243 {strides = array<i32>} : memref<128x64xf32, #tpu.memory_space<vmem>>, vector<16xf32>,
      }
      %scan3A_211 = arith.constant 128 : i32
      "tpu.region"() ({
        %run_scoped3A_212 = tpu.sem_alloc : memref<!tpu.dma_semaphore, #tpu.memory_space<semaphore_mem>>
        %dma_start3A_213 = arith.constant 0 : i32
        %dma_start3A_214 = tpu.memref_slice %arg15[%mul3A_206, %dma_start3A_213] : memref<10112x64xf32, #tpu.memory_space<vmem_shared>> -> memref<128x64xf32, #tpu.memory_space<vmem_shared>>
        %dma_start3A_215 = arith.constant 0 : i32
        %dma_start3A_216 = tpu.memref_slice %arg15[%mul3A_206, %dma_start3A_215] : memref<10112x64xf32, #tpu.memory_space<vmem_shared>> -> memref<128x64xf32, #tpu.memory_space<vmem_shared>>
        tpu.enqueue_dma source(%arg12 : memref<128x64xf32, #tpu.memory_space<vmem>>) target(%dma_start3A_216 : memref<128x64xf32, #tpu.memory_space<vmem_shared>>) target_semaphore(%run_scoped3A_212 : memref<!tpu.dma_semaphore, #tpu.memory_space<semaphore_mem>>)
        %dma_wait3A_217 = arith.constant 0 : i32
        %dma_wait3A_218 = tpu.memref_slice %arg15[%mul3A_206, %dma_wait3A_217] : memref<10112x64xf32, #tpu.memory_space<vmem_shared>> -> memref<128x64xf32, #tpu.memory_space<vmem_shared>>
        %dma_wait3A_219 = arith.constant 0 : i32
        %dma_wait3A_220 = tpu.memref_slice %arg15[%mul3A_206, %dma_wait3A_219] : memref<10112x64xf32, #tpu.memory_space<vmem_shared>> -> memref<128x64xf32, #tpu.memory_space<vmem_shared>>
        tpu.wait_dma2 semaphore(%run_scoped3A_212 : memref<!tpu.dma_semaphore, #tpu.memory_space<semaphore_mem>>) src(%arg12 : memref<128x64xf32, #tpu.memory_space<vmem>>) dst(%dma_wait3A_220 : memref<128x64xf32, #tpu.memory_space<vmem_shared>>)
        tpu.yield
      }) : () -> ()
    } else {
    }
    %mul3A_133 = arith.constant 5 : i32
    %mul3A_134 = arith.muli %arg1, %mul3A_133 : i32
    %add3A_135 = arith.constant 2 : i32
    %add3A_136 = arith.addi %mul3A_134, %add3A_135 : i32
    %lt3A_137 = arith.constant 79 : i32
    %lt3A_138 = arith.cmpi slt, %add3A_136, %lt3A_137 : i32
    %convert_element_type3A_139 = arith.extui %lt3A_138 : i1 to i32
    %cond3A_140 = arith.constant 0 : i32
    %cond3A_141 = arith.cmpi ne, %convert_element_type3A_139, %cond3A_140 : i32
    scf.if %cond3A_141 {
      %mul3A_205 = arith.constant 128 : i32
      %mul3A_206 = arith.muli %add3A_136, %mul3A_205 : i32
      "tpu.region"() ({
        %run_scoped3A_212 = tpu.sem_alloc : memref<!tpu.dma_semaphore, #tpu.memory_space<semaphore_mem>>
        %dma_start3A_213 = arith.constant 0 : i32
        %dma_start3A_214 = tpu.memref_slice %arg2[%arg0, %mul3A_206, %dma_start3A_213] : memref<2x10240x64xf32, #tpu.memory_space<hbm>> -> memref<1x128x64xf32, #tpu.memory_space<hbm>>
        %dma_start3A_215 = tpu.memref_squeeze %dma_start3A_214 : memref<1x128x64xf32, #tpu.memory_space<hbm>> -> memref<128x64xf32, #tpu.memory_space<hbm>>
        %dma_start3A_216 = arith.constant 0 : i32
        %dma_start3A_217 = tpu.memref_slice %arg2[%arg0, %mul3A_206, %dma_start3A_216] : memref<2x10240x64xf32, #tpu.memory_space<hbm>> -> memref<1x128x64xf32, #tpu.memory_space<hbm>>
        %dma_start3A_218 = tpu.memref_squeeze %dma_start3A_217 : memref<1x128x64xf32, #tpu.memory_space<hbm>> -> memref<128x64xf32, #tpu.memory_space<hbm>>
        tpu.enqueue_dma source(%dma_start3A_218 : memref<128x64xf32, #tpu.memory_space<hbm>>) target(%arg12 : memref<128x64xf32, #tpu.memory_space<vmem>>) target_semaphore(%run_scoped3A_212 : memref<!tpu.dma_semaphore, #tpu.memory_space<semaphore_mem>>)
        %dma_wait3A_219 = arith.constant 0 : i32
        %dma_wait3A_220 = tpu.memref_slice %arg2[%arg0, %mul3A_206, %dma_wait3A_219] : memref<2x10240x64xf32, #tpu.memory_space<hbm>> -> memref<1x128x64xf32, #tpu.memory_space<hbm>>
        %dma_wait3A_221 = tpu.memref_squeeze %dma_wait3A_220 : memref<1x128x64xf32, #tpu.memory_space<hbm>> -> memref<128x64xf32, #tpu.memory_space<hbm>>
        %dma_wait3A_222 = arith.constant 0 : i32
        %dma_wait3A_223 = tpu.memref_slice %arg2[%arg0, %mul3A_206, %dma_wait3A_222] : memref<2x10240x64xf32, #tpu.memory_space<hbm>> -> memref<1x128x64xf32, #tpu.memory_space<hbm>>
        %dma_wait3A_224 = tpu.memref_squeeze %dma_wait3A_223 : memref<1x128x64xf32, #tpu.memory_space<hbm>> -> memref<128x64xf32, #tpu.memory_space<hbm>>
        tpu.wait_dma2 semaphore(%run_scoped3A_212 : memref<!tpu.dma_semaphore, #tpu.memory_space<semaphore_mem>>) src(%dma_wait3A_224 : memref<128x64xf32, #tpu.memory_space<hbm>>) dst(%arg12 : memref<128x64xf32, #tpu.memory_space<vmem>>)
        tpu.yield
      }) : () -> ()
      %scan3A_207 = arith.constant 0 : i32
      %scan3A_208 = arith.constant 128 : i32
      %scan3A_209 = arith.addi %scan3A_207, %scan3A_208 : i32
      %scan3A_210 = arith.constant 1 : i32
      scf.for %scan3A_212 = %scan3A_207 to %scan3A_209 step %scan3A_210  : i32 {
        %add3A_213 = arith.addi %mul3A_206, %scan3A_212 : i32
        %broadcast_in_dim3A_214 = vector.broadcast %add3A_213 : i32 to vector<16xi32>
        %shift_right_logical3A = arith.constant 6 : i32
        %shift_right_logical3A_215 = vector.broadcast %shift_right_logical3A : i32 to vector<16xi32>
        %shift_right_logical3A_216 = arith.shrui %broadcast_in_dim3A_214, %shift_right_logical3A_215 : vector<16xi32>
        %and3A = arith.constant 63 : i32
        %and3A_217 = vector.broadcast %and3A : i32 to vector<16xi32>
        %and3A_218 = arith.andi %broadcast_in_dim3A_214, %and3A_217 : vector<16xi32>
        %gather3A = tpu.vector_load_idx %arg10[%shift_right_logical3A_216, %and3A_218] : memref<160x64xf32, #tpu.memory_space<vmem>>[vector<16xi32>, vector<16xi32>], vector<16xf32>,
        %mul3A_219 = arith.mulf %gather3A, %gather3A : vector<16xf32>
        %get3A = arith.index_cast %scan3A_212 : i32 to index
        %get3A_220 = arith.constant 0 : index
        %get3A_221 = tpu.vector_load %arg12[%get3A, %get3A_220] {strides = array<i32>} : memref<128x64xf32, #tpu.memory_space<vmem>>, vector<16xf32>,
        %mul3A_222 = arith.mulf %get3A_221, %mul3A_219 : vector<16xf32>
        %swap3A_223 = arith.index_cast %scan3A_212 : i32 to index
        %swap3A_224 = arith.constant 0 : index
        %swap3A_225 = tpu.vector_load %arg12[%swap3A_223, %swap3A_224] {strides = array<i32>} : memref<128x64xf32, #tpu.memory_space<vmem>>, vector<16xf32>,
        tpu.vector_store %arg12[%swap3A_223, %swap3A_224], %mul3A_222 {strides = array<i32>} : memref<128x64xf32, #tpu.memory_space<vmem>>, vector<16xf32>,
        %get3A_226 = arith.index_cast %scan3A_212 : i32 to index
        %get3A_227 = arith.constant 16 : index
        %get3A_228 = tpu.vector_load %arg12[%get3A_226, %get3A_227] {strides = array<i32>} : memref<128x64xf32, #tpu.memory_space<vmem>>, vector<16xf32>,
        %mul3A_229 = arith.mulf %get3A_228, %mul3A_219 : vector<16xf32>
        %swap3A_230 = arith.index_cast %scan3A_212 : i32 to index
        %swap3A_231 = arith.constant 16 : index
        %swap3A_232 = tpu.vector_load %arg12[%swap3A_230, %swap3A_231] {strides = array<i32>} : memref<128x64xf32, #tpu.memory_space<vmem>>, vector<16xf32>,
        tpu.vector_store %arg12[%swap3A_230, %swap3A_231], %mul3A_229 {strides = array<i32>} : memref<128x64xf32, #tpu.memory_space<vmem>>, vector<16xf32>,
        %get3A_233 = arith.index_cast %scan3A_212 : i32 to index
        %get3A_234 = arith.constant 32 : index
        %get3A_235 = tpu.vector_load %arg12[%get3A_233, %get3A_234] {strides = array<i32>} : memref<128x64xf32, #tpu.memory_space<vmem>>, vector<16xf32>,
        %mul3A_236 = arith.mulf %get3A_235, %mul3A_219 : vector<16xf32>
        %swap3A_237 = arith.index_cast %scan3A_212 : i32 to index
        %swap3A_238 = arith.constant 32 : index
        %swap3A_239 = tpu.vector_load %arg12[%swap3A_237, %swap3A_238] {strides = array<i32>} : memref<128x64xf32, #tpu.memory_space<vmem>>, vector<16xf32>,
        tpu.vector_store %arg12[%swap3A_237, %swap3A_238], %mul3A_236 {strides = array<i32>} : memref<128x64xf32, #tpu.memory_space<vmem>>, vector<16xf32>,
        %get3A_240 = arith.index_cast %scan3A_212 : i32 to index
        %get3A_241 = arith.constant 48 : index
        %get3A_242 = tpu.vector_load %arg12[%get3A_240, %get3A_241] {strides = array<i32>} : memref<128x64xf32, #tpu.memory_space<vmem>>, vector<16xf32>,
        %mul3A_243 = arith.mulf %get3A_242, %mul3A_219 : vector<16xf32>
        %swap3A_244 = arith.index_cast %scan3A_212 : i32 to index
        %swap3A_245 = arith.constant 48 : index
        %swap3A_246 = tpu.vector_load %arg12[%swap3A_244, %swap3A_245] {strides = array<i32>} : memref<128x64xf32, #tpu.memory_space<vmem>>, vector<16xf32>,
        tpu.vector_store %arg12[%swap3A_244, %swap3A_245], %mul3A_243 {strides = array<i32>} : memref<128x64xf32, #tpu.memory_space<vmem>>, vector<16xf32>,
      }
      %scan3A_211 = arith.constant 128 : i32
      "tpu.region"() ({
        %run_scoped3A_212 = tpu.sem_alloc : memref<!tpu.dma_semaphore, #tpu.memory_space<semaphore_mem>>
        %dma_start3A_213 = arith.constant 0 : i32
        %dma_start3A_214 = tpu.memref_slice %arg15[%mul3A_206, %dma_start3A_213] : memref<10112x64xf32, #tpu.memory_space<vmem_shared>> -> memref<128x64xf32, #tpu.memory_space<vmem_shared>>
        %dma_start3A_215 = arith.constant 0 : i32
        %dma_start3A_216 = tpu.memref_slice %arg15[%mul3A_206, %dma_start3A_215] : memref<10112x64xf32, #tpu.memory_space<vmem_shared>> -> memref<128x64xf32, #tpu.memory_space<vmem_shared>>
        tpu.enqueue_dma source(%arg12 : memref<128x64xf32, #tpu.memory_space<vmem>>) target(%dma_start3A_216 : memref<128x64xf32, #tpu.memory_space<vmem_shared>>) target_semaphore(%run_scoped3A_212 : memref<!tpu.dma_semaphore, #tpu.memory_space<semaphore_mem>>)
        %dma_wait3A_217 = arith.constant 0 : i32
        %dma_wait3A_218 = tpu.memref_slice %arg15[%mul3A_206, %dma_wait3A_217] : memref<10112x64xf32, #tpu.memory_space<vmem_shared>> -> memref<128x64xf32, #tpu.memory_space<vmem_shared>>
        %dma_wait3A_219 = arith.constant 0 : i32
        %dma_wait3A_220 = tpu.memref_slice %arg15[%mul3A_206, %dma_wait3A_219] : memref<10112x64xf32, #tpu.memory_space<vmem_shared>> -> memref<128x64xf32, #tpu.memory_space<vmem_shared>>
        tpu.wait_dma2 semaphore(%run_scoped3A_212 : memref<!tpu.dma_semaphore, #tpu.memory_space<semaphore_mem>>) src(%arg12 : memref<128x64xf32, #tpu.memory_space<vmem>>) dst(%dma_wait3A_220 : memref<128x64xf32, #tpu.memory_space<vmem_shared>>)
        tpu.yield
      }) : () -> ()
    } else {
    }
    %mul3A_142 = arith.constant 5 : i32
    %mul3A_143 = arith.muli %arg1, %mul3A_142 : i32
    %add3A_144 = arith.constant 3 : i32
    %add3A_145 = arith.addi %mul3A_143, %add3A_144 : i32
    %lt3A_146 = arith.constant 79 : i32
    %lt3A_147 = arith.cmpi slt, %add3A_145, %lt3A_146 : i32
    %convert_element_type3A_148 = arith.extui %lt3A_147 : i1 to i32
    %cond3A_149 = arith.constant 0 : i32
    %cond3A_150 = arith.cmpi ne, %convert_element_type3A_148, %cond3A_149 : i32
    scf.if %cond3A_150 {
      %mul3A_205 = arith.constant 128 : i32
      %mul3A_206 = arith.muli %add3A_145, %mul3A_205 : i32
      "tpu.region"() ({
        %run_scoped3A_212 = tpu.sem_alloc : memref<!tpu.dma_semaphore, #tpu.memory_space<semaphore_mem>>
        %dma_start3A_213 = arith.constant 0 : i32
        %dma_start3A_214 = tpu.memref_slice %arg2[%arg0, %mul3A_206, %dma_start3A_213] : memref<2x10240x64xf32, #tpu.memory_space<hbm>> -> memref<1x128x64xf32, #tpu.memory_space<hbm>>
        %dma_start3A_215 = tpu.memref_squeeze %dma_start3A_214 : memref<1x128x64xf32, #tpu.memory_space<hbm>> -> memref<128x64xf32, #tpu.memory_space<hbm>>
        %dma_start3A_216 = arith.constant 0 : i32
        %dma_start3A_217 = tpu.memref_slice %arg2[%arg0, %mul3A_206, %dma_start3A_216] : memref<2x10240x64xf32, #tpu.memory_space<hbm>> -> memref<1x128x64xf32, #tpu.memory_space<hbm>>
        %dma_start3A_218 = tpu.memref_squeeze %dma_start3A_217 : memref<1x128x64xf32, #tpu.memory_space<hbm>> -> memref<128x64xf32, #tpu.memory_space<hbm>>
        tpu.enqueue_dma source(%dma_start3A_218 : memref<128x64xf32, #tpu.memory_space<hbm>>) target(%arg12 : memref<128x64xf32, #tpu.memory_space<vmem>>) target_semaphore(%run_scoped3A_212 : memref<!tpu.dma_semaphore, #tpu.memory_space<semaphore_mem>>)
        %dma_wait3A_219 = arith.constant 0 : i32
        %dma_wait3A_220 = tpu.memref_slice %arg2[%arg0, %mul3A_206, %dma_wait3A_219] : memref<2x10240x64xf32, #tpu.memory_space<hbm>> -> memref<1x128x64xf32, #tpu.memory_space<hbm>>
        %dma_wait3A_221 = tpu.memref_squeeze %dma_wait3A_220 : memref<1x128x64xf32, #tpu.memory_space<hbm>> -> memref<128x64xf32, #tpu.memory_space<hbm>>
        %dma_wait3A_222 = arith.constant 0 : i32
        %dma_wait3A_223 = tpu.memref_slice %arg2[%arg0, %mul3A_206, %dma_wait3A_222] : memref<2x10240x64xf32, #tpu.memory_space<hbm>> -> memref<1x128x64xf32, #tpu.memory_space<hbm>>
        %dma_wait3A_224 = tpu.memref_squeeze %dma_wait3A_223 : memref<1x128x64xf32, #tpu.memory_space<hbm>> -> memref<128x64xf32, #tpu.memory_space<hbm>>
        tpu.wait_dma2 semaphore(%run_scoped3A_212 : memref<!tpu.dma_semaphore, #tpu.memory_space<semaphore_mem>>) src(%dma_wait3A_224 : memref<128x64xf32, #tpu.memory_space<hbm>>) dst(%arg12 : memref<128x64xf32, #tpu.memory_space<vmem>>)
        tpu.yield
      }) : () -> ()
      %scan3A_207 = arith.constant 0 : i32
      %scan3A_208 = arith.constant 128 : i32
      %scan3A_209 = arith.addi %scan3A_207, %scan3A_208 : i32
      %scan3A_210 = arith.constant 1 : i32
      scf.for %scan3A_212 = %scan3A_207 to %scan3A_209 step %scan3A_210  : i32 {
        %add3A_213 = arith.addi %mul3A_206, %scan3A_212 : i32
        %broadcast_in_dim3A_214 = vector.broadcast %add3A_213 : i32 to vector<16xi32>
        %shift_right_logical3A = arith.constant 6 : i32
        %shift_right_logical3A_215 = vector.broadcast %shift_right_logical3A : i32 to vector<16xi32>
        %shift_right_logical3A_216 = arith.shrui %broadcast_in_dim3A_214, %shift_right_logical3A_215 : vector<16xi32>
        %and3A = arith.constant 63 : i32
        %and3A_217 = vector.broadcast %and3A : i32 to vector<16xi32>
        %and3A_218 = arith.andi %broadcast_in_dim3A_214, %and3A_217 : vector<16xi32>
        %gather3A = tpu.vector_load_idx %arg10[%shift_right_logical3A_216, %and3A_218] : memref<160x64xf32, #tpu.memory_space<vmem>>[vector<16xi32>, vector<16xi32>], vector<16xf32>,
        %mul3A_219 = arith.mulf %gather3A, %gather3A : vector<16xf32>
        %get3A = arith.index_cast %scan3A_212 : i32 to index
        %get3A_220 = arith.constant 0 : index
        %get3A_221 = tpu.vector_load %arg12[%get3A, %get3A_220] {strides = array<i32>} : memref<128x64xf32, #tpu.memory_space<vmem>>, vector<16xf32>,
        %mul3A_222 = arith.mulf %get3A_221, %mul3A_219 : vector<16xf32>
        %swap3A_223 = arith.index_cast %scan3A_212 : i32 to index
        %swap3A_224 = arith.constant 0 : index
        %swap3A_225 = tpu.vector_load %arg12[%swap3A_223, %swap3A_224] {strides = array<i32>} : memref<128x64xf32, #tpu.memory_space<vmem>>, vector<16xf32>,
        tpu.vector_store %arg12[%swap3A_223, %swap3A_224], %mul3A_222 {strides = array<i32>} : memref<128x64xf32, #tpu.memory_space<vmem>>, vector<16xf32>,
        %get3A_226 = arith.index_cast %scan3A_212 : i32 to index
        %get3A_227 = arith.constant 16 : index
        %get3A_228 = tpu.vector_load %arg12[%get3A_226, %get3A_227] {strides = array<i32>} : memref<128x64xf32, #tpu.memory_space<vmem>>, vector<16xf32>,
        %mul3A_229 = arith.mulf %get3A_228, %mul3A_219 : vector<16xf32>
        %swap3A_230 = arith.index_cast %scan3A_212 : i32 to index
        %swap3A_231 = arith.constant 16 : index
        %swap3A_232 = tpu.vector_load %arg12[%swap3A_230, %swap3A_231] {strides = array<i32>} : memref<128x64xf32, #tpu.memory_space<vmem>>, vector<16xf32>,
        tpu.vector_store %arg12[%swap3A_230, %swap3A_231], %mul3A_229 {strides = array<i32>} : memref<128x64xf32, #tpu.memory_space<vmem>>, vector<16xf32>,
        %get3A_233 = arith.index_cast %scan3A_212 : i32 to index
        %get3A_234 = arith.constant 32 : index
        %get3A_235 = tpu.vector_load %arg12[%get3A_233, %get3A_234] {strides = array<i32>} : memref<128x64xf32, #tpu.memory_space<vmem>>, vector<16xf32>,
        %mul3A_236 = arith.mulf %get3A_235, %mul3A_219 : vector<16xf32>
        %swap3A_237 = arith.index_cast %scan3A_212 : i32 to index
        %swap3A_238 = arith.constant 32 : index
        %swap3A_239 = tpu.vector_load %arg12[%swap3A_237, %swap3A_238] {strides = array<i32>} : memref<128x64xf32, #tpu.memory_space<vmem>>, vector<16xf32>,
        tpu.vector_store %arg12[%swap3A_237, %swap3A_238], %mul3A_236 {strides = array<i32>} : memref<128x64xf32, #tpu.memory_space<vmem>>, vector<16xf32>,
        %get3A_240 = arith.index_cast %scan3A_212 : i32 to index
        %get3A_241 = arith.constant 48 : index
        %get3A_242 = tpu.vector_load %arg12[%get3A_240, %get3A_241] {strides = array<i32>} : memref<128x64xf32, #tpu.memory_space<vmem>>, vector<16xf32>,
        %mul3A_243 = arith.mulf %get3A_242, %mul3A_219 : vector<16xf32>
        %swap3A_244 = arith.index_cast %scan3A_212 : i32 to index
        %swap3A_245 = arith.constant 48 : index
        %swap3A_246 = tpu.vector_load %arg12[%swap3A_244, %swap3A_245] {strides = array<i32>} : memref<128x64xf32, #tpu.memory_space<vmem>>, vector<16xf32>,
        tpu.vector_store %arg12[%swap3A_244, %swap3A_245], %mul3A_243 {strides = array<i32>} : memref<128x64xf32, #tpu.memory_space<vmem>>, vector<16xf32>,
      }
      %scan3A_211 = arith.constant 128 : i32
      "tpu.region"() ({
        %run_scoped3A_212 = tpu.sem_alloc : memref<!tpu.dma_semaphore, #tpu.memory_space<semaphore_mem>>
        %dma_start3A_213 = arith.constant 0 : i32
        %dma_start3A_214 = tpu.memref_slice %arg15[%mul3A_206, %dma_start3A_213] : memref<10112x64xf32, #tpu.memory_space<vmem_shared>> -> memref<128x64xf32, #tpu.memory_space<vmem_shared>>
        %dma_start3A_215 = arith.constant 0 : i32
        %dma_start3A_216 = tpu.memref_slice %arg15[%mul3A_206, %dma_start3A_215] : memref<10112x64xf32, #tpu.memory_space<vmem_shared>> -> memref<128x64xf32, #tpu.memory_space<vmem_shared>>
        tpu.enqueue_dma source(%arg12 : memref<128x64xf32, #tpu.memory_space<vmem>>) target(%dma_start3A_216 : memref<128x64xf32, #tpu.memory_space<vmem_shared>>) target_semaphore(%run_scoped3A_212 : memref<!tpu.dma_semaphore, #tpu.memory_space<semaphore_mem>>)
        %dma_wait3A_217 = arith.constant 0 : i32
        %dma_wait3A_218 = tpu.memref_slice %arg15[%mul3A_206, %dma_wait3A_217] : memref<10112x64xf32, #tpu.memory_space<vmem_shared>> -> memref<128x64xf32, #tpu.memory_space<vmem_shared>>
        %dma_wait3A_219 = arith.constant 0 : i32
        %dma_wait3A_220 = tpu.memref_slice %arg15[%mul3A_206, %dma_wait3A_219] : memref<10112x64xf32, #tpu.memory_space<vmem_shared>> -> memref<128x64xf32, #tpu.memory_space<vmem_shared>>
        tpu.wait_dma2 semaphore(%run_scoped3A_212 : memref<!tpu.dma_semaphore, #tpu.memory_space<semaphore_mem>>) src(%arg12 : memref<128x64xf32, #tpu.memory_space<vmem>>) dst(%dma_wait3A_220 : memref<128x64xf32, #tpu.memory_space<vmem_shared>>)
        tpu.yield
      }) : () -> ()
    } else {
    }
    %mul3A_151 = arith.constant 5 : i32
    %mul3A_152 = arith.muli %arg1, %mul3A_151 : i32
    %add3A_153 = arith.constant 4 : i32
    %add3A_154 = arith.addi %mul3A_152, %add3A_153 : i32
    %lt3A_155 = arith.constant 79 : i32
    %lt3A_156 = arith.cmpi slt, %add3A_154, %lt3A_155 : i32
    %convert_element_type3A_157 = arith.extui %lt3A_156 : i1 to i32
    %cond3A_158 = arith.constant 0 : i32
    %cond3A_159 = arith.cmpi ne, %convert_element_type3A_157, %cond3A_158 : i32
    scf.if %cond3A_159 {
      %mul3A_205 = arith.constant 128 : i32
      %mul3A_206 = arith.muli %add3A_154, %mul3A_205 : i32
      "tpu.region"() ({
        %run_scoped3A_212 = tpu.sem_alloc : memref<!tpu.dma_semaphore, #tpu.memory_space<semaphore_mem>>
        %dma_start3A_213 = arith.constant 0 : i32
        %dma_start3A_214 = tpu.memref_slice %arg2[%arg0, %mul3A_206, %dma_start3A_213] : memref<2x10240x64xf32, #tpu.memory_space<hbm>> -> memref<1x128x64xf32, #tpu.memory_space<hbm>>
        %dma_start3A_215 = tpu.memref_squeeze %dma_start3A_214 : memref<1x128x64xf32, #tpu.memory_space<hbm>> -> memref<128x64xf32, #tpu.memory_space<hbm>>
        %dma_start3A_216 = arith.constant 0 : i32
        %dma_start3A_217 = tpu.memref_slice %arg2[%arg0, %mul3A_206, %dma_start3A_216] : memref<2x10240x64xf32, #tpu.memory_space<hbm>> -> memref<1x128x64xf32, #tpu.memory_space<hbm>>
        %dma_start3A_218 = tpu.memref_squeeze %dma_start3A_217 : memref<1x128x64xf32, #tpu.memory_space<hbm>> -> memref<128x64xf32, #tpu.memory_space<hbm>>
        tpu.enqueue_dma source(%dma_start3A_218 : memref<128x64xf32, #tpu.memory_space<hbm>>) target(%arg12 : memref<128x64xf32, #tpu.memory_space<vmem>>) target_semaphore(%run_scoped3A_212 : memref<!tpu.dma_semaphore, #tpu.memory_space<semaphore_mem>>)
        %dma_wait3A_219 = arith.constant 0 : i32
        %dma_wait3A_220 = tpu.memref_slice %arg2[%arg0, %mul3A_206, %dma_wait3A_219] : memref<2x10240x64xf32, #tpu.memory_space<hbm>> -> memref<1x128x64xf32, #tpu.memory_space<hbm>>
        %dma_wait3A_221 = tpu.memref_squeeze %dma_wait3A_220 : memref<1x128x64xf32, #tpu.memory_space<hbm>> -> memref<128x64xf32, #tpu.memory_space<hbm>>
        %dma_wait3A_222 = arith.constant 0 : i32
        %dma_wait3A_223 = tpu.memref_slice %arg2[%arg0, %mul3A_206, %dma_wait3A_222] : memref<2x10240x64xf32, #tpu.memory_space<hbm>> -> memref<1x128x64xf32, #tpu.memory_space<hbm>>
        %dma_wait3A_224 = tpu.memref_squeeze %dma_wait3A_223 : memref<1x128x64xf32, #tpu.memory_space<hbm>> -> memref<128x64xf32, #tpu.memory_space<hbm>>
        tpu.wait_dma2 semaphore(%run_scoped3A_212 : memref<!tpu.dma_semaphore, #tpu.memory_space<semaphore_mem>>) src(%dma_wait3A_224 : memref<128x64xf32, #tpu.memory_space<hbm>>) dst(%arg12 : memref<128x64xf32, #tpu.memory_space<vmem>>)
        tpu.yield
      }) : () -> ()
      %scan3A_207 = arith.constant 0 : i32
      %scan3A_208 = arith.constant 128 : i32
      %scan3A_209 = arith.addi %scan3A_207, %scan3A_208 : i32
      %scan3A_210 = arith.constant 1 : i32
      scf.for %scan3A_212 = %scan3A_207 to %scan3A_209 step %scan3A_210  : i32 {
        %add3A_213 = arith.addi %mul3A_206, %scan3A_212 : i32
        %broadcast_in_dim3A_214 = vector.broadcast %add3A_213 : i32 to vector<16xi32>
        %shift_right_logical3A = arith.constant 6 : i32
        %shift_right_logical3A_215 = vector.broadcast %shift_right_logical3A : i32 to vector<16xi32>
        %shift_right_logical3A_216 = arith.shrui %broadcast_in_dim3A_214, %shift_right_logical3A_215 : vector<16xi32>
        %and3A = arith.constant 63 : i32
        %and3A_217 = vector.broadcast %and3A : i32 to vector<16xi32>
        %and3A_218 = arith.andi %broadcast_in_dim3A_214, %and3A_217 : vector<16xi32>
        %gather3A = tpu.vector_load_idx %arg10[%shift_right_logical3A_216, %and3A_218] : memref<160x64xf32, #tpu.memory_space<vmem>>[vector<16xi32>, vector<16xi32>], vector<16xf32>,
        %mul3A_219 = arith.mulf %gather3A, %gather3A : vector<16xf32>
        %get3A = arith.index_cast %scan3A_212 : i32 to index
        %get3A_220 = arith.constant 0 : index
        %get3A_221 = tpu.vector_load %arg12[%get3A, %get3A_220] {strides = array<i32>} : memref<128x64xf32, #tpu.memory_space<vmem>>, vector<16xf32>,
        %mul3A_222 = arith.mulf %get3A_221, %mul3A_219 : vector<16xf32>
        %swap3A_223 = arith.index_cast %scan3A_212 : i32 to index
        %swap3A_224 = arith.constant 0 : index
        %swap3A_225 = tpu.vector_load %arg12[%swap3A_223, %swap3A_224] {strides = array<i32>} : memref<128x64xf32, #tpu.memory_space<vmem>>, vector<16xf32>,
        tpu.vector_store %arg12[%swap3A_223, %swap3A_224], %mul3A_222 {strides = array<i32>} : memref<128x64xf32, #tpu.memory_space<vmem>>, vector<16xf32>,
        %get3A_226 = arith.index_cast %scan3A_212 : i32 to index
        %get3A_227 = arith.constant 16 : index
        %get3A_228 = tpu.vector_load %arg12[%get3A_226, %get3A_227] {strides = array<i32>} : memref<128x64xf32, #tpu.memory_space<vmem>>, vector<16xf32>,
        %mul3A_229 = arith.mulf %get3A_228, %mul3A_219 : vector<16xf32>
        %swap3A_230 = arith.index_cast %scan3A_212 : i32 to index
        %swap3A_231 = arith.constant 16 : index
        %swap3A_232 = tpu.vector_load %arg12[%swap3A_230, %swap3A_231] {strides = array<i32>} : memref<128x64xf32, #tpu.memory_space<vmem>>, vector<16xf32>,
        tpu.vector_store %arg12[%swap3A_230, %swap3A_231], %mul3A_229 {strides = array<i32>} : memref<128x64xf32, #tpu.memory_space<vmem>>, vector<16xf32>,
        %get3A_233 = arith.index_cast %scan3A_212 : i32 to index
        %get3A_234 = arith.constant 32 : index
        %get3A_235 = tpu.vector_load %arg12[%get3A_233, %get3A_234] {strides = array<i32>} : memref<128x64xf32, #tpu.memory_space<vmem>>, vector<16xf32>,
        %mul3A_236 = arith.mulf %get3A_235, %mul3A_219 : vector<16xf32>
        %swap3A_237 = arith.index_cast %scan3A_212 : i32 to index
        %swap3A_238 = arith.constant 32 : index
        %swap3A_239 = tpu.vector_load %arg12[%swap3A_237, %swap3A_238] {strides = array<i32>} : memref<128x64xf32, #tpu.memory_space<vmem>>, vector<16xf32>,
        tpu.vector_store %arg12[%swap3A_237, %swap3A_238], %mul3A_236 {strides = array<i32>} : memref<128x64xf32, #tpu.memory_space<vmem>>, vector<16xf32>,
        %get3A_240 = arith.index_cast %scan3A_212 : i32 to index
        %get3A_241 = arith.constant 48 : index
        %get3A_242 = tpu.vector_load %arg12[%get3A_240, %get3A_241] {strides = array<i32>} : memref<128x64xf32, #tpu.memory_space<vmem>>, vector<16xf32>,
        %mul3A_243 = arith.mulf %get3A_242, %mul3A_219 : vector<16xf32>
        %swap3A_244 = arith.index_cast %scan3A_212 : i32 to index
        %swap3A_245 = arith.constant 48 : index
        %swap3A_246 = tpu.vector_load %arg12[%swap3A_244, %swap3A_245] {strides = array<i32>} : memref<128x64xf32, #tpu.memory_space<vmem>>, vector<16xf32>,
        tpu.vector_store %arg12[%swap3A_244, %swap3A_245], %mul3A_243 {strides = array<i32>} : memref<128x64xf32, #tpu.memory_space<vmem>>, vector<16xf32>,
      }
      %scan3A_211 = arith.constant 128 : i32
      "tpu.region"() ({
        %run_scoped3A_212 = tpu.sem_alloc : memref<!tpu.dma_semaphore, #tpu.memory_space<semaphore_mem>>
        %dma_start3A_213 = arith.constant 0 : i32
        %dma_start3A_214 = tpu.memref_slice %arg15[%mul3A_206, %dma_start3A_213] : memref<10112x64xf32, #tpu.memory_space<vmem_shared>> -> memref<128x64xf32, #tpu.memory_space<vmem_shared>>
        %dma_start3A_215 = arith.constant 0 : i32
        %dma_start3A_216 = tpu.memref_slice %arg15[%mul3A_206, %dma_start3A_215] : memref<10112x64xf32, #tpu.memory_space<vmem_shared>> -> memref<128x64xf32, #tpu.memory_space<vmem_shared>>
        tpu.enqueue_dma source(%arg12 : memref<128x64xf32, #tpu.memory_space<vmem>>) target(%dma_start3A_216 : memref<128x64xf32, #tpu.memory_space<vmem_shared>>) target_semaphore(%run_scoped3A_212 : memref<!tpu.dma_semaphore, #tpu.memory_space<semaphore_mem>>)
        %dma_wait3A_217 = arith.constant 0 : i32
        %dma_wait3A_218 = tpu.memref_slice %arg15[%mul3A_206, %dma_wait3A_217] : memref<10112x64xf32, #tpu.memory_space<vmem_shared>> -> memref<128x64xf32, #tpu.memory_space<vmem_shared>>
        %dma_wait3A_219 = arith.constant 0 : i32
        %dma_wait3A_220 = tpu.memref_slice %arg15[%mul3A_206, %dma_wait3A_219] : memref<10112x64xf32, #tpu.memory_space<vmem_shared>> -> memref<128x64xf32, #tpu.memory_space<vmem_shared>>
        tpu.wait_dma2 semaphore(%run_scoped3A_212 : memref<!tpu.dma_semaphore, #tpu.memory_space<semaphore_mem>>) src(%arg12 : memref<128x64xf32, #tpu.memory_space<vmem>>) dst(%dma_wait3A_220 : memref<128x64xf32, #tpu.memory_space<vmem_shared>>)
        tpu.yield
      }) : () -> ()
    } else {
    }
    %barrier3A_160 = arith.constant 0 : index
    tpu.barrier barrier_id(%barrier3A_160)
    %dma_start3A = arith.constant 0 : i32
    %dma_start3A_161 = arith.constant 0 : i32
    %dma_start3A_162 = tpu.memref_slice %arg7[%dma_start3A, %dma_start3A_161] : memref<160x128xi32, #tpu.memory_space<vmem>> -> memref<1x128xi32, #tpu.memory_space<vmem>>
    %dma_start3A_163 = tpu.memref_squeeze %dma_start3A_162 : memref<1x128xi32, #tpu.memory_space<vmem>> -> memref<128xi32, #tpu.memory_space<vmem>>
    %dma_start3A_164 = arith.constant 0 : i32
    %dma_start3A_165 = arith.constant 0 : i32
    %dma_start3A_166 = tpu.memref_slice %arg2[%arg0, %dma_start3A_164, %dma_start3A_165] : memref<2x10240x64xf32, #tpu.memory_space<hbm>> -> memref<1x10240x64xf32, #tpu.memory_space<hbm>>
    %dma_start3A_167 = tpu.memref_squeeze %dma_start3A_166 : memref<1x10240x64xf32, #tpu.memory_space<hbm>> -> memref<10240x64xf32, #tpu.memory_space<hbm>>
    %dma_start3A_168 = arith.constant 0 : i32
    %dma_start3A_169 = arith.constant 0 : i32
    %dma_start3A_170 = tpu.memref_slice %dma_start3A_167[%dma_start3A_168, %dma_start3A_169] : memref<10240x64xf32, #tpu.memory_space<hbm>> -> memref<10240x64xf32, #tpu.memory_space<hbm>>
    tpu.enqueue_indirect_dma source(%dma_start3A_170 : memref<10240x64xf32, #tpu.memory_space<hbm>>) target(%arg12 : memref<128x64xf32, #tpu.memory_space<vmem>>) offsets(%dma_start3A_163 : memref<128xi32, #tpu.memory_space<vmem>>) semaphore(%arg17 : memref<!tpu.dma_semaphore, #tpu.memory_space<semaphore_mem>>)
    %dma_start3A_171 = arith.constant 1 : i32
    %dma_start3A_172 = arith.constant 0 : i32
    %dma_start3A_173 = tpu.memref_slice %arg7[%dma_start3A_171, %dma_start3A_172] : memref<160x128xi32, #tpu.memory_space<vmem>> -> memref<1x128xi32, #tpu.memory_space<vmem>>
    %dma_start3A_174 = tpu.memref_squeeze %dma_start3A_173 : memref<1x128xi32, #tpu.memory_space<vmem>> -> memref<128xi32, #tpu.memory_space<vmem>>
    %dma_start3A_175 = arith.constant 0 : i32
    %dma_start3A_176 = arith.constant 0 : i32
    %dma_start3A_177 = tpu.memref_slice %arg2[%arg0, %dma_start3A_175, %dma_start3A_176] : memref<2x10240x64xf32, #tpu.memory_space<hbm>> -> memref<1x10240x64xf32, #tpu.memory_space<hbm>>
    %dma_start3A_178 = tpu.memref_squeeze %dma_start3A_177 : memref<1x10240x64xf32, #tpu.memory_space<hbm>> -> memref<10240x64xf32, #tpu.memory_space<hbm>>
    %dma_start3A_179 = arith.constant 0 : i32
    %dma_start3A_180 = arith.constant 0 : i32
    %dma_start3A_181 = tpu.memref_slice %dma_start3A_178[%dma_start3A_179, %dma_start3A_180] : memref<10240x64xf32, #tpu.memory_space<hbm>> -> memref<10240x64xf32, #tpu.memory_space<hbm>>
    tpu.enqueue_indirect_dma source(%dma_start3A_181 : memref<10240x64xf32, #tpu.memory_space<hbm>>) target(%arg13 : memref<128x64xf32, #tpu.memory_space<vmem>>) offsets(%dma_start3A_174 : memref<128xi32, #tpu.memory_space<vmem>>) semaphore(%arg18 : memref<!tpu.dma_semaphore, #tpu.memory_space<semaphore_mem>>)
    %scan3A_182 = arith.constant 0 : i32
    %scan3A_183 = arith.constant 80 : i32
    %scan3A_184 = arith.addi %scan3A_182, %scan3A_183 : i32
    %scan3A_185 = arith.constant 1 : i32
    scf.for %scan3A_205 = %scan3A_182 to %scan3A_184 step %scan3A_185  : i32 {
      %mul3A_206 = arith.constant 2 : i32
      %mul3A_207 = arith.muli %mul3A_206, %scan3A_205 : i32
      %add3A_208 = arith.constant 0 : i32
      %add3A_209 = arith.addi %mul3A_207, %add3A_208 : i32
      %dma_wait3A_210 = arith.constant 0 : i32
      %dma_wait3A_211 = tpu.memref_slice %arg7[%add3A_209, %dma_wait3A_210] : memref<160x128xi32, #tpu.memory_space<vmem>> -> memref<1x128xi32, #tpu.memory_space<vmem>>
      %dma_wait3A_212 = tpu.memref_squeeze %dma_wait3A_211 : memref<1x128xi32, #tpu.memory_space<vmem>> -> memref<128xi32, #tpu.memory_space<vmem>>
      %dma_wait3A_213 = arith.constant 0 : i32
      %dma_wait3A_214 = arith.constant 0 : i32
      %dma_wait3A_215 = tpu.memref_slice %arg2[%arg0, %dma_wait3A_213, %dma_wait3A_214] : memref<2x10240x64xf32, #tpu.memory_space<hbm>> -> memref<1x10240x64xf32, #tpu.memory_space<hbm>>
      %dma_wait3A_216 = tpu.memref_squeeze %dma_wait3A_215 : memref<1x10240x64xf32, #tpu.memory_space<hbm>> -> memref<10240x64xf32, #tpu.memory_space<hbm>>
      %dma_wait3A_217 = arith.constant 0 : i32
      %dma_wait3A_218 = arith.constant 0 : i32
      %dma_wait3A_219 = tpu.memref_slice %dma_wait3A_216[%dma_wait3A_217, %dma_wait3A_218] : memref<10240x64xf32, #tpu.memory_space<hbm>> -> memref<10240x64xf32, #tpu.memory_space<hbm>>
      tpu.wait_indirect_dma semaphore(%arg17 : memref<!tpu.dma_semaphore, #tpu.memory_space<semaphore_mem>>) src(%dma_wait3A_219 : memref<10240x64xf32, #tpu.memory_space<hbm>>) dst(%arg12 : memref<128x64xf32, #tpu.memory_space<vmem>>)
      %scan3A_220 = arith.constant 0 : i32
      %scan3A_221 = arith.constant 16 : i32
      %scan3A_222 = arith.addi %scan3A_220, %scan3A_221 : i32
      %scan3A_223 = arith.constant 1 : i32
      scf.for %scan3A_278 = %scan3A_220 to %scan3A_222 step %scan3A_223  : i32 {
        %mul3A_279 = arith.constant 8 : i32
        %mul3A_280 = arith.muli %scan3A_278, %mul3A_279 : i32
        %add3A_281 = arith.constant 0 : i32
        %add3A_282 = arith.addi %mul3A_280, %add3A_281 : i32
        %broadcast_in_dim3A_283 = vector.broadcast %add3A_209 : i32 to vector<16xi32>
        %broadcast_in_dim3A_284 = vector.broadcast %add3A_282 : i32 to vector<16xi32>
        %gather3A = tpu.vector_load_idx %arg9[%broadcast_in_dim3A_283, %broadcast_in_dim3A_284] : memref<160x128xf32, #tpu.memory_space<vmem>>[vector<16xi32>, vector<16xi32>], vector<16xf32>,
        %get3A = arith.index_cast %add3A_282 : i32 to index
        %get3A_285 = arith.constant 0 : index
        %get3A_286 = tpu.vector_load %arg12[%get3A, %get3A_285] {strides = array<i32>} : memref<128x64xf32, #tpu.memory_space<vmem>>, vector<16xf32>,
        %mul3A_287 = arith.mulf %get3A_286, %gather3A : vector<16xf32>
        %swap3A_288 = arith.index_cast %add3A_282 : i32 to index
        %swap3A_289 = arith.constant 0 : index
        %swap3A_290 = tpu.vector_load %arg12[%swap3A_288, %swap3A_289] {strides = array<i32>} : memref<128x64xf32, #tpu.memory_space<vmem>>, vector<16xf32>,
        tpu.vector_store %arg12[%swap3A_288, %swap3A_289], %mul3A_287 {strides = array<i32>} : memref<128x64xf32, #tpu.memory_space<vmem>>, vector<16xf32>,
        %get3A_291 = arith.index_cast %add3A_282 : i32 to index
        %get3A_292 = arith.constant 16 : index
        %get3A_293 = tpu.vector_load %arg12[%get3A_291, %get3A_292] {strides = array<i32>} : memref<128x64xf32, #tpu.memory_space<vmem>>, vector<16xf32>,
        %mul3A_294 = arith.mulf %get3A_293, %gather3A : vector<16xf32>
        %swap3A_295 = arith.index_cast %add3A_282 : i32 to index
        %swap3A_296 = arith.constant 16 : index
        %swap3A_297 = tpu.vector_load %arg12[%swap3A_295, %swap3A_296] {strides = array<i32>} : memref<128x64xf32, #tpu.memory_space<vmem>>, vector<16xf32>,
        tpu.vector_store %arg12[%swap3A_295, %swap3A_296], %mul3A_294 {strides = array<i32>} : memref<128x64xf32, #tpu.memory_space<vmem>>, vector<16xf32>,
        %get3A_298 = arith.index_cast %add3A_282 : i32 to index
        %get3A_299 = arith.constant 32 : index
        %get3A_300 = tpu.vector_load %arg12[%get3A_298, %get3A_299] {strides = array<i32>} : memref<128x64xf32, #tpu.memory_space<vmem>>, vector<16xf32>,
        %mul3A_301 = arith.mulf %get3A_300, %gather3A : vector<16xf32>
        %swap3A_302 = arith.index_cast %add3A_282 : i32 to index
        %swap3A_303 = arith.constant 32 : index
        %swap3A_304 = tpu.vector_load %arg12[%swap3A_302, %swap3A_303] {strides = array<i32>} : memref<128x64xf32, #tpu.memory_space<vmem>>, vector<16xf32>,
        tpu.vector_store %arg12[%swap3A_302, %swap3A_303], %mul3A_301 {strides = array<i32>} : memref<128x64xf32, #tpu.memory_space<vmem>>, vector<16xf32>,
        %get3A_305 = arith.index_cast %add3A_282 : i32 to index
        %get3A_306 = arith.constant 48 : index
        %get3A_307 = tpu.vector_load %arg12[%get3A_305, %get3A_306] {strides = array<i32>} : memref<128x64xf32, #tpu.memory_space<vmem>>, vector<16xf32>,
        %mul3A_308 = arith.mulf %get3A_307, %gather3A : vector<16xf32>
        %swap3A_309 = arith.index_cast %add3A_282 : i32 to index
        %swap3A_310 = arith.constant 48 : index
        %swap3A_311 = tpu.vector_load %arg12[%swap3A_309, %swap3A_310] {strides = array<i32>} : memref<128x64xf32, #tpu.memory_space<vmem>>, vector<16xf32>,
        tpu.vector_store %arg12[%swap3A_309, %swap3A_310], %mul3A_308 {strides = array<i32>} : memref<128x64xf32, #tpu.memory_space<vmem>>, vector<16xf32>,
        %mul3A_312 = arith.constant 8 : i32
        %mul3A_313 = arith.muli %scan3A_278, %mul3A_312 : i32
        %add3A_314 = arith.constant 1 : i32
        %add3A_315 = arith.addi %mul3A_313, %add3A_314 : i32
        %broadcast_in_dim3A_316 = vector.broadcast %add3A_209 : i32 to vector<16xi32>
        %broadcast_in_dim3A_317 = vector.broadcast %add3A_315 : i32 to vector<16xi32>
        %gather3A_318 = tpu.vector_load_idx %arg9[%broadcast_in_dim3A_316, %broadcast_in_dim3A_317] : memref<160x128xf32, #tpu.memory_space<vmem>>[vector<16xi32>, vector<16xi32>], vector<16xf32>,
        %get3A_319 = arith.index_cast %add3A_315 : i32 to index
        %get3A_320 = arith.constant 0 : index
        %get3A_321 = tpu.vector_load %arg12[%get3A_319, %get3A_320] {strides = array<i32>} : memref<128x64xf32, #tpu.memory_space<vmem>>, vector<16xf32>,
        %mul3A_322 = arith.mulf %get3A_321, %gather3A_318 : vector<16xf32>
        %swap3A_323 = arith.index_cast %add3A_315 : i32 to index
        %swap3A_324 = arith.constant 0 : index
        %swap3A_325 = tpu.vector_load %arg12[%swap3A_323, %swap3A_324] {strides = array<i32>} : memref<128x64xf32, #tpu.memory_space<vmem>>, vector<16xf32>,
        tpu.vector_store %arg12[%swap3A_323, %swap3A_324], %mul3A_322 {strides = array<i32>} : memref<128x64xf32, #tpu.memory_space<vmem>>, vector<16xf32>,
        %get3A_326 = arith.index_cast %add3A_315 : i32 to index
        %get3A_327 = arith.constant 16 : index
        %get3A_328 = tpu.vector_load %arg12[%get3A_326, %get3A_327] {strides = array<i32>} : memref<128x64xf32, #tpu.memory_space<vmem>>, vector<16xf32>,
        %mul3A_329 = arith.mulf %get3A_328, %gather3A_318 : vector<16xf32>
        %swap3A_330 = arith.index_cast %add3A_315 : i32 to index
        %swap3A_331 = arith.constant 16 : index
        %swap3A_332 = tpu.vector_load %arg12[%swap3A_330, %swap3A_331] {strides = array<i32>} : memref<128x64xf32, #tpu.memory_space<vmem>>, vector<16xf32>,
        tpu.vector_store %arg12[%swap3A_330, %swap3A_331], %mul3A_329 {strides = array<i32>} : memref<128x64xf32, #tpu.memory_space<vmem>>, vector<16xf32>,
        %get3A_333 = arith.index_cast %add3A_315 : i32 to index
        %get3A_334 = arith.constant 32 : index
        %get3A_335 = tpu.vector_load %arg12[%get3A_333, %get3A_334] {strides = array<i32>} : memref<128x64xf32, #tpu.memory_space<vmem>>, vector<16xf32>,
        %mul3A_336 = arith.mulf %get3A_335, %gather3A_318 : vector<16xf32>
        %swap3A_337 = arith.index_cast %add3A_315 : i32 to index
        %swap3A_338 = arith.constant 32 : index
        %swap3A_339 = tpu.vector_load %arg12[%swap3A_337, %swap3A_338] {strides = array<i32>} : memref<128x64xf32, #tpu.memory_space<vmem>>, vector<16xf32>,
        tpu.vector_store %arg12[%swap3A_337, %swap3A_338], %mul3A_336 {strides = array<i32>} : memref<128x64xf32, #tpu.memory_space<vmem>>, vector<16xf32>,
        %get3A_340 = arith.index_cast %add3A_315 : i32 to index
        %get3A_341 = arith.constant 48 : index
        %get3A_342 = tpu.vector_load %arg12[%get3A_340, %get3A_341] {strides = array<i32>} : memref<128x64xf32, #tpu.memory_space<vmem>>, vector<16xf32>,
        %mul3A_343 = arith.mulf %get3A_342, %gather3A_318 : vector<16xf32>
        %swap3A_344 = arith.index_cast %add3A_315 : i32 to index
        %swap3A_345 = arith.constant 48 : index
        %swap3A_346 = tpu.vector_load %arg12[%swap3A_344, %swap3A_345] {strides = array<i32>} : memref<128x64xf32, #tpu.memory_space<vmem>>, vector<16xf32>,
        tpu.vector_store %arg12[%swap3A_344, %swap3A_345], %mul3A_343 {strides = array<i32>} : memref<128x64xf32, #tpu.memory_space<vmem>>, vector<16xf32>,
        %mul3A_347 = arith.constant 8 : i32
        %mul3A_348 = arith.muli %scan3A_278, %mul3A_347 : i32
        %add3A_349 = arith.constant 2 : i32
        %add3A_350 = arith.addi %mul3A_348, %add3A_349 : i32
        %broadcast_in_dim3A_351 = vector.broadcast %add3A_209 : i32 to vector<16xi32>
        %broadcast_in_dim3A_352 = vector.broadcast %add3A_350 : i32 to vector<16xi32>
        %gather3A_353 = tpu.vector_load_idx %arg9[%broadcast_in_dim3A_351, %broadcast_in_dim3A_352] : memref<160x128xf32, #tpu.memory_space<vmem>>[vector<16xi32>, vector<16xi32>], vector<16xf32>,
        %get3A_354 = arith.index_cast %add3A_350 : i32 to index
        %get3A_355 = arith.constant 0 : index
        %get3A_356 = tpu.vector_load %arg12[%get3A_354, %get3A_355] {strides = array<i32>} : memref<128x64xf32, #tpu.memory_space<vmem>>, vector<16xf32>,
        %mul3A_357 = arith.mulf %get3A_356, %gather3A_353 : vector<16xf32>
        %swap3A_358 = arith.index_cast %add3A_350 : i32 to index
        %swap3A_359 = arith.constant 0 : index
        %swap3A_360 = tpu.vector_load %arg12[%swap3A_358, %swap3A_359] {strides = array<i32>} : memref<128x64xf32, #tpu.memory_space<vmem>>, vector<16xf32>,
        tpu.vector_store %arg12[%swap3A_358, %swap3A_359], %mul3A_357 {strides = array<i32>} : memref<128x64xf32, #tpu.memory_space<vmem>>, vector<16xf32>,
        %get3A_361 = arith.index_cast %add3A_350 : i32 to index
        %get3A_362 = arith.constant 16 : index
        %get3A_363 = tpu.vector_load %arg12[%get3A_361, %get3A_362] {strides = array<i32>} : memref<128x64xf32, #tpu.memory_space<vmem>>, vector<16xf32>,
        %mul3A_364 = arith.mulf %get3A_363, %gather3A_353 : vector<16xf32>
        %swap3A_365 = arith.index_cast %add3A_350 : i32 to index
        %swap3A_366 = arith.constant 16 : index
        %swap3A_367 = tpu.vector_load %arg12[%swap3A_365, %swap3A_366] {strides = array<i32>} : memref<128x64xf32, #tpu.memory_space<vmem>>, vector<16xf32>,
        tpu.vector_store %arg12[%swap3A_365, %swap3A_366], %mul3A_364 {strides = array<i32>} : memref<128x64xf32, #tpu.memory_space<vmem>>, vector<16xf32>,
        %get3A_368 = arith.index_cast %add3A_350 : i32 to index
        %get3A_369 = arith.constant 32 : index
        %get3A_370 = tpu.vector_load %arg12[%get3A_368, %get3A_369] {strides = array<i32>} : memref<128x64xf32, #tpu.memory_space<vmem>>, vector<16xf32>,
        %mul3A_371 = arith.mulf %get3A_370, %gather3A_353 : vector<16xf32>
        %swap3A_372 = arith.index_cast %add3A_350 : i32 to index
        %swap3A_373 = arith.constant 32 : index
        %swap3A_374 = tpu.vector_load %arg12[%swap3A_372, %swap3A_373] {strides = array<i32>} : memref<128x64xf32, #tpu.memory_space<vmem>>, vector<16xf32>,
        tpu.vector_store %arg12[%swap3A_372, %swap3A_373], %mul3A_371 {strides = array<i32>} : memref<128x64xf32, #tpu.memory_space<vmem>>, vector<16xf32>,
        %get3A_375 = arith.index_cast %add3A_350 : i32 to index
        %get3A_376 = arith.constant 48 : index
        %get3A_377 = tpu.vector_load %arg12[%get3A_375, %get3A_376] {strides = array<i32>} : memref<128x64xf32, #tpu.memory_space<vmem>>, vector<16xf32>,
        %mul3A_378 = arith.mulf %get3A_377, %gather3A_353 : vector<16xf32>
        %swap3A_379 = arith.index_cast %add3A_350 : i32 to index
        %swap3A_380 = arith.constant 48 : index
        %swap3A_381 = tpu.vector_load %arg12[%swap3A_379, %swap3A_380] {strides = array<i32>} : memref<128x64xf32, #tpu.memory_space<vmem>>, vector<16xf32>,
        tpu.vector_store %arg12[%swap3A_379, %swap3A_380], %mul3A_378 {strides = array<i32>} : memref<128x64xf32, #tpu.memory_space<vmem>>, vector<16xf32>,
        %mul3A_382 = arith.constant 8 : i32
        %mul3A_383 = arith.muli %scan3A_278, %mul3A_382 : i32
        %add3A_384 = arith.constant 3 : i32
        %add3A_385 = arith.addi %mul3A_383, %add3A_384 : i32
        %broadcast_in_dim3A_386 = vector.broadcast %add3A_209 : i32 to vector<16xi32>
        %broadcast_in_dim3A_387 = vector.broadcast %add3A_385 : i32 to vector<16xi32>
        %gather3A_388 = tpu.vector_load_idx %arg9[%broadcast_in_dim3A_386, %broadcast_in_dim3A_387] : memref<160x128xf32, #tpu.memory_space<vmem>>[vector<16xi32>, vector<16xi32>], vector<16xf32>,
        %get3A_389 = arith.index_cast %add3A_385 : i32 to index
        %get3A_390 = arith.constant 0 : index
        %get3A_391 = tpu.vector_load %arg12[%get3A_389, %get3A_390] {strides = array<i32>} : memref<128x64xf32, #tpu.memory_space<vmem>>, vector<16xf32>,
        %mul3A_392 = arith.mulf %get3A_391, %gather3A_388 : vector<16xf32>
        %swap3A_393 = arith.index_cast %add3A_385 : i32 to index
        %swap3A_394 = arith.constant 0 : index
        %swap3A_395 = tpu.vector_load %arg12[%swap3A_393, %swap3A_394] {strides = array<i32>} : memref<128x64xf32, #tpu.memory_space<vmem>>, vector<16xf32>,
        tpu.vector_store %arg12[%swap3A_393, %swap3A_394], %mul3A_392 {strides = array<i32>} : memref<128x64xf32, #tpu.memory_space<vmem>>, vector<16xf32>,
        %get3A_396 = arith.index_cast %add3A_385 : i32 to index
        %get3A_397 = arith.constant 16 : index
        %get3A_398 = tpu.vector_load %arg12[%get3A_396, %get3A_397] {strides = array<i32>} : memref<128x64xf32, #tpu.memory_space<vmem>>, vector<16xf32>,
        %mul3A_399 = arith.mulf %get3A_398, %gather3A_388 : vector<16xf32>
        %swap3A_400 = arith.index_cast %add3A_385 : i32 to index
        %swap3A_401 = arith.constant 16 : index
        %swap3A_402 = tpu.vector_load %arg12[%swap3A_400, %swap3A_401] {strides = array<i32>} : memref<128x64xf32, #tpu.memory_space<vmem>>, vector<16xf32>,
        tpu.vector_store %arg12[%swap3A_400, %swap3A_401], %mul3A_399 {strides = array<i32>} : memref<128x64xf32, #tpu.memory_space<vmem>>, vector<16xf32>,
        %get3A_403 = arith.index_cast %add3A_385 : i32 to index
        %get3A_404 = arith.constant 32 : index
        %get3A_405 = tpu.vector_load %arg12[%get3A_403, %get3A_404] {strides = array<i32>} : memref<128x64xf32, #tpu.memory_space<vmem>>, vector<16xf32>,
        %mul3A_406 = arith.mulf %get3A_405, %gather3A_388 : vector<16xf32>
        %swap3A_407 = arith.index_cast %add3A_385 : i32 to index
        %swap3A_408 = arith.constant 32 : index
        %swap3A_409 = tpu.vector_load %arg12[%swap3A_407, %swap3A_408] {strides = array<i32>} : memref<128x64xf32, #tpu.memory_space<vmem>>, vector<16xf32>,
        tpu.vector_store %arg12[%swap3A_407, %swap3A_408], %mul3A_406 {strides = array<i32>} : memref<128x64xf32, #tpu.memory_space<vmem>>, vector<16xf32>,
        %get3A_410 = arith.index_cast %add3A_385 : i32 to index
        %get3A_411 = arith.constant 48 : index
        %get3A_412 = tpu.vector_load %arg12[%get3A_410, %get3A_411] {strides = array<i32>} : memref<128x64xf32, #tpu.memory_space<vmem>>, vector<16xf32>,
        %mul3A_413 = arith.mulf %get3A_412, %gather3A_388 : vector<16xf32>
        %swap3A_414 = arith.index_cast %add3A_385 : i32 to index
        %swap3A_415 = arith.constant 48 : index
        %swap3A_416 = tpu.vector_load %arg12[%swap3A_414, %swap3A_415] {strides = array<i32>} : memref<128x64xf32, #tpu.memory_space<vmem>>, vector<16xf32>,
        tpu.vector_store %arg12[%swap3A_414, %swap3A_415], %mul3A_413 {strides = array<i32>} : memref<128x64xf32, #tpu.memory_space<vmem>>, vector<16xf32>,
        %mul3A_417 = arith.constant 8 : i32
        %mul3A_418 = arith.muli %scan3A_278, %mul3A_417 : i32
        %add3A_419 = arith.constant 4 : i32
        %add3A_420 = arith.addi %mul3A_418, %add3A_419 : i32
        %broadcast_in_dim3A_421 = vector.broadcast %add3A_209 : i32 to vector<16xi32>
        %broadcast_in_dim3A_422 = vector.broadcast %add3A_420 : i32 to vector<16xi32>
        %gather3A_423 = tpu.vector_load_idx %arg9[%broadcast_in_dim3A_421, %broadcast_in_dim3A_422] : memref<160x128xf32, #tpu.memory_space<vmem>>[vector<16xi32>, vector<16xi32>], vector<16xf32>,
        %get3A_424 = arith.index_cast %add3A_420 : i32 to index
        %get3A_425 = arith.constant 0 : index
        %get3A_426 = tpu.vector_load %arg12[%get3A_424, %get3A_425] {strides = array<i32>} : memref<128x64xf32, #tpu.memory_space<vmem>>, vector<16xf32>,
        %mul3A_427 = arith.mulf %get3A_426, %gather3A_423 : vector<16xf32>
        %swap3A_428 = arith.index_cast %add3A_420 : i32 to index
        %swap3A_429 = arith.constant 0 : index
        %swap3A_430 = tpu.vector_load %arg12[%swap3A_428, %swap3A_429] {strides = array<i32>} : memref<128x64xf32, #tpu.memory_space<vmem>>, vector<16xf32>,
        tpu.vector_store %arg12[%swap3A_428, %swap3A_429], %mul3A_427 {strides = array<i32>} : memref<128x64xf32, #tpu.memory_space<vmem>>, vector<16xf32>,
        %get3A_431 = arith.index_cast %add3A_420 : i32 to index
        %get3A_432 = arith.constant 16 : index
        %get3A_433 = tpu.vector_load %arg12[%get3A_431, %get3A_432] {strides = array<i32>} : memref<128x64xf32, #tpu.memory_space<vmem>>, vector<16xf32>,
        %mul3A_434 = arith.mulf %get3A_433, %gather3A_423 : vector<16xf32>
        %swap3A_435 = arith.index_cast %add3A_420 : i32 to index
        %swap3A_436 = arith.constant 16 : index
        %swap3A_437 = tpu.vector_load %arg12[%swap3A_435, %swap3A_436] {strides = array<i32>} : memref<128x64xf32, #tpu.memory_space<vmem>>, vector<16xf32>,
        tpu.vector_store %arg12[%swap3A_435, %swap3A_436], %mul3A_434 {strides = array<i32>} : memref<128x64xf32, #tpu.memory_space<vmem>>, vector<16xf32>,
        %get3A_438 = arith.index_cast %add3A_420 : i32 to index
        %get3A_439 = arith.constant 32 : index
        %get3A_440 = tpu.vector_load %arg12[%get3A_438, %get3A_439] {strides = array<i32>} : memref<128x64xf32, #tpu.memory_space<vmem>>, vector<16xf32>,
        %mul3A_441 = arith.mulf %get3A_440, %gather3A_423 : vector<16xf32>
        %swap3A_442 = arith.index_cast %add3A_420 : i32 to index
        %swap3A_443 = arith.constant 32 : index
        %swap3A_444 = tpu.vector_load %arg12[%swap3A_442, %swap3A_443] {strides = array<i32>} : memref<128x64xf32, #tpu.memory_space<vmem>>, vector<16xf32>,
        tpu.vector_store %arg12[%swap3A_442, %swap3A_443], %mul3A_441 {strides = array<i32>} : memref<128x64xf32, #tpu.memory_space<vmem>>, vector<16xf32>,
        %get3A_445 = arith.index_cast %add3A_420 : i32 to index
        %get3A_446 = arith.constant 48 : index
        %get3A_447 = tpu.vector_load %arg12[%get3A_445, %get3A_446] {strides = array<i32>} : memref<128x64xf32, #tpu.memory_space<vmem>>, vector<16xf32>,
        %mul3A_448 = arith.mulf %get3A_447, %gather3A_423 : vector<16xf32>
        %swap3A_449 = arith.index_cast %add3A_420 : i32 to index
        %swap3A_450 = arith.constant 48 : index
        %swap3A_451 = tpu.vector_load %arg12[%swap3A_449, %swap3A_450] {strides = array<i32>} : memref<128x64xf32, #tpu.memory_space<vmem>>, vector<16xf32>,
        tpu.vector_store %arg12[%swap3A_449, %swap3A_450], %mul3A_448 {strides = array<i32>} : memref<128x64xf32, #tpu.memory_space<vmem>>, vector<16xf32>,
        %mul3A_452 = arith.constant 8 : i32
        %mul3A_453 = arith.muli %scan3A_278, %mul3A_452 : i32
        %add3A_454 = arith.constant 5 : i32
        %add3A_455 = arith.addi %mul3A_453, %add3A_454 : i32
        %broadcast_in_dim3A_456 = vector.broadcast %add3A_209 : i32 to vector<16xi32>
        %broadcast_in_dim3A_457 = vector.broadcast %add3A_455 : i32 to vector<16xi32>
        %gather3A_458 = tpu.vector_load_idx %arg9[%broadcast_in_dim3A_456, %broadcast_in_dim3A_457] : memref<160x128xf32, #tpu.memory_space<vmem>>[vector<16xi32>, vector<16xi32>], vector<16xf32>,
        %get3A_459 = arith.index_cast %add3A_455 : i32 to index
        %get3A_460 = arith.constant 0 : index
        %get3A_461 = tpu.vector_load %arg12[%get3A_459, %get3A_460] {strides = array<i32>} : memref<128x64xf32, #tpu.memory_space<vmem>>, vector<16xf32>,
        %mul3A_462 = arith.mulf %get3A_461, %gather3A_458 : vector<16xf32>
        %swap3A_463 = arith.index_cast %add3A_455 : i32 to index
        %swap3A_464 = arith.constant 0 : index
        %swap3A_465 = tpu.vector_load %arg12[%swap3A_463, %swap3A_464] {strides = array<i32>} : memref<128x64xf32, #tpu.memory_space<vmem>>, vector<16xf32>,
        tpu.vector_store %arg12[%swap3A_463, %swap3A_464], %mul3A_462 {strides = array<i32>} : memref<128x64xf32, #tpu.memory_space<vmem>>, vector<16xf32>,
        %get3A_466 = arith.index_cast %add3A_455 : i32 to index
        %get3A_467 = arith.constant 16 : index
        %get3A_468 = tpu.vector_load %arg12[%get3A_466, %get3A_467] {strides = array<i32>} : memref<128x64xf32, #tpu.memory_space<vmem>>, vector<16xf32>,
        %mul3A_469 = arith.mulf %get3A_468, %gather3A_458 : vector<16xf32>
        %swap3A_470 = arith.index_cast %add3A_455 : i32 to index
        %swap3A_471 = arith.constant 16 : index
        %swap3A_472 = tpu.vector_load %arg12[%swap3A_470, %swap3A_471] {strides = array<i32>} : memref<128x64xf32, #tpu.memory_space<vmem>>, vector<16xf32>,
        tpu.vector_store %arg12[%swap3A_470, %swap3A_471], %mul3A_469 {strides = array<i32>} : memref<128x64xf32, #tpu.memory_space<vmem>>, vector<16xf32>,
        %get3A_473 = arith.index_cast %add3A_455 : i32 to index
        %get3A_474 = arith.constant 32 : index
        %get3A_475 = tpu.vector_load %arg12[%get3A_473, %get3A_474] {strides = array<i32>} : memref<128x64xf32, #tpu.memory_space<vmem>>, vector<16xf32>,
        %mul3A_476 = arith.mulf %get3A_475, %gather3A_458 : vector<16xf32>
        %swap3A_477 = arith.index_cast %add3A_455 : i32 to index
        %swap3A_478 = arith.constant 32 : index
        %swap3A_479 = tpu.vector_load %arg12[%swap3A_477, %swap3A_478] {strides = array<i32>} : memref<128x64xf32, #tpu.memory_space<vmem>>, vector<16xf32>,
        tpu.vector_store %arg12[%swap3A_477, %swap3A_478], %mul3A_476 {strides = array<i32>} : memref<128x64xf32, #tpu.memory_space<vmem>>, vector<16xf32>,
        %get3A_480 = arith.index_cast %add3A_455 : i32 to index
        %get3A_481 = arith.constant 48 : index
        %get3A_482 = tpu.vector_load %arg12[%get3A_480, %get3A_481] {strides = array<i32>} : memref<128x64xf32, #tpu.memory_space<vmem>>, vector<16xf32>,
        %mul3A_483 = arith.mulf %get3A_482, %gather3A_458 : vector<16xf32>
        %swap3A_484 = arith.index_cast %add3A_455 : i32 to index
        %swap3A_485 = arith.constant 48 : index
        %swap3A_486 = tpu.vector_load %arg12[%swap3A_484, %swap3A_485] {strides = array<i32>} : memref<128x64xf32, #tpu.memory_space<vmem>>, vector<16xf32>,
        tpu.vector_store %arg12[%swap3A_484, %swap3A_485], %mul3A_483 {strides = array<i32>} : memref<128x64xf32, #tpu.memory_space<vmem>>, vector<16xf32>,
        %mul3A_487 = arith.constant 8 : i32
        %mul3A_488 = arith.muli %scan3A_278, %mul3A_487 : i32
        %add3A_489 = arith.constant 6 : i32
        %add3A_490 = arith.addi %mul3A_488, %add3A_489 : i32
        %broadcast_in_dim3A_491 = vector.broadcast %add3A_209 : i32 to vector<16xi32>
        %broadcast_in_dim3A_492 = vector.broadcast %add3A_490 : i32 to vector<16xi32>
        %gather3A_493 = tpu.vector_load_idx %arg9[%broadcast_in_dim3A_491, %broadcast_in_dim3A_492] : memref<160x128xf32, #tpu.memory_space<vmem>>[vector<16xi32>, vector<16xi32>], vector<16xf32>,
        %get3A_494 = arith.index_cast %add3A_490 : i32 to index
        %get3A_495 = arith.constant 0 : index
        %get3A_496 = tpu.vector_load %arg12[%get3A_494, %get3A_495] {strides = array<i32>} : memref<128x64xf32, #tpu.memory_space<vmem>>, vector<16xf32>,
        %mul3A_497 = arith.mulf %get3A_496, %gather3A_493 : vector<16xf32>
        %swap3A_498 = arith.index_cast %add3A_490 : i32 to index
        %swap3A_499 = arith.constant 0 : index
        %swap3A_500 = tpu.vector_load %arg12[%swap3A_498, %swap3A_499] {strides = array<i32>} : memref<128x64xf32, #tpu.memory_space<vmem>>, vector<16xf32>,
        tpu.vector_store %arg12[%swap3A_498, %swap3A_499], %mul3A_497 {strides = array<i32>} : memref<128x64xf32, #tpu.memory_space<vmem>>, vector<16xf32>,
        %get3A_501 = arith.index_cast %add3A_490 : i32 to index
        %get3A_502 = arith.constant 16 : index
        %get3A_503 = tpu.vector_load %arg12[%get3A_501, %get3A_502] {strides = array<i32>} : memref<128x64xf32, #tpu.memory_space<vmem>>, vector<16xf32>,
        %mul3A_504 = arith.mulf %get3A_503, %gather3A_493 : vector<16xf32>
        %swap3A_505 = arith.index_cast %add3A_490 : i32 to index
        %swap3A_506 = arith.constant 16 : index
        %swap3A_507 = tpu.vector_load %arg12[%swap3A_505, %swap3A_506] {strides = array<i32>} : memref<128x64xf32, #tpu.memory_space<vmem>>, vector<16xf32>,
        tpu.vector_store %arg12[%swap3A_505, %swap3A_506], %mul3A_504 {strides = array<i32>} : memref<128x64xf32, #tpu.memory_space<vmem>>, vector<16xf32>,
        %get3A_508 = arith.index_cast %add3A_490 : i32 to index
        %get3A_509 = arith.constant 32 : index
        %get3A_510 = tpu.vector_load %arg12[%get3A_508, %get3A_509] {strides = array<i32>} : memref<128x64xf32, #tpu.memory_space<vmem>>, vector<16xf32>,
        %mul3A_511 = arith.mulf %get3A_510, %gather3A_493 : vector<16xf32>
        %swap3A_512 = arith.index_cast %add3A_490 : i32 to index
        %swap3A_513 = arith.constant 32 : index
        %swap3A_514 = tpu.vector_load %arg12[%swap3A_512, %swap3A_513] {strides = array<i32>} : memref<128x64xf32, #tpu.memory_space<vmem>>, vector<16xf32>,
        tpu.vector_store %arg12[%swap3A_512, %swap3A_513], %mul3A_511 {strides = array<i32>} : memref<128x64xf32, #tpu.memory_space<vmem>>, vector<16xf32>,
        %get3A_515 = arith.index_cast %add3A_490 : i32 to index
        %get3A_516 = arith.constant 48 : index
        %get3A_517 = tpu.vector_load %arg12[%get3A_515, %get3A_516] {strides = array<i32>} : memref<128x64xf32, #tpu.memory_space<vmem>>, vector<16xf32>,
        %mul3A_518 = arith.mulf %get3A_517, %gather3A_493 : vector<16xf32>
        %swap3A_519 = arith.index_cast %add3A_490 : i32 to index
        %swap3A_520 = arith.constant 48 : index
        %swap3A_521 = tpu.vector_load %arg12[%swap3A_519, %swap3A_520] {strides = array<i32>} : memref<128x64xf32, #tpu.memory_space<vmem>>, vector<16xf32>,
        tpu.vector_store %arg12[%swap3A_519, %swap3A_520], %mul3A_518 {strides = array<i32>} : memref<128x64xf32, #tpu.memory_space<vmem>>, vector<16xf32>,
        %mul3A_522 = arith.constant 8 : i32
        %mul3A_523 = arith.muli %scan3A_278, %mul3A_522 : i32
        %add3A_524 = arith.constant 7 : i32
        %add3A_525 = arith.addi %mul3A_523, %add3A_524 : i32
        %broadcast_in_dim3A_526 = vector.broadcast %add3A_209 : i32 to vector<16xi32>
        %broadcast_in_dim3A_527 = vector.broadcast %add3A_525 : i32 to vector<16xi32>
        %gather3A_528 = tpu.vector_load_idx %arg9[%broadcast_in_dim3A_526, %broadcast_in_dim3A_527] : memref<160x128xf32, #tpu.memory_space<vmem>>[vector<16xi32>, vector<16xi32>], vector<16xf32>,
        %get3A_529 = arith.index_cast %add3A_525 : i32 to index
        %get3A_530 = arith.constant 0 : index
        %get3A_531 = tpu.vector_load %arg12[%get3A_529, %get3A_530] {strides = array<i32>} : memref<128x64xf32, #tpu.memory_space<vmem>>, vector<16xf32>,
        %mul3A_532 = arith.mulf %get3A_531, %gather3A_528 : vector<16xf32>
        %swap3A_533 = arith.index_cast %add3A_525 : i32 to index
        %swap3A_534 = arith.constant 0 : index
        %swap3A_535 = tpu.vector_load %arg12[%swap3A_533, %swap3A_534] {strides = array<i32>} : memref<128x64xf32, #tpu.memory_space<vmem>>, vector<16xf32>,
        tpu.vector_store %arg12[%swap3A_533, %swap3A_534], %mul3A_532 {strides = array<i32>} : memref<128x64xf32, #tpu.memory_space<vmem>>, vector<16xf32>,
        %get3A_536 = arith.index_cast %add3A_525 : i32 to index
        %get3A_537 = arith.constant 16 : index
        %get3A_538 = tpu.vector_load %arg12[%get3A_536, %get3A_537] {strides = array<i32>} : memref<128x64xf32, #tpu.memory_space<vmem>>, vector<16xf32>,
        %mul3A_539 = arith.mulf %get3A_538, %gather3A_528 : vector<16xf32>
        %swap3A_540 = arith.index_cast %add3A_525 : i32 to index
        %swap3A_541 = arith.constant 16 : index
        %swap3A_542 = tpu.vector_load %arg12[%swap3A_540, %swap3A_541] {strides = array<i32>} : memref<128x64xf32, #tpu.memory_space<vmem>>, vector<16xf32>,
        tpu.vector_store %arg12[%swap3A_540, %swap3A_541], %mul3A_539 {strides = array<i32>} : memref<128x64xf32, #tpu.memory_space<vmem>>, vector<16xf32>,
        %get3A_543 = arith.index_cast %add3A_525 : i32 to index
        %get3A_544 = arith.constant 32 : index
        %get3A_545 = tpu.vector_load %arg12[%get3A_543, %get3A_544] {strides = array<i32>} : memref<128x64xf32, #tpu.memory_space<vmem>>, vector<16xf32>,
        %mul3A_546 = arith.mulf %get3A_545, %gather3A_528 : vector<16xf32>
        %swap3A_547 = arith.index_cast %add3A_525 : i32 to index
        %swap3A_548 = arith.constant 32 : index
        %swap3A_549 = tpu.vector_load %arg12[%swap3A_547, %swap3A_548] {strides = array<i32>} : memref<128x64xf32, #tpu.memory_space<vmem>>, vector<16xf32>,
        tpu.vector_store %arg12[%swap3A_547, %swap3A_548], %mul3A_546 {strides = array<i32>} : memref<128x64xf32, #tpu.memory_space<vmem>>, vector<16xf32>,
        %get3A_550 = arith.index_cast %add3A_525 : i32 to index
        %get3A_551 = arith.constant 48 : index
        %get3A_552 = tpu.vector_load %arg12[%get3A_550, %get3A_551] {strides = array<i32>} : memref<128x64xf32, #tpu.memory_space<vmem>>, vector<16xf32>,
        %mul3A_553 = arith.mulf %get3A_552, %gather3A_528 : vector<16xf32>
        %swap3A_554 = arith.index_cast %add3A_525 : i32 to index
        %swap3A_555 = arith.constant 48 : index
        %swap3A_556 = tpu.vector_load %arg12[%swap3A_554, %swap3A_555] {strides = array<i32>} : memref<128x64xf32, #tpu.memory_space<vmem>>, vector<16xf32>,
        tpu.vector_store %arg12[%swap3A_554, %swap3A_555], %mul3A_553 {strides = array<i32>} : memref<128x64xf32, #tpu.memory_space<vmem>>, vector<16xf32>,
      }
      %scan3A_224 = arith.constant 16 : i32
      %dma_start3A_225 = arith.constant 0 : i32
      %dma_start3A_226 = tpu.memref_slice %arg8[%add3A_209, %dma_start3A_225] : memref<160x128xi32, #tpu.memory_space<vmem>> -> memref<1x128xi32, #tpu.memory_space<vmem>>
      %dma_start3A_227 = tpu.memref_squeeze %dma_start3A_226 : memref<1x128xi32, #tpu.memory_space<vmem>> -> memref<128xi32, #tpu.memory_space<vmem>>
      %dma_start3A_228 = arith.constant 0 : i32
      %dma_start3A_229 = arith.constant 0 : i32
      %dma_start3A_230 = tpu.memref_slice %arg15[%dma_start3A_228, %dma_start3A_229] : memref<10112x64xf32, #tpu.memory_space<vmem_shared>> -> memref<10112x64xf32, #tpu.memory_space<vmem_shared>>
      tpu.enqueue_indirect_dma source(%arg12 : memref<128x64xf32, #tpu.memory_space<vmem>>) target(%dma_start3A_230 : memref<10112x64xf32, #tpu.memory_space<vmem_shared>>) offsets(%dma_start3A_227 : memref<128xi32, #tpu.memory_space<vmem>>) semaphore(%arg19 : memref<!tpu.dma_semaphore, #tpu.memory_space<semaphore_mem>>) {add = true}
      %mul3A_231 = arith.constant 2 : i32
      %mul3A_232 = arith.muli %mul3A_231, %scan3A_205 : i32
      %add3A_233 = arith.constant 1 : i32
      %add3A_234 = arith.addi %mul3A_232, %add3A_233 : i32
      %dma_wait3A_235 = arith.constant 0 : i32
      %dma_wait3A_236 = tpu.memref_slice %arg7[%add3A_234, %dma_wait3A_235] : memref<160x128xi32, #tpu.memory_space<vmem>> -> memref<1x128xi32, #tpu.memory_space<vmem>>
      %dma_wait3A_237 = tpu.memref_squeeze %dma_wait3A_236 : memref<1x128xi32, #tpu.memory_space<vmem>> -> memref<128xi32, #tpu.memory_space<vmem>>
      %dma_wait3A_238 = arith.constant 0 : i32
      %dma_wait3A_239 = arith.constant 0 : i32
      %dma_wait3A_240 = tpu.memref_slice %arg2[%arg0, %dma_wait3A_238, %dma_wait3A_239] : memref<2x10240x64xf32, #tpu.memory_space<hbm>> -> memref<1x10240x64xf32, #tpu.memory_space<hbm>>
      %dma_wait3A_241 = tpu.memref_squeeze %dma_wait3A_240 : memref<1x10240x64xf32, #tpu.memory_space<hbm>> -> memref<10240x64xf32, #tpu.memory_space<hbm>>
      %dma_wait3A_242 = arith.constant 0 : i32
      %dma_wait3A_243 = arith.constant 0 : i32
      %dma_wait3A_244 = tpu.memref_slice %dma_wait3A_241[%dma_wait3A_242, %dma_wait3A_243] : memref<10240x64xf32, #tpu.memory_space<hbm>> -> memref<10240x64xf32, #tpu.memory_space<hbm>>
      tpu.wait_indirect_dma semaphore(%arg18 : memref<!tpu.dma_semaphore, #tpu.memory_space<semaphore_mem>>) src(%dma_wait3A_244 : memref<10240x64xf32, #tpu.memory_space<hbm>>) dst(%arg13 : memref<128x64xf32, #tpu.memory_space<vmem>>)
      %scan3A_245 = arith.constant 0 : i32
      %scan3A_246 = arith.constant 16 : i32
      %scan3A_247 = arith.addi %scan3A_245, %scan3A_246 : i32
      %scan3A_248 = arith.constant 1 : i32
      scf.for %scan3A_278 = %scan3A_245 to %scan3A_247 step %scan3A_248  : i32 {
        %mul3A_279 = arith.constant 8 : i32
        %mul3A_280 = arith.muli %scan3A_278, %mul3A_279 : i32
        %add3A_281 = arith.constant 0 : i32
        %add3A_282 = arith.addi %mul3A_280, %add3A_281 : i32
        %broadcast_in_dim3A_283 = vector.broadcast %add3A_234 : i32 to vector<16xi32>
        %broadcast_in_dim3A_284 = vector.broadcast %add3A_282 : i32 to vector<16xi32>
        %gather3A = tpu.vector_load_idx %arg9[%broadcast_in_dim3A_283, %broadcast_in_dim3A_284] : memref<160x128xf32, #tpu.memory_space<vmem>>[vector<16xi32>, vector<16xi32>], vector<16xf32>,
        %get3A = arith.index_cast %add3A_282 : i32 to index
        %get3A_285 = arith.constant 0 : index
        %get3A_286 = tpu.vector_load %arg13[%get3A, %get3A_285] {strides = array<i32>} : memref<128x64xf32, #tpu.memory_space<vmem>>, vector<16xf32>,
        %mul3A_287 = arith.mulf %get3A_286, %gather3A : vector<16xf32>
        %swap3A_288 = arith.index_cast %add3A_282 : i32 to index
        %swap3A_289 = arith.constant 0 : index
        %swap3A_290 = tpu.vector_load %arg13[%swap3A_288, %swap3A_289] {strides = array<i32>} : memref<128x64xf32, #tpu.memory_space<vmem>>, vector<16xf32>,
        tpu.vector_store %arg13[%swap3A_288, %swap3A_289], %mul3A_287 {strides = array<i32>} : memref<128x64xf32, #tpu.memory_space<vmem>>, vector<16xf32>,
        %get3A_291 = arith.index_cast %add3A_282 : i32 to index
        %get3A_292 = arith.constant 16 : index
        %get3A_293 = tpu.vector_load %arg13[%get3A_291, %get3A_292] {strides = array<i32>} : memref<128x64xf32, #tpu.memory_space<vmem>>, vector<16xf32>,
        %mul3A_294 = arith.mulf %get3A_293, %gather3A : vector<16xf32>
        %swap3A_295 = arith.index_cast %add3A_282 : i32 to index
        %swap3A_296 = arith.constant 16 : index
        %swap3A_297 = tpu.vector_load %arg13[%swap3A_295, %swap3A_296] {strides = array<i32>} : memref<128x64xf32, #tpu.memory_space<vmem>>, vector<16xf32>,
        tpu.vector_store %arg13[%swap3A_295, %swap3A_296], %mul3A_294 {strides = array<i32>} : memref<128x64xf32, #tpu.memory_space<vmem>>, vector<16xf32>,
        %get3A_298 = arith.index_cast %add3A_282 : i32 to index
        %get3A_299 = arith.constant 32 : index
        %get3A_300 = tpu.vector_load %arg13[%get3A_298, %get3A_299] {strides = array<i32>} : memref<128x64xf32, #tpu.memory_space<vmem>>, vector<16xf32>,
        %mul3A_301 = arith.mulf %get3A_300, %gather3A : vector<16xf32>
        %swap3A_302 = arith.index_cast %add3A_282 : i32 to index
        %swap3A_303 = arith.constant 32 : index
        %swap3A_304 = tpu.vector_load %arg13[%swap3A_302, %swap3A_303] {strides = array<i32>} : memref<128x64xf32, #tpu.memory_space<vmem>>, vector<16xf32>,
        tpu.vector_store %arg13[%swap3A_302, %swap3A_303], %mul3A_301 {strides = array<i32>} : memref<128x64xf32, #tpu.memory_space<vmem>>, vector<16xf32>,
        %get3A_305 = arith.index_cast %add3A_282 : i32 to index
        %get3A_306 = arith.constant 48 : index
        %get3A_307 = tpu.vector_load %arg13[%get3A_305, %get3A_306] {strides = array<i32>} : memref<128x64xf32, #tpu.memory_space<vmem>>, vector<16xf32>,
        %mul3A_308 = arith.mulf %get3A_307, %gather3A : vector<16xf32>
        %swap3A_309 = arith.index_cast %add3A_282 : i32 to index
        %swap3A_310 = arith.constant 48 : index
        %swap3A_311 = tpu.vector_load %arg13[%swap3A_309, %swap3A_310] {strides = array<i32>} : memref<128x64xf32, #tpu.memory_space<vmem>>, vector<16xf32>,
        tpu.vector_store %arg13[%swap3A_309, %swap3A_310], %mul3A_308 {strides = array<i32>} : memref<128x64xf32, #tpu.memory_space<vmem>>, vector<16xf32>,
        %mul3A_312 = arith.constant 8 : i32
        %mul3A_313 = arith.muli %scan3A_278, %mul3A_312 : i32
        %add3A_314 = arith.constant 1 : i32
        %add3A_315 = arith.addi %mul3A_313, %add3A_314 : i32
        %broadcast_in_dim3A_316 = vector.broadcast %add3A_234 : i32 to vector<16xi32>
        %broadcast_in_dim3A_317 = vector.broadcast %add3A_315 : i32 to vector<16xi32>
        %gather3A_318 = tpu.vector_load_idx %arg9[%broadcast_in_dim3A_316, %broadcast_in_dim3A_317] : memref<160x128xf32, #tpu.memory_space<vmem>>[vector<16xi32>, vector<16xi32>], vector<16xf32>,
        %get3A_319 = arith.index_cast %add3A_315 : i32 to index
        %get3A_320 = arith.constant 0 : index
        %get3A_321 = tpu.vector_load %arg13[%get3A_319, %get3A_320] {strides = array<i32>} : memref<128x64xf32, #tpu.memory_space<vmem>>, vector<16xf32>,
        %mul3A_322 = arith.mulf %get3A_321, %gather3A_318 : vector<16xf32>
        %swap3A_323 = arith.index_cast %add3A_315 : i32 to index
        %swap3A_324 = arith.constant 0 : index
        %swap3A_325 = tpu.vector_load %arg13[%swap3A_323, %swap3A_324] {strides = array<i32>} : memref<128x64xf32, #tpu.memory_space<vmem>>, vector<16xf32>,
        tpu.vector_store %arg13[%swap3A_323, %swap3A_324], %mul3A_322 {strides = array<i32>} : memref<128x64xf32, #tpu.memory_space<vmem>>, vector<16xf32>,
        %get3A_326 = arith.index_cast %add3A_315 : i32 to index
        %get3A_327 = arith.constant 16 : index
        %get3A_328 = tpu.vector_load %arg13[%get3A_326, %get3A_327] {strides = array<i32>} : memref<128x64xf32, #tpu.memory_space<vmem>>, vector<16xf32>,
        %mul3A_329 = arith.mulf %get3A_328, %gather3A_318 : vector<16xf32>
        %swap3A_330 = arith.index_cast %add3A_315 : i32 to index
        %swap3A_331 = arith.constant 16 : index
        %swap3A_332 = tpu.vector_load %arg13[%swap3A_330, %swap3A_331] {strides = array<i32>} : memref<128x64xf32, #tpu.memory_space<vmem>>, vector<16xf32>,
        tpu.vector_store %arg13[%swap3A_330, %swap3A_331], %mul3A_329 {strides = array<i32>} : memref<128x64xf32, #tpu.memory_space<vmem>>, vector<16xf32>,
        %get3A_333 = arith.index_cast %add3A_315 : i32 to index
        %get3A_334 = arith.constant 32 : index
        %get3A_335 = tpu.vector_load %arg13[%get3A_333, %get3A_334] {strides = array<i32>} : memref<128x64xf32, #tpu.memory_space<vmem>>, vector<16xf32>,
        %mul3A_336 = arith.mulf %get3A_335, %gather3A_318 : vector<16xf32>
        %swap3A_337 = arith.index_cast %add3A_315 : i32 to index
        %swap3A_338 = arith.constant 32 : index
        %swap3A_339 = tpu.vector_load %arg13[%swap3A_337, %swap3A_338] {strides = array<i32>} : memref<128x64xf32, #tpu.memory_space<vmem>>, vector<16xf32>,
        tpu.vector_store %arg13[%swap3A_337, %swap3A_338], %mul3A_336 {strides = array<i32>} : memref<128x64xf32, #tpu.memory_space<vmem>>, vector<16xf32>,
        %get3A_340 = arith.index_cast %add3A_315 : i32 to index
        %get3A_341 = arith.constant 48 : index
        %get3A_342 = tpu.vector_load %arg13[%get3A_340, %get3A_341] {strides = array<i32>} : memref<128x64xf32, #tpu.memory_space<vmem>>, vector<16xf32>,
        %mul3A_343 = arith.mulf %get3A_342, %gather3A_318 : vector<16xf32>
        %swap3A_344 = arith.index_cast %add3A_315 : i32 to index
        %swap3A_345 = arith.constant 48 : index
        %swap3A_346 = tpu.vector_load %arg13[%swap3A_344, %swap3A_345] {strides = array<i32>} : memref<128x64xf32, #tpu.memory_space<vmem>>, vector<16xf32>,
        tpu.vector_store %arg13[%swap3A_344, %swap3A_345], %mul3A_343 {strides = array<i32>} : memref<128x64xf32, #tpu.memory_space<vmem>>, vector<16xf32>,
        %mul3A_347 = arith.constant 8 : i32
        %mul3A_348 = arith.muli %scan3A_278, %mul3A_347 : i32
        %add3A_349 = arith.constant 2 : i32
        %add3A_350 = arith.addi %mul3A_348, %add3A_349 : i32
        %broadcast_in_dim3A_351 = vector.broadcast %add3A_234 : i32 to vector<16xi32>
        %broadcast_in_dim3A_352 = vector.broadcast %add3A_350 : i32 to vector<16xi32>
        %gather3A_353 = tpu.vector_load_idx %arg9[%broadcast_in_dim3A_351, %broadcast_in_dim3A_352] : memref<160x128xf32, #tpu.memory_space<vmem>>[vector<16xi32>, vector<16xi32>], vector<16xf32>,
        %get3A_354 = arith.index_cast %add3A_350 : i32 to index
        %get3A_355 = arith.constant 0 : index
        %get3A_356 = tpu.vector_load %arg13[%get3A_354, %get3A_355] {strides = array<i32>} : memref<128x64xf32, #tpu.memory_space<vmem>>, vector<16xf32>,
        %mul3A_357 = arith.mulf %get3A_356, %gather3A_353 : vector<16xf32>
        %swap3A_358 = arith.index_cast %add3A_350 : i32 to index
        %swap3A_359 = arith.constant 0 : index
        %swap3A_360 = tpu.vector_load %arg13[%swap3A_358, %swap3A_359] {strides = array<i32>} : memref<128x64xf32, #tpu.memory_space<vmem>>, vector<16xf32>,
        tpu.vector_store %arg13[%swap3A_358, %swap3A_359], %mul3A_357 {strides = array<i32>} : memref<128x64xf32, #tpu.memory_space<vmem>>, vector<16xf32>,
        %get3A_361 = arith.index_cast %add3A_350 : i32 to index
        %get3A_362 = arith.constant 16 : index
        %get3A_363 = tpu.vector_load %arg13[%get3A_361, %get3A_362] {strides = array<i32>} : memref<128x64xf32, #tpu.memory_space<vmem>>, vector<16xf32>,
        %mul3A_364 = arith.mulf %get3A_363, %gather3A_353 : vector<16xf32>
        %swap3A_365 = arith.index_cast %add3A_350 : i32 to index
        %swap3A_366 = arith.constant 16 : index
        %swap3A_367 = tpu.vector_load %arg13[%swap3A_365, %swap3A_366] {strides = array<i32>} : memref<128x64xf32, #tpu.memory_space<vmem>>, vector<16xf32>,
        tpu.vector_store %arg13[%swap3A_365, %swap3A_366], %mul3A_364 {strides = array<i32>} : memref<128x64xf32, #tpu.memory_space<vmem>>, vector<16xf32>,
        %get3A_368 = arith.index_cast %add3A_350 : i32 to index
        %get3A_369 = arith.constant 32 : index
        %get3A_370 = tpu.vector_load %arg13[%get3A_368, %get3A_369] {strides = array<i32>} : memref<128x64xf32, #tpu.memory_space<vmem>>, vector<16xf32>,
        %mul3A_371 = arith.mulf %get3A_370, %gather3A_353 : vector<16xf32>
        %swap3A_372 = arith.index_cast %add3A_350 : i32 to index
        %swap3A_373 = arith.constant 32 : index
        %swap3A_374 = tpu.vector_load %arg13[%swap3A_372, %swap3A_373] {strides = array<i32>} : memref<128x64xf32, #tpu.memory_space<vmem>>, vector<16xf32>,
        tpu.vector_store %arg13[%swap3A_372, %swap3A_373], %mul3A_371 {strides = array<i32>} : memref<128x64xf32, #tpu.memory_space<vmem>>, vector<16xf32>,
        %get3A_375 = arith.index_cast %add3A_350 : i32 to index
        %get3A_376 = arith.constant 48 : index
        %get3A_377 = tpu.vector_load %arg13[%get3A_375, %get3A_376] {strides = array<i32>} : memref<128x64xf32, #tpu.memory_space<vmem>>, vector<16xf32>,
        %mul3A_378 = arith.mulf %get3A_377, %gather3A_353 : vector<16xf32>
        %swap3A_379 = arith.index_cast %add3A_350 : i32 to index
        %swap3A_380 = arith.constant 48 : index
        %swap3A_381 = tpu.vector_load %arg13[%swap3A_379, %swap3A_380] {strides = array<i32>} : memref<128x64xf32, #tpu.memory_space<vmem>>, vector<16xf32>,
        tpu.vector_store %arg13[%swap3A_379, %swap3A_380], %mul3A_378 {strides = array<i32>} : memref<128x64xf32, #tpu.memory_space<vmem>>, vector<16xf32>,
        %mul3A_382 = arith.constant 8 : i32
        %mul3A_383 = arith.muli %scan3A_278, %mul3A_382 : i32
        %add3A_384 = arith.constant 3 : i32
        %add3A_385 = arith.addi %mul3A_383, %add3A_384 : i32
        %broadcast_in_dim3A_386 = vector.broadcast %add3A_234 : i32 to vector<16xi32>
        %broadcast_in_dim3A_387 = vector.broadcast %add3A_385 : i32 to vector<16xi32>
        %gather3A_388 = tpu.vector_load_idx %arg9[%broadcast_in_dim3A_386, %broadcast_in_dim3A_387] : memref<160x128xf32, #tpu.memory_space<vmem>>[vector<16xi32>, vector<16xi32>], vector<16xf32>,
        %get3A_389 = arith.index_cast %add3A_385 : i32 to index
        %get3A_390 = arith.constant 0 : index
        %get3A_391 = tpu.vector_load %arg13[%get3A_389, %get3A_390] {strides = array<i32>} : memref<128x64xf32, #tpu.memory_space<vmem>>, vector<16xf32>,
        %mul3A_392 = arith.mulf %get3A_391, %gather3A_388 : vector<16xf32>
        %swap3A_393 = arith.index_cast %add3A_385 : i32 to index
        %swap3A_394 = arith.constant 0 : index
        %swap3A_395 = tpu.vector_load %arg13[%swap3A_393, %swap3A_394] {strides = array<i32>} : memref<128x64xf32, #tpu.memory_space<vmem>>, vector<16xf32>,
        tpu.vector_store %arg13[%swap3A_393, %swap3A_394], %mul3A_392 {strides = array<i32>} : memref<128x64xf32, #tpu.memory_space<vmem>>, vector<16xf32>,
        %get3A_396 = arith.index_cast %add3A_385 : i32 to index
        %get3A_397 = arith.constant 16 : index
        %get3A_398 = tpu.vector_load %arg13[%get3A_396, %get3A_397] {strides = array<i32>} : memref<128x64xf32, #tpu.memory_space<vmem>>, vector<16xf32>,
        %mul3A_399 = arith.mulf %get3A_398, %gather3A_388 : vector<16xf32>
        %swap3A_400 = arith.index_cast %add3A_385 : i32 to index
        %swap3A_401 = arith.constant 16 : index
        %swap3A_402 = tpu.vector_load %arg13[%swap3A_400, %swap3A_401] {strides = array<i32>} : memref<128x64xf32, #tpu.memory_space<vmem>>, vector<16xf32>,
        tpu.vector_store %arg13[%swap3A_400, %swap3A_401], %mul3A_399 {strides = array<i32>} : memref<128x64xf32, #tpu.memory_space<vmem>>, vector<16xf32>,
        %get3A_403 = arith.index_cast %add3A_385 : i32 to index
        %get3A_404 = arith.constant 32 : index
        %get3A_405 = tpu.vector_load %arg13[%get3A_403, %get3A_404] {strides = array<i32>} : memref<128x64xf32, #tpu.memory_space<vmem>>, vector<16xf32>,
        %mul3A_406 = arith.mulf %get3A_405, %gather3A_388 : vector<16xf32>
        %swap3A_407 = arith.index_cast %add3A_385 : i32 to index
        %swap3A_408 = arith.constant 32 : index
        %swap3A_409 = tpu.vector_load %arg13[%swap3A_407, %swap3A_408] {strides = array<i32>} : memref<128x64xf32, #tpu.memory_space<vmem>>, vector<16xf32>,
        tpu.vector_store %arg13[%swap3A_407, %swap3A_408], %mul3A_406 {strides = array<i32>} : memref<128x64xf32, #tpu.memory_space<vmem>>, vector<16xf32>,
        %get3A_410 = arith.index_cast %add3A_385 : i32 to index
        %get3A_411 = arith.constant 48 : index
        %get3A_412 = tpu.vector_load %arg13[%get3A_410, %get3A_411] {strides = array<i32>} : memref<128x64xf32, #tpu.memory_space<vmem>>, vector<16xf32>,
        %mul3A_413 = arith.mulf %get3A_412, %gather3A_388 : vector<16xf32>
        %swap3A_414 = arith.index_cast %add3A_385 : i32 to index
        %swap3A_415 = arith.constant 48 : index
        %swap3A_416 = tpu.vector_load %arg13[%swap3A_414, %swap3A_415] {strides = array<i32>} : memref<128x64xf32, #tpu.memory_space<vmem>>, vector<16xf32>,
        tpu.vector_store %arg13[%swap3A_414, %swap3A_415], %mul3A_413 {strides = array<i32>} : memref<128x64xf32, #tpu.memory_space<vmem>>, vector<16xf32>,
        %mul3A_417 = arith.constant 8 : i32
        %mul3A_418 = arith.muli %scan3A_278, %mul3A_417 : i32
        %add3A_419 = arith.constant 4 : i32
        %add3A_420 = arith.addi %mul3A_418, %add3A_419 : i32
        %broadcast_in_dim3A_421 = vector.broadcast %add3A_234 : i32 to vector<16xi32>
        %broadcast_in_dim3A_422 = vector.broadcast %add3A_420 : i32 to vector<16xi32>
        %gather3A_423 = tpu.vector_load_idx %arg9[%broadcast_in_dim3A_421, %broadcast_in_dim3A_422] : memref<160x128xf32, #tpu.memory_space<vmem>>[vector<16xi32>, vector<16xi32>], vector<16xf32>,
        %get3A_424 = arith.index_cast %add3A_420 : i32 to index
        %get3A_425 = arith.constant 0 : index
        %get3A_426 = tpu.vector_load %arg13[%get3A_424, %get3A_425] {strides = array<i32>} : memref<128x64xf32, #tpu.memory_space<vmem>>, vector<16xf32>,
        %mul3A_427 = arith.mulf %get3A_426, %gather3A_423 : vector<16xf32>
        %swap3A_428 = arith.index_cast %add3A_420 : i32 to index
        %swap3A_429 = arith.constant 0 : index
        %swap3A_430 = tpu.vector_load %arg13[%swap3A_428, %swap3A_429] {strides = array<i32>} : memref<128x64xf32, #tpu.memory_space<vmem>>, vector<16xf32>,
        tpu.vector_store %arg13[%swap3A_428, %swap3A_429], %mul3A_427 {strides = array<i32>} : memref<128x64xf32, #tpu.memory_space<vmem>>, vector<16xf32>,
        %get3A_431 = arith.index_cast %add3A_420 : i32 to index
        %get3A_432 = arith.constant 16 : index
        %get3A_433 = tpu.vector_load %arg13[%get3A_431, %get3A_432] {strides = array<i32>} : memref<128x64xf32, #tpu.memory_space<vmem>>, vector<16xf32>,
        %mul3A_434 = arith.mulf %get3A_433, %gather3A_423 : vector<16xf32>
        %swap3A_435 = arith.index_cast %add3A_420 : i32 to index
        %swap3A_436 = arith.constant 16 : index
        %swap3A_437 = tpu.vector_load %arg13[%swap3A_435, %swap3A_436] {strides = array<i32>} : memref<128x64xf32, #tpu.memory_space<vmem>>, vector<16xf32>,
        tpu.vector_store %arg13[%swap3A_435, %swap3A_436], %mul3A_434 {strides = array<i32>} : memref<128x64xf32, #tpu.memory_space<vmem>>, vector<16xf32>,
        %get3A_438 = arith.index_cast %add3A_420 : i32 to index
        %get3A_439 = arith.constant 32 : index
        %get3A_440 = tpu.vector_load %arg13[%get3A_438, %get3A_439] {strides = array<i32>} : memref<128x64xf32, #tpu.memory_space<vmem>>, vector<16xf32>,
        %mul3A_441 = arith.mulf %get3A_440, %gather3A_423 : vector<16xf32>
        %swap3A_442 = arith.index_cast %add3A_420 : i32 to index
        %swap3A_443 = arith.constant 32 : index
        %swap3A_444 = tpu.vector_load %arg13[%swap3A_442, %swap3A_443] {strides = array<i32>} : memref<128x64xf32, #tpu.memory_space<vmem>>, vector<16xf32>,
        tpu.vector_store %arg13[%swap3A_442, %swap3A_443], %mul3A_441 {strides = array<i32>} : memref<128x64xf32, #tpu.memory_space<vmem>>, vector<16xf32>,
        %get3A_445 = arith.index_cast %add3A_420 : i32 to index
        %get3A_446 = arith.constant 48 : index
        %get3A_447 = tpu.vector_load %arg13[%get3A_445, %get3A_446] {strides = array<i32>} : memref<128x64xf32, #tpu.memory_space<vmem>>, vector<16xf32>,
        %mul3A_448 = arith.mulf %get3A_447, %gather3A_423 : vector<16xf32>
        %swap3A_449 = arith.index_cast %add3A_420 : i32 to index
        %swap3A_450 = arith.constant 48 : index
        %swap3A_451 = tpu.vector_load %arg13[%swap3A_449, %swap3A_450] {strides = array<i32>} : memref<128x64xf32, #tpu.memory_space<vmem>>, vector<16xf32>,
        tpu.vector_store %arg13[%swap3A_449, %swap3A_450], %mul3A_448 {strides = array<i32>} : memref<128x64xf32, #tpu.memory_space<vmem>>, vector<16xf32>,
        %mul3A_452 = arith.constant 8 : i32
        %mul3A_453 = arith.muli %scan3A_278, %mul3A_452 : i32
        %add3A_454 = arith.constant 5 : i32
        %add3A_455 = arith.addi %mul3A_453, %add3A_454 : i32
        %broadcast_in_dim3A_456 = vector.broadcast %add3A_234 : i32 to vector<16xi32>
        %broadcast_in_dim3A_457 = vector.broadcast %add3A_455 : i32 to vector<16xi32>
        %gather3A_458 = tpu.vector_load_idx %arg9[%broadcast_in_dim3A_456, %broadcast_in_dim3A_457] : memref<160x128xf32, #tpu.memory_space<vmem>>[vector<16xi32>, vector<16xi32>], vector<16xf32>,
        %get3A_459 = arith.index_cast %add3A_455 : i32 to index
        %get3A_460 = arith.constant 0 : index
        %get3A_461 = tpu.vector_load %arg13[%get3A_459, %get3A_460] {strides = array<i32>} : memref<128x64xf32, #tpu.memory_space<vmem>>, vector<16xf32>,
        %mul3A_462 = arith.mulf %get3A_461, %gather3A_458 : vector<16xf32>
        %swap3A_463 = arith.index_cast %add3A_455 : i32 to index
        %swap3A_464 = arith.constant 0 : index
        %swap3A_465 = tpu.vector_load %arg13[%swap3A_463, %swap3A_464] {strides = array<i32>} : memref<128x64xf32, #tpu.memory_space<vmem>>, vector<16xf32>,
        tpu.vector_store %arg13[%swap3A_463, %swap3A_464], %mul3A_462 {strides = array<i32>} : memref<128x64xf32, #tpu.memory_space<vmem>>, vector<16xf32>,
        %get3A_466 = arith.index_cast %add3A_455 : i32 to index
        %get3A_467 = arith.constant 16 : index
        %get3A_468 = tpu.vector_load %arg13[%get3A_466, %get3A_467] {strides = array<i32>} : memref<128x64xf32, #tpu.memory_space<vmem>>, vector<16xf32>,
        %mul3A_469 = arith.mulf %get3A_468, %gather3A_458 : vector<16xf32>
        %swap3A_470 = arith.index_cast %add3A_455 : i32 to index
        %swap3A_471 = arith.constant 16 : index
        %swap3A_472 = tpu.vector_load %arg13[%swap3A_470, %swap3A_471] {strides = array<i32>} : memref<128x64xf32, #tpu.memory_space<vmem>>, vector<16xf32>,
        tpu.vector_store %arg13[%swap3A_470, %swap3A_471], %mul3A_469 {strides = array<i32>} : memref<128x64xf32, #tpu.memory_space<vmem>>, vector<16xf32>,
        %get3A_473 = arith.index_cast %add3A_455 : i32 to index
        %get3A_474 = arith.constant 32 : index
        %get3A_475 = tpu.vector_load %arg13[%get3A_473, %get3A_474] {strides = array<i32>} : memref<128x64xf32, #tpu.memory_space<vmem>>, vector<16xf32>,
        %mul3A_476 = arith.mulf %get3A_475, %gather3A_458 : vector<16xf32>
        %swap3A_477 = arith.index_cast %add3A_455 : i32 to index
        %swap3A_478 = arith.constant 32 : index
        %swap3A_479 = tpu.vector_load %arg13[%swap3A_477, %swap3A_478] {strides = array<i32>} : memref<128x64xf32, #tpu.memory_space<vmem>>, vector<16xf32>,
        tpu.vector_store %arg13[%swap3A_477, %swap3A_478], %mul3A_476 {strides = array<i32>} : memref<128x64xf32, #tpu.memory_space<vmem>>, vector<16xf32>,
        %get3A_480 = arith.index_cast %add3A_455 : i32 to index
        %get3A_481 = arith.constant 48 : index
        %get3A_482 = tpu.vector_load %arg13[%get3A_480, %get3A_481] {strides = array<i32>} : memref<128x64xf32, #tpu.memory_space<vmem>>, vector<16xf32>,
        %mul3A_483 = arith.mulf %get3A_482, %gather3A_458 : vector<16xf32>
        %swap3A_484 = arith.index_cast %add3A_455 : i32 to index
        %swap3A_485 = arith.constant 48 : index
        %swap3A_486 = tpu.vector_load %arg13[%swap3A_484, %swap3A_485] {strides = array<i32>} : memref<128x64xf32, #tpu.memory_space<vmem>>, vector<16xf32>,
        tpu.vector_store %arg13[%swap3A_484, %swap3A_485], %mul3A_483 {strides = array<i32>} : memref<128x64xf32, #tpu.memory_space<vmem>>, vector<16xf32>,
        %mul3A_487 = arith.constant 8 : i32
        %mul3A_488 = arith.muli %scan3A_278, %mul3A_487 : i32
        %add3A_489 = arith.constant 6 : i32
        %add3A_490 = arith.addi %mul3A_488, %add3A_489 : i32
        %broadcast_in_dim3A_491 = vector.broadcast %add3A_234 : i32 to vector<16xi32>
        %broadcast_in_dim3A_492 = vector.broadcast %add3A_490 : i32 to vector<16xi32>
        %gather3A_493 = tpu.vector_load_idx %arg9[%broadcast_in_dim3A_491, %broadcast_in_dim3A_492] : memref<160x128xf32, #tpu.memory_space<vmem>>[vector<16xi32>, vector<16xi32>], vector<16xf32>,
        %get3A_494 = arith.index_cast %add3A_490 : i32 to index
        %get3A_495 = arith.constant 0 : index
        %get3A_496 = tpu.vector_load %arg13[%get3A_494, %get3A_495] {strides = array<i32>} : memref<128x64xf32, #tpu.memory_space<vmem>>, vector<16xf32>,
        %mul3A_497 = arith.mulf %get3A_496, %gather3A_493 : vector<16xf32>
        %swap3A_498 = arith.index_cast %add3A_490 : i32 to index
        %swap3A_499 = arith.constant 0 : index
        %swap3A_500 = tpu.vector_load %arg13[%swap3A_498, %swap3A_499] {strides = array<i32>} : memref<128x64xf32, #tpu.memory_space<vmem>>, vector<16xf32>,
        tpu.vector_store %arg13[%swap3A_498, %swap3A_499], %mul3A_497 {strides = array<i32>} : memref<128x64xf32, #tpu.memory_space<vmem>>, vector<16xf32>,
        %get3A_501 = arith.index_cast %add3A_490 : i32 to index
        %get3A_502 = arith.constant 16 : index
        %get3A_503 = tpu.vector_load %arg13[%get3A_501, %get3A_502] {strides = array<i32>} : memref<128x64xf32, #tpu.memory_space<vmem>>, vector<16xf32>,
        %mul3A_504 = arith.mulf %get3A_503, %gather3A_493 : vector<16xf32>
        %swap3A_505 = arith.index_cast %add3A_490 : i32 to index
        %swap3A_506 = arith.constant 16 : index
        %swap3A_507 = tpu.vector_load %arg13[%swap3A_505, %swap3A_506] {strides = array<i32>} : memref<128x64xf32, #tpu.memory_space<vmem>>, vector<16xf32>,
        tpu.vector_store %arg13[%swap3A_505, %swap3A_506], %mul3A_504 {strides = array<i32>} : memref<128x64xf32, #tpu.memory_space<vmem>>, vector<16xf32>,
        %get3A_508 = arith.index_cast %add3A_490 : i32 to index
        %get3A_509 = arith.constant 32 : index
        %get3A_510 = tpu.vector_load %arg13[%get3A_508, %get3A_509] {strides = array<i32>} : memref<128x64xf32, #tpu.memory_space<vmem>>, vector<16xf32>,
        %mul3A_511 = arith.mulf %get3A_510, %gather3A_493 : vector<16xf32>
        %swap3A_512 = arith.index_cast %add3A_490 : i32 to index
        %swap3A_513 = arith.constant 32 : index
        %swap3A_514 = tpu.vector_load %arg13[%swap3A_512, %swap3A_513] {strides = array<i32>} : memref<128x64xf32, #tpu.memory_space<vmem>>, vector<16xf32>,
        tpu.vector_store %arg13[%swap3A_512, %swap3A_513], %mul3A_511 {strides = array<i32>} : memref<128x64xf32, #tpu.memory_space<vmem>>, vector<16xf32>,
        %get3A_515 = arith.index_cast %add3A_490 : i32 to index
        %get3A_516 = arith.constant 48 : index
        %get3A_517 = tpu.vector_load %arg13[%get3A_515, %get3A_516] {strides = array<i32>} : memref<128x64xf32, #tpu.memory_space<vmem>>, vector<16xf32>,
        %mul3A_518 = arith.mulf %get3A_517, %gather3A_493 : vector<16xf32>
        %swap3A_519 = arith.index_cast %add3A_490 : i32 to index
        %swap3A_520 = arith.constant 48 : index
        %swap3A_521 = tpu.vector_load %arg13[%swap3A_519, %swap3A_520] {strides = array<i32>} : memref<128x64xf32, #tpu.memory_space<vmem>>, vector<16xf32>,
        tpu.vector_store %arg13[%swap3A_519, %swap3A_520], %mul3A_518 {strides = array<i32>} : memref<128x64xf32, #tpu.memory_space<vmem>>, vector<16xf32>,
        %mul3A_522 = arith.constant 8 : i32
        %mul3A_523 = arith.muli %scan3A_278, %mul3A_522 : i32
        %add3A_524 = arith.constant 7 : i32
        %add3A_525 = arith.addi %mul3A_523, %add3A_524 : i32
        %broadcast_in_dim3A_526 = vector.broadcast %add3A_234 : i32 to vector<16xi32>
        %broadcast_in_dim3A_527 = vector.broadcast %add3A_525 : i32 to vector<16xi32>
        %gather3A_528 = tpu.vector_load_idx %arg9[%broadcast_in_dim3A_526, %broadcast_in_dim3A_527] : memref<160x128xf32, #tpu.memory_space<vmem>>[vector<16xi32>, vector<16xi32>], vector<16xf32>,
        %get3A_529 = arith.index_cast %add3A_525 : i32 to index
        %get3A_530 = arith.constant 0 : index
        %get3A_531 = tpu.vector_load %arg13[%get3A_529, %get3A_530] {strides = array<i32>} : memref<128x64xf32, #tpu.memory_space<vmem>>, vector<16xf32>,
        %mul3A_532 = arith.mulf %get3A_531, %gather3A_528 : vector<16xf32>
        %swap3A_533 = arith.index_cast %add3A_525 : i32 to index
        %swap3A_534 = arith.constant 0 : index
        %swap3A_535 = tpu.vector_load %arg13[%swap3A_533, %swap3A_534] {strides = array<i32>} : memref<128x64xf32, #tpu.memory_space<vmem>>, vector<16xf32>,
        tpu.vector_store %arg13[%swap3A_533, %swap3A_534], %mul3A_532 {strides = array<i32>} : memref<128x64xf32, #tpu.memory_space<vmem>>, vector<16xf32>,
        %get3A_536 = arith.index_cast %add3A_525 : i32 to index
        %get3A_537 = arith.constant 16 : index
        %get3A_538 = tpu.vector_load %arg13[%get3A_536, %get3A_537] {strides = array<i32>} : memref<128x64xf32, #tpu.memory_space<vmem>>, vector<16xf32>,
        %mul3A_539 = arith.mulf %get3A_538, %gather3A_528 : vector<16xf32>
        %swap3A_540 = arith.index_cast %add3A_525 : i32 to index
        %swap3A_541 = arith.constant 16 : index
        %swap3A_542 = tpu.vector_load %arg13[%swap3A_540, %swap3A_541] {strides = array<i32>} : memref<128x64xf32, #tpu.memory_space<vmem>>, vector<16xf32>,
        tpu.vector_store %arg13[%swap3A_540, %swap3A_541], %mul3A_539 {strides = array<i32>} : memref<128x64xf32, #tpu.memory_space<vmem>>, vector<16xf32>,
        %get3A_543 = arith.index_cast %add3A_525 : i32 to index
        %get3A_544 = arith.constant 32 : index
        %get3A_545 = tpu.vector_load %arg13[%get3A_543, %get3A_544] {strides = array<i32>} : memref<128x64xf32, #tpu.memory_space<vmem>>, vector<16xf32>,
        %mul3A_546 = arith.mulf %get3A_545, %gather3A_528 : vector<16xf32>
        %swap3A_547 = arith.index_cast %add3A_525 : i32 to index
        %swap3A_548 = arith.constant 32 : index
        %swap3A_549 = tpu.vector_load %arg13[%swap3A_547, %swap3A_548] {strides = array<i32>} : memref<128x64xf32, #tpu.memory_space<vmem>>, vector<16xf32>,
        tpu.vector_store %arg13[%swap3A_547, %swap3A_548], %mul3A_546 {strides = array<i32>} : memref<128x64xf32, #tpu.memory_space<vmem>>, vector<16xf32>,
        %get3A_550 = arith.index_cast %add3A_525 : i32 to index
        %get3A_551 = arith.constant 48 : index
        %get3A_552 = tpu.vector_load %arg13[%get3A_550, %get3A_551] {strides = array<i32>} : memref<128x64xf32, #tpu.memory_space<vmem>>, vector<16xf32>,
        %mul3A_553 = arith.mulf %get3A_552, %gather3A_528 : vector<16xf32>
        %swap3A_554 = arith.index_cast %add3A_525 : i32 to index
        %swap3A_555 = arith.constant 48 : index
        %swap3A_556 = tpu.vector_load %arg13[%swap3A_554, %swap3A_555] {strides = array<i32>} : memref<128x64xf32, #tpu.memory_space<vmem>>, vector<16xf32>,
        tpu.vector_store %arg13[%swap3A_554, %swap3A_555], %mul3A_553 {strides = array<i32>} : memref<128x64xf32, #tpu.memory_space<vmem>>, vector<16xf32>,
      }
      %scan3A_249 = arith.constant 16 : i32
      %dma_start3A_250 = arith.constant 0 : i32
      %dma_start3A_251 = tpu.memref_slice %arg8[%add3A_234, %dma_start3A_250] : memref<160x128xi32, #tpu.memory_space<vmem>> -> memref<1x128xi32, #tpu.memory_space<vmem>>
      %dma_start3A_252 = tpu.memref_squeeze %dma_start3A_251 : memref<1x128xi32, #tpu.memory_space<vmem>> -> memref<128xi32, #tpu.memory_space<vmem>>
      %dma_start3A_253 = arith.constant 0 : i32
      %dma_start3A_254 = arith.constant 0 : i32
      %dma_start3A_255 = tpu.memref_slice %arg15[%dma_start3A_253, %dma_start3A_254] : memref<10112x64xf32, #tpu.memory_space<vmem_shared>> -> memref<10112x64xf32, #tpu.memory_space<vmem_shared>>
      tpu.enqueue_indirect_dma source(%arg13 : memref<128x64xf32, #tpu.memory_space<vmem>>) target(%dma_start3A_255 : memref<10112x64xf32, #tpu.memory_space<vmem_shared>>) offsets(%dma_start3A_252 : memref<128xi32, #tpu.memory_space<vmem>>) semaphore(%arg20 : memref<!tpu.dma_semaphore, #tpu.memory_space<semaphore_mem>>) {add = true}
      %mul3A_256 = arith.constant 2 : i32
      %mul3A_257 = arith.muli %mul3A_256, %scan3A_205 : i32
      %add3A_258 = arith.constant 0 : i32
      %add3A_259 = arith.addi %mul3A_257, %add3A_258 : i32
      %add3A_260 = arith.constant 2 : i32
      %add3A_261 = arith.addi %add3A_259, %add3A_260 : i32
      %lt3A_262 = arith.constant 160 : i32
      %lt3A_263 = arith.cmpi slt, %add3A_261, %lt3A_262 : i32
      %convert_element_type3A_264 = arith.extui %lt3A_263 : i1 to i32
      %cond3A_265 = arith.constant 0 : i32
      %cond3A_266 = arith.cmpi ne, %convert_element_type3A_264, %cond3A_265 : i32
      scf.if %cond3A_266 {
        %dma_wait3A_278 = arith.constant 0 : i32
        %dma_wait3A_279 = tpu.memref_slice %arg8[%add3A_259, %dma_wait3A_278] : memref<160x128xi32, #tpu.memory_space<vmem>> -> memref<1x128xi32, #tpu.memory_space<vmem>>
        %dma_wait3A_280 = tpu.memref_squeeze %dma_wait3A_279 : memref<1x128xi32, #tpu.memory_space<vmem>> -> memref<128xi32, #tpu.memory_space<vmem>>
        %dma_wait3A_281 = arith.constant 0 : i32
        %dma_wait3A_282 = arith.constant 0 : i32
        %dma_wait3A_283 = tpu.memref_slice %arg15[%dma_wait3A_281, %dma_wait3A_282] : memref<10112x64xf32, #tpu.memory_space<vmem_shared>> -> memref<10112x64xf32, #tpu.memory_space<vmem_shared>>
        tpu.wait_indirect_dma semaphore(%arg19 : memref<!tpu.dma_semaphore, #tpu.memory_space<semaphore_mem>>) src(%arg12 : memref<128x64xf32, #tpu.memory_space<vmem>>) dst(%dma_wait3A_283 : memref<10112x64xf32, #tpu.memory_space<vmem_shared>>)
        %add3A_284 = arith.constant 2 : i32
        %add3A_285 = arith.addi %add3A_259, %add3A_284 : i32
        %dma_start3A_286 = arith.constant 0 : i32
        %dma_start3A_287 = tpu.memref_slice %arg7[%add3A_285, %dma_start3A_286] : memref<160x128xi32, #tpu.memory_space<vmem>> -> memref<1x128xi32, #tpu.memory_space<vmem>>
        %dma_start3A_288 = tpu.memref_squeeze %dma_start3A_287 : memref<1x128xi32, #tpu.memory_space<vmem>> -> memref<128xi32, #tpu.memory_space<vmem>>
        %dma_start3A_289 = arith.constant 0 : i32
        %dma_start3A_290 = arith.constant 0 : i32
        %dma_start3A_291 = tpu.memref_slice %arg2[%arg0, %dma_start3A_289, %dma_start3A_290] : memref<2x10240x64xf32, #tpu.memory_space<hbm>> -> memref<1x10240x64xf32, #tpu.memory_space<hbm>>
        %dma_start3A_292 = tpu.memref_squeeze %dma_start3A_291 : memref<1x10240x64xf32, #tpu.memory_space<hbm>> -> memref<10240x64xf32, #tpu.memory_space<hbm>>
        %dma_start3A_293 = arith.constant 0 : i32
        %dma_start3A_294 = arith.constant 0 : i32
        %dma_start3A_295 = tpu.memref_slice %dma_start3A_292[%dma_start3A_293, %dma_start3A_294] : memref<10240x64xf32, #tpu.memory_space<hbm>> -> memref<10240x64xf32, #tpu.memory_space<hbm>>
        tpu.enqueue_indirect_dma source(%dma_start3A_295 : memref<10240x64xf32, #tpu.memory_space<hbm>>) target(%arg12 : memref<128x64xf32, #tpu.memory_space<vmem>>) offsets(%dma_start3A_288 : memref<128xi32, #tpu.memory_space<vmem>>) semaphore(%arg17 : memref<!tpu.dma_semaphore, #tpu.memory_space<semaphore_mem>>)
      } else {
      }
      %mul3A_267 = arith.constant 2 : i32
      %mul3A_268 = arith.muli %mul3A_267, %scan3A_205 : i32
      %add3A_269 = arith.constant 1 : i32
      %add3A_270 = arith.addi %mul3A_268, %add3A_269 : i32
      %add3A_271 = arith.constant 2 : i32
      %add3A_272 = arith.addi %add3A_270, %add3A_271 : i32
      %lt3A_273 = arith.constant 160 : i32
      %lt3A_274 = arith.cmpi slt, %add3A_272, %lt3A_273 : i32
      %convert_element_type3A_275 = arith.extui %lt3A_274 : i1 to i32
      %cond3A_276 = arith.constant 0 : i32
      %cond3A_277 = arith.cmpi ne, %convert_element_type3A_275, %cond3A_276 : i32
      scf.if %cond3A_277 {
        %dma_wait3A_278 = arith.constant 0 : i32
        %dma_wait3A_279 = tpu.memref_slice %arg8[%add3A_270, %dma_wait3A_278] : memref<160x128xi32, #tpu.memory_space<vmem>> -> memref<1x128xi32, #tpu.memory_space<vmem>>
        %dma_wait3A_280 = tpu.memref_squeeze %dma_wait3A_279 : memref<1x128xi32, #tpu.memory_space<vmem>> -> memref<128xi32, #tpu.memory_space<vmem>>
        %dma_wait3A_281 = arith.constant 0 : i32
        %dma_wait3A_282 = arith.constant 0 : i32
        %dma_wait3A_283 = tpu.memref_slice %arg15[%dma_wait3A_281, %dma_wait3A_282] : memref<10112x64xf32, #tpu.memory_space<vmem_shared>> -> memref<10112x64xf32, #tpu.memory_space<vmem_shared>>
        tpu.wait_indirect_dma semaphore(%arg20 : memref<!tpu.dma_semaphore, #tpu.memory_space<semaphore_mem>>) src(%arg13 : memref<128x64xf32, #tpu.memory_space<vmem>>) dst(%dma_wait3A_283 : memref<10112x64xf32, #tpu.memory_space<vmem_shared>>)
        %add3A_284 = arith.constant 2 : i32
        %add3A_285 = arith.addi %add3A_270, %add3A_284 : i32
        %dma_start3A_286 = arith.constant 0 : i32
        %dma_start3A_287 = tpu.memref_slice %arg7[%add3A_285, %dma_start3A_286] : memref<160x128xi32, #tpu.memory_space<vmem>> -> memref<1x128xi32, #tpu.memory_space<vmem>>
        %dma_start3A_288 = tpu.memref_squeeze %dma_start3A_287 : memref<1x128xi32, #tpu.memory_space<vmem>> -> memref<128xi32, #tpu.memory_space<vmem>>
        %dma_start3A_289 = arith.constant 0 : i32
        %dma_start3A_290 = arith.constant 0 : i32
        %dma_start3A_291 = tpu.memref_slice %arg2[%arg0, %dma_start3A_289, %dma_start3A_290] : memref<2x10240x64xf32, #tpu.memory_space<hbm>> -> memref<1x10240x64xf32, #tpu.memory_space<hbm>>
        %dma_start3A_292 = tpu.memref_squeeze %dma_start3A_291 : memref<1x10240x64xf32, #tpu.memory_space<hbm>> -> memref<10240x64xf32, #tpu.memory_space<hbm>>
        %dma_start3A_293 = arith.constant 0 : i32
        %dma_start3A_294 = arith.constant 0 : i32
        %dma_start3A_295 = tpu.memref_slice %dma_start3A_292[%dma_start3A_293, %dma_start3A_294] : memref<10240x64xf32, #tpu.memory_space<hbm>> -> memref<10240x64xf32, #tpu.memory_space<hbm>>
        tpu.enqueue_indirect_dma source(%dma_start3A_295 : memref<10240x64xf32, #tpu.memory_space<hbm>>) target(%arg13 : memref<128x64xf32, #tpu.memory_space<vmem>>) offsets(%dma_start3A_288 : memref<128xi32, #tpu.memory_space<vmem>>) semaphore(%arg18 : memref<!tpu.dma_semaphore, #tpu.memory_space<semaphore_mem>>)
      } else {
      }
    }
    %scan3A_186 = arith.constant 80 : i32
    %dma_wait3A = arith.constant 158 : i32
    %dma_wait3A_187 = arith.constant 0 : i32
    %dma_wait3A_188 = tpu.memref_slice %arg8[%dma_wait3A, %dma_wait3A_187] : memref<160x128xi32, #tpu.memory_space<vmem>> -> memref<1x128xi32, #tpu.memory_space<vmem>>
    %dma_wait3A_189 = tpu.memref_squeeze %dma_wait3A_188 : memref<1x128xi32, #tpu.memory_space<vmem>> -> memref<128xi32, #tpu.memory_space<vmem>>
    %dma_wait3A_190 = arith.constant 0 : i32
    %dma_wait3A_191 = arith.constant 0 : i32
    %dma_wait3A_192 = tpu.memref_slice %arg15[%dma_wait3A_190, %dma_wait3A_191] : memref<10112x64xf32, #tpu.memory_space<vmem_shared>> -> memref<10112x64xf32, #tpu.memory_space<vmem_shared>>
    tpu.wait_indirect_dma semaphore(%arg19 : memref<!tpu.dma_semaphore, #tpu.memory_space<semaphore_mem>>) src(%arg12 : memref<128x64xf32, #tpu.memory_space<vmem>>) dst(%dma_wait3A_192 : memref<10112x64xf32, #tpu.memory_space<vmem_shared>>)
    %dma_wait3A_193 = arith.constant 159 : i32
    %dma_wait3A_194 = arith.constant 0 : i32
    %dma_wait3A_195 = tpu.memref_slice %arg8[%dma_wait3A_193, %dma_wait3A_194] : memref<160x128xi32, #tpu.memory_space<vmem>> -> memref<1x128xi32, #tpu.memory_space<vmem>>
    %dma_wait3A_196 = tpu.memref_squeeze %dma_wait3A_195 : memref<1x128xi32, #tpu.memory_space<vmem>> -> memref<128xi32, #tpu.memory_space<vmem>>
    %dma_wait3A_197 = arith.constant 0 : i32
    %dma_wait3A_198 = arith.constant 0 : i32
    %dma_wait3A_199 = tpu.memref_slice %arg15[%dma_wait3A_197, %dma_wait3A_198] : memref<10112x64xf32, #tpu.memory_space<vmem_shared>> -> memref<10112x64xf32, #tpu.memory_space<vmem_shared>>
    tpu.wait_indirect_dma semaphore(%arg20 : memref<!tpu.dma_semaphore, #tpu.memory_space<semaphore_mem>>) src(%arg13 : memref<128x64xf32, #tpu.memory_space<vmem>>) dst(%dma_wait3A_199 : memref<10112x64xf32, #tpu.memory_space<vmem_shared>>)
    %barrier3A_200 = arith.constant 0 : index
    tpu.barrier barrier_id(%barrier3A_200)
    %mul3A_201 = arith.constant 632 : i32
    %mul3A_202 = arith.muli %arg1, %mul3A_201 : i32
    %mul3A_203 = arith.constant 632 : i32
    %mul3A_204 = arith.muli %arg1, %mul3A_203 : i32
    "tpu.region"() ({
      %run_scoped3A_205 = tpu.sem_alloc : memref<!tpu.dma_semaphore, #tpu.memory_space<semaphore_mem>>
      %dma_start3A_206 = arith.constant 0 : i32
      %dma_start3A_207 = tpu.memref_slice %arg6[%arg0, %mul3A_204, %dma_start3A_206] : memref<2x10112x64xf32, #tpu.memory_space<hbm>> -> memref<1x632x64xf32, #tpu.memory_space<hbm>>
      %dma_start3A_208 = tpu.memref_squeeze %dma_start3A_207 : memref<1x632x64xf32, #tpu.memory_space<hbm>> -> memref<632x64xf32, #tpu.memory_space<hbm>>
      %dma_start3A_209 = arith.constant 0 : i32
      %dma_start3A_210 = tpu.memref_slice %arg15[%mul3A_202, %dma_start3A_209] : memref<10112x64xf32, #tpu.memory_space<vmem_shared>> -> memref<632x64xf32, #tpu.memory_space<vmem_shared>>
      tpu.enqueue_dma source(%dma_start3A_210 : memref<632x64xf32, #tpu.memory_space<vmem_shared>>) target(%dma_start3A_208 : memref<632x64xf32, #tpu.memory_space<hbm>>) target_semaphore(%run_scoped3A_205 : memref<!tpu.dma_semaphore, #tpu.memory_space<semaphore_mem>>)
      %dma_wait3A_211 = arith.constant 0 : i32
      %dma_wait3A_212 = tpu.memref_slice %arg6[%arg0, %mul3A_204, %dma_wait3A_211] : memref<2x10112x64xf32, #tpu.memory_space<hbm>> -> memref<1x632x64xf32, #tpu.memory_space<hbm>>
      %dma_wait3A_213 = tpu.memref_squeeze %dma_wait3A_212 : memref<1x632x64xf32, #tpu.memory_space<hbm>> -> memref<632x64xf32, #tpu.memory_space<hbm>>
      %dma_wait3A_214 = arith.constant 0 : i32
      %dma_wait3A_215 = tpu.memref_slice %arg15[%mul3A_202, %dma_wait3A_214] : memref<10112x64xf32, #tpu.memory_space<vmem_shared>> -> memref<632x64xf32, #tpu.memory_space<vmem_shared>>
      tpu.wait_dma2 semaphore(%run_scoped3A_205 : memref<!tpu.dma_semaphore, #tpu.memory_space<semaphore_mem>>) src(%dma_wait3A_215 : memref<632x64xf32, #tpu.memory_space<vmem_shared>>) dst(%dma_wait3A_213 : memref<632x64xf32, #tpu.memory_space<hbm>>)
      tpu.yield
    }) : () -> ()
    return
  }
}

module attributes {stable_mosaic.version = 14 : i64} {
  func.func @_tc1_body(%arg0: i32, %arg1: memref<1024x128xf32, #tpu.memory_space<vmem>>, %arg2: memref<128x128xf32, #tpu.memory_space<vmem>>, %arg3: memref<1x128xf32, #tpu.memory_space<vmem>>, %arg4: memref<1x128xf32, #tpu.memory_space<vmem>>, %arg5: memref<1x128xf32, #tpu.memory_space<vmem>>, %arg6: memref<128x128xf32, #tpu.memory_space<vmem>>, %arg7: memref<2x1024x64xf32, #tpu.memory_space<vmem>>) attributes {dimension_semantics = [#tpu.dimension_semantics<arbitrary>], iteration_bounds = array<i64: 10>, scalar_prefetch = 0 : i64, scratch_operands = 0 : i64, tpu.core_type = #tpu.core_type<tc>, window_params = [{transform_indices = @transform_0, window_bounds = array<i64: 1024, 128>}, {pipeline_mode = #tpu.pipeline_mode<synchronous>, transform_indices = @transform_1, window_bounds = array<i64: 128, 128>}, {pipeline_mode = #tpu.pipeline_mode<synchronous>, transform_indices = @transform_2, window_bounds = array<i64: 1, 128>}, {pipeline_mode = #tpu.pipeline_mode<synchronous>, transform_indices = @transform_3, window_bounds = array<i64: 1, 128>}, {pipeline_mode = #tpu.pipeline_mode<synchronous>, transform_indices = @transform_4, window_bounds = array<i64: 1, 128>}, {pipeline_mode = #tpu.pipeline_mode<synchronous>, transform_indices = @transform_5, window_bounds = array<i64: 128, 128>}, {transform_indices = @transform_6, window_bounds = array<i64: 2, 1024, 64>}]} {
    %get3A = arith.constant 0 : index
    %get3A_0 = arith.constant 0 : index
    %get3A_1 = vector.load %arg1[%get3A, %get3A_0] : memref<1024x128xf32, #tpu.memory_space<vmem>>, vector<1024x128xf32>
    %get3A_2 = arith.constant 0 : index
    %get3A_3 = arith.constant 0 : index
    %get3A_4 = vector.load %arg2[%get3A_2, %get3A_3] : memref<128x128xf32, #tpu.memory_space<vmem>>, vector<128x128xf32>
    %dot_general3A = arith.constant dense<0.000000e+00> : vector<1024x128xf32>
    %dot_general3A_5 = tpu.matmul %get3A_1, %get3A_4, %dot_general3A {dimension_numbers = #tpu.dot_dimension_numbers<[1], [1], [0], [0], [0, 0, 1, 0], [], []>, precision = #tpu.contract_precision<fp32>, transpose_lhs_hint = false} : vector<1024x128xf32>, vector<128x128xf32>, vector<1024x128xf32> -> vector<1024x128xf32>
    %get3A_6 = arith.constant 0 : index
    %get3A_7 = arith.constant 0 : index
    %get3A_8 = vector.load %arg3[%get3A_6, %get3A_7] : memref<1x128xf32, #tpu.memory_space<vmem>>, vector<1x128xf32>
    %add3A = vector.broadcast %get3A_8 : vector<1x128xf32> to vector<1024x128xf32>
    %add3A_9 = arith.addf %dot_general3A_5, %add3A : vector<1024x128xf32>
    %max3A = arith.constant 0.000000e+00 : f32
    %max3A_10 = vector.broadcast %max3A : f32 to vector<1024x128xf32>
    %max3A_11 = arith.maximumf %add3A_9, %max3A_10 : vector<1024x128xf32>
    %get3A_12 = arith.constant 0 : index
    %get3A_13 = arith.constant 0 : index
    %get3A_14 = vector.load %arg4[%get3A_12, %get3A_13] : memref<1x128xf32, #tpu.memory_space<vmem>>, vector<1x128xf32>
    %mul3A = arith.constant 0.999994993 : f32
    %mul3A_15 = vector.broadcast %mul3A : f32 to vector<1x128xf32>
    %mul3A_16 = arith.mulf %get3A_14, %mul3A_15 : vector<1x128xf32>
    %mul3A_17 = vector.broadcast %mul3A_16 : vector<1x128xf32> to vector<1024x128xf32>
    %mul3A_18 = arith.mulf %max3A_11, %mul3A_17 : vector<1024x128xf32>
    %get3A_19 = arith.constant 0 : index
    %get3A_20 = arith.constant 0 : index
    %get3A_21 = vector.load %arg5[%get3A_19, %get3A_20] : memref<1x128xf32, #tpu.memory_space<vmem>>, vector<1x128xf32>
    %add3A_22 = vector.broadcast %get3A_21 : vector<1x128xf32> to vector<1024x128xf32>
    %add3A_23 = arith.addf %mul3A_18, %add3A_22 : vector<1024x128xf32>
    %get3A_24 = arith.constant 0 : index
    %get3A_25 = arith.constant 0 : index
    %get3A_26 = vector.load %arg6[%get3A_24, %get3A_25] : memref<128x128xf32, #tpu.memory_space<vmem>>, vector<128x128xf32>
    %dot_general3A_27 = arith.constant dense<0.000000e+00> : vector<1024x128xf32>
    %dot_general3A_28 = tpu.matmul %add3A_23, %get3A_26, %dot_general3A_27 {dimension_numbers = #tpu.dot_dimension_numbers<[1], [1], [0], [0], [0, 0, 1, 0], [], []>, precision = #tpu.contract_precision<fp32>, transpose_lhs_hint = false} : vector<1024x128xf32>, vector<128x128xf32>, vector<1024x128xf32> -> vector<1024x128xf32>
    %slice3A = vector.extract_strided_slice %dot_general3A_28 {offsets = [0, 0], sizes = [1024, 64], strides = [1, 1]} : vector<1024x128xf32> to vector<1024x64xf32>
    %swap3A = arith.constant 0 : index
    %swap3A_29 = arith.constant 0 : index
    %swap3A_30 = arith.constant 0 : index
    %swap3A_31 = vector.load %arg7[%swap3A, %swap3A_29, %swap3A_30] : memref<2x1024x64xf32, #tpu.memory_space<vmem>>, vector<1x1024x64xf32>
    %swap3A_32 = vector.shape_cast %swap3A_31 : vector<1x1024x64xf32> to vector<1024x64xf32>
    %swap3A_33 = vector.shape_cast %slice3A : vector<1024x64xf32> to vector<1x1024x64xf32>
    tpu.vector_store %arg7[%swap3A, %swap3A_29, %swap3A_30], %swap3A_33 {strides = array<i32>} : memref<2x1024x64xf32, #tpu.memory_space<vmem>>, vector<1x1024x64xf32>,
    %slice3A_34 = vector.extract_strided_slice %dot_general3A_28 {offsets = [0, 64], sizes = [1024, 64], strides = [1, 1]} : vector<1024x128xf32> to vector<1024x64xf32>
    %swap3A_35 = arith.constant 1 : index
    %swap3A_36 = arith.constant 0 : index
    %swap3A_37 = arith.constant 0 : index
    %swap3A_38 = vector.load %arg7[%swap3A_35, %swap3A_36, %swap3A_37] : memref<2x1024x64xf32, #tpu.memory_space<vmem>>, vector<1x1024x64xf32>
    %swap3A_39 = vector.shape_cast %swap3A_38 : vector<1x1024x64xf32> to vector<1024x64xf32>
    %swap3A_40 = vector.shape_cast %slice3A_34 : vector<1024x64xf32> to vector<1x1024x64xf32>
    tpu.vector_store %arg7[%swap3A_35, %swap3A_36, %swap3A_37], %swap3A_40 {strides = array<i32>} : memref<2x1024x64xf32, #tpu.memory_space<vmem>>, vector<1x1024x64xf32>,
    return
  }
  func.func @transform_0(%arg0: i32) -> (i32, i32) {
    %c0_i32 = arith.constant 0 : i32
    %c0_i32_0 = arith.constant 0 : i32
    return %arg0, %c0_i32 : i32, i32
  }
  func.func @transform_1(%arg0: i32) -> (i32, i32) {
    %c0_i32 = arith.constant 0 : i32
    %c0_i32_0 = arith.constant 0 : i32
    %c0_i32_1 = arith.constant 0 : i32
    return %c0_i32, %c0_i32_0 : i32, i32
  }
  func.func @transform_2(%arg0: i32) -> (i32, i32) {
    %c0_i32 = arith.constant 0 : i32
    %c0_i32_0 = arith.constant 0 : i32
    %c0_i32_1 = arith.constant 0 : i32
    return %c0_i32, %c0_i32_0 : i32, i32
  }
  func.func @transform_3(%arg0: i32) -> (i32, i32) {
    %c0_i32 = arith.constant 0 : i32
    %c0_i32_0 = arith.constant 0 : i32
    %c0_i32_1 = arith.constant 0 : i32
    return %c0_i32, %c0_i32_0 : i32, i32
  }
  func.func @transform_4(%arg0: i32) -> (i32, i32) {
    %c0_i32 = arith.constant 0 : i32
    %c0_i32_0 = arith.constant 0 : i32
    %c0_i32_1 = arith.constant 0 : i32
    return %c0_i32, %c0_i32_0 : i32, i32
  }
  func.func @transform_5(%arg0: i32) -> (i32, i32) {
    %c0_i32 = arith.constant 0 : i32
    %c0_i32_0 = arith.constant 0 : i32
    %c0_i32_1 = arith.constant 0 : i32
    return %c0_i32, %c0_i32_0 : i32, i32
  }
  func.func @transform_6(%arg0: i32) -> (i32, i32, i32) {
    %c0_i32 = arith.constant 0 : i32
    %c0_i32_0 = arith.constant 0 : i32
    %c0_i32_1 = arith.constant 0 : i32
    return %c0_i32, %arg0, %c0_i32_0 : i32, i32, i32
  }
}

module attributes {stable_mosaic.version = 14 : i64} {
  func.func @_tc2_body(%arg0: i32, %arg1: memref<2x1000x64xf32, #tpu.memory_space<vmem>>, %arg2: memref<1x128xf32, #tpu.memory_space<vmem>>, %arg3: memref<1x128xf32, #tpu.memory_space<vmem>>, %arg4: memref<1x128xf32, #tpu.memory_space<vmem>>, %arg5: memref<127x128xf32, #tpu.memory_space<vmem>>, %arg6: memref<63x128xf32, #tpu.memory_space<vmem>>, %arg7: memref<127x128xf32, #tpu.memory_space<vmem>>, %arg8: memref<63x64xf32, #tpu.memory_space<vmem>>, %arg9: memref<1000x128xf32, #tpu.memory_space<vmem>>, %arg10: memref<1000x64xf32, #tpu.memory_space<vmem>>) attributes {dimension_semantics = [#tpu.dimension_semantics<arbitrary>], iteration_bounds = array<i64: 10>, scalar_prefetch = 0 : i64, scratch_operands = 0 : i64, tpu.core_type = #tpu.core_type<tc>, window_params = [{transform_indices = @transform_0, window_bounds = array<i64: 2, 1000, 64>}, {pipeline_mode = #tpu.pipeline_mode<synchronous>, transform_indices = @transform_1, window_bounds = array<i64: 1, 128>}, {pipeline_mode = #tpu.pipeline_mode<synchronous>, transform_indices = @transform_2, window_bounds = array<i64: 1, 128>}, {pipeline_mode = #tpu.pipeline_mode<synchronous>, transform_indices = @transform_3, window_bounds = array<i64: 1, 128>}, {pipeline_mode = #tpu.pipeline_mode<synchronous>, transform_indices = @transform_4, window_bounds = array<i64: 127, 128>}, {pipeline_mode = #tpu.pipeline_mode<synchronous>, transform_indices = @transform_5, window_bounds = array<i64: 63, 128>}, {pipeline_mode = #tpu.pipeline_mode<synchronous>, transform_indices = @transform_6, window_bounds = array<i64: 127, 128>}, {pipeline_mode = #tpu.pipeline_mode<synchronous>, transform_indices = @transform_7, window_bounds = array<i64: 63, 64>}, {transform_indices = @transform_8, window_bounds = array<i64: 1000, 128>}, {transform_indices = @transform_9, window_bounds = array<i64: 1000, 64>}]} {
    %get3A = arith.constant 0 : index
    %get3A_0 = arith.constant 0 : index
    %get3A_1 = arith.constant 0 : index
    %get3A_2 = vector.load %arg1[%get3A, %get3A_0, %get3A_1] : memref<2x1000x64xf32, #tpu.memory_space<vmem>>, vector<1x1000x64xf32>
    %get3A_3 = vector.shape_cast %get3A_2 : vector<1x1000x64xf32> to vector<1000x64xf32>
    %get3A_4 = arith.constant 1 : index
    %get3A_5 = arith.constant 0 : index
    %get3A_6 = arith.constant 0 : index
    %get3A_7 = vector.load %arg1[%get3A_4, %get3A_5, %get3A_6] : memref<2x1000x64xf32, #tpu.memory_space<vmem>>, vector<1x1000x64xf32>
    %get3A_8 = vector.shape_cast %get3A_7 : vector<1x1000x64xf32> to vector<1000x64xf32>
    %concatenate3A = tpu.concatenate %get3A_3, %get3A_8 in 1 : vector<1000x64xf32>, vector<1000x64xf32> -> vector<1000x128xf32>
    %get3A_9 = arith.constant 0 : index
    %get3A_10 = arith.constant 0 : index
    %get3A_11 = vector.load %arg2[%get3A_9, %get3A_10] : memref<1x128xf32, #tpu.memory_space<vmem>>, vector<1x128xf32>
    %add3A = vector.broadcast %get3A_11 : vector<1x128xf32> to vector<1000x128xf32>
    %add3A_12 = arith.addf %concatenate3A, %add3A : vector<1000x128xf32>
    %max3A = arith.constant 0.000000e+00 : f32
    %max3A_13 = vector.broadcast %max3A : f32 to vector<1000x128xf32>
    %max3A_14 = arith.maximumf %add3A_12, %max3A_13 : vector<1000x128xf32>
    %get3A_15 = arith.constant 0 : index
    %get3A_16 = arith.constant 0 : index
    %get3A_17 = vector.load %arg3[%get3A_15, %get3A_16] : memref<1x128xf32, #tpu.memory_space<vmem>>, vector<1x128xf32>
    %mul3A = arith.constant 0.999994993 : f32
    %mul3A_18 = vector.broadcast %mul3A : f32 to vector<1x128xf32>
    %mul3A_19 = arith.mulf %get3A_17, %mul3A_18 : vector<1x128xf32>
    %mul3A_20 = vector.broadcast %mul3A_19 : vector<1x128xf32> to vector<1000x128xf32>
    %mul3A_21 = arith.mulf %max3A_14, %mul3A_20 : vector<1000x128xf32>
    %get3A_22 = arith.constant 0 : index
    %get3A_23 = arith.constant 0 : index
    %get3A_24 = vector.load %arg4[%get3A_22, %get3A_23] : memref<1x128xf32, #tpu.memory_space<vmem>>, vector<1x128xf32>
    %add3A_25 = vector.broadcast %get3A_24 : vector<1x128xf32> to vector<1000x128xf32>
    %add3A_26 = arith.addf %mul3A_21, %add3A_25 : vector<1000x128xf32>
    %get3A_27 = arith.constant 0 : index
    %get3A_28 = arith.constant 0 : index
    %get3A_29 = vector.load %arg5[%get3A_27, %get3A_28] : memref<127x128xf32, #tpu.memory_space<vmem>>, vector<127x128xf32>
    %get3A_30 = arith.constant 0 : index
    %get3A_31 = arith.constant 0 : index
    %get3A_32 = vector.load %arg7[%get3A_30, %get3A_31] : memref<127x128xf32, #tpu.memory_space<vmem>>, vector<127x128xf32>
    %dot_general3A = arith.constant dense<0.000000e+00> : vector<128x128xf32>
    %dot_general3A_33 = tpu.matmul %get3A_29, %get3A_32, %dot_general3A {dimension_numbers = #tpu.dot_dimension_numbers<[0], [0], [1], [1], [0, 1, 1, 1], [], []>, precision = #tpu.contract_precision<fp32>, transpose_lhs_hint = false} : vector<127x128xf32>, vector<127x128xf32>, vector<128x128xf32> -> vector<128x128xf32>
    %dot_general3A_34 = arith.constant dense<0.000000e+00> : vector<1000x128xf32>
    %dot_general3A_35 = tpu.matmul %add3A_26, %dot_general3A_33, %dot_general3A_34 {dimension_numbers = #tpu.dot_dimension_numbers<[1], [0], [0], [1], [0, 0, 1, 1], [], []>, precision = #tpu.contract_precision<fp32>, transpose_lhs_hint = false} : vector<1000x128xf32>, vector<128x128xf32>, vector<1000x128xf32> -> vector<1000x128xf32>
    %swap3A = arith.constant 0 : index
    %swap3A_36 = arith.constant 0 : index
    %swap3A_37 = vector.load %arg9[%swap3A, %swap3A_36] : memref<1000x128xf32, #tpu.memory_space<vmem>>, vector<1000x128xf32>
    tpu.vector_store %arg9[%swap3A, %swap3A_36], %dot_general3A_35 {strides = array<i32>} : memref<1000x128xf32, #tpu.memory_space<vmem>>, vector<1000x128xf32>,
    %get3A_38 = arith.constant 0 : index
    %get3A_39 = arith.constant 0 : index
    %get3A_40 = vector.load %arg6[%get3A_38, %get3A_39] : memref<63x128xf32, #tpu.memory_space<vmem>>, vector<63x128xf32>
    %get3A_41 = arith.constant 0 : index
    %get3A_42 = arith.constant 0 : index
    %get3A_43 = vector.load %arg8[%get3A_41, %get3A_42] : memref<63x64xf32, #tpu.memory_space<vmem>>, vector<63x64xf32>
    %dot_general3A_44 = arith.constant dense<0.000000e+00> : vector<128x64xf32>
    %dot_general3A_45 = tpu.matmul %get3A_40, %get3A_43, %dot_general3A_44 {dimension_numbers = #tpu.dot_dimension_numbers<[0], [0], [1], [1], [0, 1, 1, 1], [], []>, precision = #tpu.contract_precision<fp32>, transpose_lhs_hint = false} : vector<63x128xf32>, vector<63x64xf32>, vector<128x64xf32> -> vector<128x64xf32>
    %dot_general3A_46 = arith.constant dense<0.000000e+00> : vector<1000x64xf32>
    %dot_general3A_47 = tpu.matmul %add3A_26, %dot_general3A_45, %dot_general3A_46 {dimension_numbers = #tpu.dot_dimension_numbers<[1], [0], [0], [1], [0, 0, 1, 1], [], []>, precision = #tpu.contract_precision<fp32>, transpose_lhs_hint = false} : vector<1000x128xf32>, vector<128x64xf32>, vector<1000x64xf32> -> vector<1000x64xf32>
    %swap3A_48 = arith.constant 0 : index
    %swap3A_49 = arith.constant 0 : index
    %swap3A_50 = vector.load %arg10[%swap3A_48, %swap3A_49] : memref<1000x64xf32, #tpu.memory_space<vmem>>, vector<1000x64xf32>
    tpu.vector_store %arg10[%swap3A_48, %swap3A_49], %dot_general3A_47 {strides = array<i32>} : memref<1000x64xf32, #tpu.memory_space<vmem>>, vector<1000x64xf32>,
    return
  }
  func.func @transform_0(%arg0: i32) -> (i32, i32, i32) {
    %c0_i32 = arith.constant 0 : i32
    %c0_i32_0 = arith.constant 0 : i32
    %c0_i32_1 = arith.constant 0 : i32
    return %c0_i32, %arg0, %c0_i32_0 : i32, i32, i32
  }
  func.func @transform_1(%arg0: i32) -> (i32, i32) {
    %c0_i32 = arith.constant 0 : i32
    %c0_i32_0 = arith.constant 0 : i32
    %c0_i32_1 = arith.constant 0 : i32
    return %c0_i32, %c0_i32_0 : i32, i32
  }
  func.func @transform_2(%arg0: i32) -> (i32, i32) {
    %c0_i32 = arith.constant 0 : i32
    %c0_i32_0 = arith.constant 0 : i32
    %c0_i32_1 = arith.constant 0 : i32
    return %c0_i32, %c0_i32_0 : i32, i32
  }
  func.func @transform_3(%arg0: i32) -> (i32, i32) {
    %c0_i32 = arith.constant 0 : i32
    %c0_i32_0 = arith.constant 0 : i32
    %c0_i32_1 = arith.constant 0 : i32
    return %c0_i32, %c0_i32_0 : i32, i32
  }
  func.func @transform_4(%arg0: i32) -> (i32, i32) {
    %c0_i32 = arith.constant 0 : i32
    %c0_i32_0 = arith.constant 0 : i32
    %c0_i32_1 = arith.constant 0 : i32
    return %c0_i32, %c0_i32_0 : i32, i32
  }
  func.func @transform_5(%arg0: i32) -> (i32, i32) {
    %c0_i32 = arith.constant 0 : i32
    %c0_i32_0 = arith.constant 0 : i32
    %c0_i32_1 = arith.constant 0 : i32
    return %c0_i32, %c0_i32_0 : i32, i32
  }
  func.func @transform_6(%arg0: i32) -> (i32, i32) {
    %c0_i32 = arith.constant 0 : i32
    %c0_i32_0 = arith.constant 0 : i32
    %c0_i32_1 = arith.constant 0 : i32
    return %c0_i32, %c0_i32_0 : i32, i32
  }
  func.func @transform_7(%arg0: i32) -> (i32, i32) {
    %c0_i32 = arith.constant 0 : i32
    %c0_i32_0 = arith.constant 0 : i32
    %c0_i32_1 = arith.constant 0 : i32
    return %c0_i32, %c0_i32_0 : i32, i32
  }
  func.func @transform_8(%arg0: i32) -> (i32, i32) {
    %c0_i32 = arith.constant 0 : i32
    %c0_i32_0 = arith.constant 0 : i32
    return %arg0, %c0_i32 : i32, i32
  }
  func.func @transform_9(%arg0: i32) -> (i32, i32) {
    %c0_i32 = arith.constant 0 : i32
    %c0_i32_0 = arith.constant 0 : i32
    return %arg0, %c0_i32 : i32, i32
  }
}

</mosaic_0001>

<sc_bundles>
// kernel: kernel.5.cloned.1.call-start
scs
__scs_entry_jumppad:
0x0: {  	(pc) =	sbr.rel $0x88, $3  }
0x1: {  	(tag) =	ssettag $0x0;
	lr =	simm.s32 $0x1  }
0x2: {  	[smem:$0x3F94] =	sst lr;
	_ =	strace $0xD0000000  }
0x3: {  	_ = 	snop  }
0x4: {  	_ = 	snop  }
0x5: {  	_ = 	snop  }
0x6: {  	_ = 	snop  }
0x7: {  	_ = 	snop  }
__scs_overlays_trampoline_lowered:
0x8: {  	[smem:$0x3FA3] =	sst s0  }
0x9: {  	[smem:$0x3FA4] =	sst s1  }
0xa: {  	[smem:$0x3FA5] =	sst s2  }
0xb: {  	[smem:$0x3FA6] =	sst s3  }
0xc: {  	[smem:$0x3FA7] =	sst s4  }
0xd: {  	[smem:$0x3FA8] =	sst s5  }
0xe: {  	[smem:$0x3FA9] =	sst s6  }
0xf: {  	[smem:$0x3FAA] =	sst s7  }
0x10: {  	[smem:$0x3FAB] =	sst s8  }
0x11: {  	[smem:$0x3FAC] =	sst s9;
	s0 =	simm.s32 @!p0 $0x0  }
0x12: {  	s1 =	sld [smem:$0x3F92];
	s0 =	simm.s32 @p0 $0x1  }
0x13: {  	[smem:$0x3FAD] =	sst s0;
	s0 =	simm.s32 @!p1 $0x0  }
0x14: {  	s2 =	sld [smem:$0x3F91];
	s0 =	simm.s32 @p1 $0x1  }
0x15: {  	[smem:$0x3FAE] =	sst s0;
	s0 =	simm.s32 @!p2 $0x0  }
0x16: {  	s3 =	sld [smem:$0x3FDB];
	s0 =	simm.s32 @p2 $0x1  }
0x17: {  	s4 =	simm.s32 $0x1BF5;
	[smem:$0x3FB0] =	sst s0  }
0x18: {  	s0 =	sld [smem:$0x3F93];
	_ =	swait.ge [sflag:s4], $0x0  }
0x19: {  	s7 =	sld [smem:$0x3F94]  }
0x1a: {  	s8 =	sadd.s32 $0xFFFFE003, lr  }
0x1b: {  	s9 =	sadd.s32 $0xFFFFFEF7, lr;
	s5 =	simm.s32 $0xFFFFFFFF;
	p2 =	slt.u32 s8, $0xFFFFF086  }
0x1c: {  	p1 =	slt.u32 s9, $0xF7A;
	s5 =	simm.s32 @!p2 $0x0  }
0x1d: {  	s5 =	simm.s32 @p1 $0x1;
	p0 =	seq.s32 s7, s2  }
0x1e: {  	s7 =	smul.u32 @!p0 $0xF7A, s2;
	p2 =	seq.s32 @!p0 s5, $0x0  }
0x1f: {  	s9 =	smul.u32 $0xF7A, s1;
	s8 =	simm.s32 @!p0 $0x1BF5;
	p2 =	por !p2, p0  }
0x20: {  	[sflag:s8] =	ssyncset.s32 @!p0 $0xFFFFF086;
	s6 =	sadd.s32 @!p0 s3, s7;
	s7 =	simm.s32 @!p0 $0x108  }
0x21: {  	s3 =	sadd.s32 s3, s9;
	s6 =	sadd.s32 @!p0 $0x88, s6;
	s7 =	simm.s32 @p2 $0x1082  }
0x22: {  	[simem:s7], [sflag:s8] =	dma.local @!p0 [hbm:s6], $0xF7A  }
0x23: {  	s9 =	sor.u32 $0xD0000000, s2;
	s6 =	simm.s32 $0x108;
	_ =	swait.ge @!p0 [sflag:s8], $0x0  }
0x24: {  	s3 =	sadd.s32 $0x88, s3;
	s6 =	simm.s32 @!p1 $0x1082;
	[sflag:s4] =	ssyncset.s32 $0xFFFFF086  }
0x25: {  	[simem:s6], [sflag:s4] =	dma.local [hbm:s3], $0xF7A  }
0x26: {  	[smem:$0x3F94] =	sst s1;
	(tag) =	ssettag s2;
	_ =	strace s9  }
0x27: {  	s1 =	sld [smem:$0x3FA4]  }
0x28: {  	s2 =	sld [smem:$0x3FA5]  }
0x29: {  	s4 =	sld [smem:$0x3FA7]  }
0x2a: {  	p0 =	seq.s32 s5, $0x0;
	s5 =	sld [smem:$0x3FA8]  }
0x2b: {  	s6 =	sld [smem:$0x3FA9]  }
0x2c: {  	s7 =	sld [smem:$0x3FAA]  }
0x2d: {  	s3 =	simm.s32 $0x108;
	s8 =	sld [smem:$0x3FAB]  }
0x2e: {  	s3 =	simm.s32 @!p0 $0x1082;
	s9 =	sld [smem:$0x3FAC]  }
0x2f: {  	lr =	sadd.s32 s0, s3;
	s0 =	sld [smem:$0x3FA3]  }
0x30: {  	s3 =	sld [smem:$0x3FA6]  }
0x31: {  	[smem:$0x3FAF] =	sst s10  }
0x32: {  	s10 =	sld [smem:$0x3FAD];
	_ =	sdelay $0x3  }
0x33: {  	p0 =	seq.s32 s10, $0x1;
	s10 =	sld [smem:$0x3FAF];
	_ =	sdelay $0x3  }
0x34: {  	[smem:$0x3FAF] =	sst s10  }
0x35: {  	s10 =	sld [smem:$0x3FAE];
	_ =	sdelay $0x3  }
0x36: {  	p1 =	seq.s32 s10, $0x1;
	s10 =	sld [smem:$0x3FAF];
	_ =	sdelay $0x3  }
0x37: {  	[smem:$0x3FAF] =	sst s10  }
0x38: {  	s10 =	sld [smem:$0x3FB0]  }
0x39: {  	_ = 	snop;
	(pc) =	sbr.ind lr, $3  }
0x3a: {  	_ = 	snop  }
0x3b: {  	_ = 	snop  }
0x3c: {  	p2 =	seq.s32 s10, $0x1;
	s10 =	sld [smem:$0x3FAF]  }
0x3d: {  	_ =	shalt  }
0x3e: {  	_ =	shalt  }
0x3f: {  	_ =	shalt  }
0x40: {  	_ =	shalt  }
0x41: {  	_ =	shalt  }
0x42: {  	_ =	shalt  }
0x43: {  	_ =	shalt  }
0x44: {  	_ =	shalt  }
0x45: {  	_ =	shalt  }
0x46: {  	_ =	shalt  }
0x47: {  	_ =	shalt  }
0x48: {  	_ =	shalt  }
0x49: {  	_ =	shalt  }
0x4a: {  	_ =	shalt  }
0x4b: {  	_ =	shalt  }
0x4c: {  	_ =	shalt  }
0x4d: {  	_ =	shalt  }
0x4e: {  	_ =	shalt  }
0x4f: {  	_ =	shalt  }
0x50: {  	_ =	shalt  }
0x51: {  	_ =	shalt  }
0x52: {  	_ =	shalt  }
0x53: {  	_ =	shalt  }
0x54: {  	_ =	shalt  }
0x55: {  	_ =	shalt  }
0x56: {  	_ =	shalt  }
0x57: {  	_ =	shalt  }
0x58: {  	_ =	shalt  }
0x59: {  	_ =	shalt  }
0x5a: {  	_ =	shalt  }
0x5b: {  	_ =	shalt  }
0x5c: {  	_ =	shalt  }
0x5d: {  	_ =	shalt  }
0x5e: {  	_ =	shalt  }
0x5f: {  	_ =	shalt  }
0x60: {  	_ =	shalt  }
0x61: {  	_ =	shalt  }
0x62: {  	_ =	shalt  }
0x63: {  	_ =	shalt  }
0x64: {  	_ =	shalt  }
0x65: {  	_ =	shalt  }
0x66: {  	_ =	shalt  }
0x67: {  	_ =	shalt  }
0x68: {  	_ =	shalt  }
0x69: {  	_ =	shalt  }
0x6a: {  	_ =	shalt  }
0x6b: {  	_ =	shalt  }
0x6c: {  	_ =	shalt  }
0x6d: {  	_ =	shalt  }
0x6e: {  	_ =	shalt  }
0x6f: {  	_ =	shalt  }
0x70: {  	_ =	shalt  }
0x71: {  	_ =	shalt  }
0x72: {  	_ =	shalt  }
0x73: {  	_ =	shalt  }
0x74: {  	_ =	shalt  }
0x75: {  	_ =	shalt  }
0x76: {  	_ =	shalt  }
0x77: {  	_ =	shalt  }
0x78: {  	_ =	shalt  }
0x79: {  	_ =	shalt  }
0x7a: {  	_ =	shalt  }
0x7b: {  	_ =	shalt  }
0x7c: {  	_ =	shalt  }
0x7d: {  	_ =	shalt  }
0x7e: {  	_ =	shalt  }
0x7f: {  	_ =	shalt  }
0x80: {  	_ =	shalt  }
0x81: {  	_ =	shalt  }
0x82: {  	_ =	shalt  }
0x83: {  	_ =	shalt  }
0x84: {  	_ =	shalt  }
0x85: {  	_ =	shalt  }
0x86: {  	_ =	shalt  }
0x87: {  	_ =	shalt  }
.Lfunc_end0:
.L_simem_size_0:
called_computation_lowered:
.L_overlay_start_0:
0x88: {  	s2 =	sld [smem:$0x3FD9]  }
0x89: {  	s3 =	sld [smem:$0x3FFE];
	_ =	sdelay $0x1  }
0x8a: {  	s1 =	srdreg.scid  }
0x8b: {  	s0 =	sand.u32 $0x1, s1  }
0x8c: {  	s14 =	sshll.u32 s0, $0xA;
	s2 =	sadd.s32 s3, s2  }
0x8d: {  	s2 =	sadd.s32 s2, s14  }
0x8e: {  	[smem:$0x3FBB] =	sst s2  }
0x8f: {  	_ = 	snop  }
0x90: {  	s2 =	sld [smem:$0x3FD0];
	_ =	sdelay $0x2  }
0x91: {  	s15 =	simm.s32 $0xA;
	s4 =	simm.s32 $0x10  }
0x92: {  	[smem:s4], [sflag:s15] =	dma.local [hbm:s2], $0x1  }
0x93: {  	_ =	swait.eq [sflag:s15], $0x1  }
0x94: {  	[sflag:s15] =	ssyncset.done $0x0  }
0x95: {  	s16 =	sld [smem:$0x10];
	[sflag:s15] =	ssyncadd.s32 $0xFFFFFFFF  }
0x96: {  	s17 =	sld [smem:$0x11];
	(tm) =	ssettm $0x1  }
0x97: {  	s18 =	sld [smem:$0x3FFB];
	_ =	sdelay $0x3  }
0x98: {  	_ =	strace s18  }
0x99: {  	s4 =	sld [smem:$0x3FFC];
	_ =	sdelay $0x3  }
0x9a: {  	_ =	strace s4  }
0x9b: {  	s4 =	sld [smem:$0x3FFD];
	_ =	sdelay $0x3  }
0x9c: {  	_ =	strace s4  }
0x9d: {  	_ =	strace $0x8FFFFFFF  }
0x9e: {  	s19 =	sld [smem:$0x3FDB];
	_ =	sdelay $0x1  }
0x9f: {  	s5 =	simm.s32 $_scs_section_size  }
0xa0: {  	s6 =	simm.s32 $_size__tile_overlayer_lowered;
	s7 =	simm.s32 $_tile_overlayer_lowered  }
0xa1: {  	s22 =	simm.s32 $0x1BFF;
	s21 =	sshll.u32 s7, $0x1;
	s4 =	sadd.s32 s5, s19  }
0xa2: {  	s8 =	simm.s32 $0x0;
	s20 =	sshll.u32 s6, $0x1;
	s6 =	sadd.s32 s21, s4  }
0xa3: {  	[timem:s8], [sflag:s22] =	dma.local [hbm:s6], s20  }
0xa4: {  	_ =	swait.ge [sflag:s22], s20  }
0xa5: {  	s5 =	ssub.s32 $0x0, s20;
	[sflag:s22] =	ssyncset.done $0x0  }
0xa6: {  	[sflag:s22] =	ssyncadd.s32 s5;
	_ =	sdelay $0x1  }
0xa7: {  	s23 =	simm.s32 $0x1B8B  }
0xa8: {  	_ =	swait.ge [sflag:s23], $0x1  }
0xa9: {  	[sflag:s23] =	ssyncset.done $0x0  }
0xaa: {  	s25 =	simm.s32 $0x1B8E;
	s24 =	sld [smem:$0x3FFE];
	[sflag:s23] =	ssyncadd.s32 $0xFFFFFFFF  }
0xab: {  	s26 =	simm.s32 $execute0_lowered;
	[smem:$0x3FD2] =	sst s25  }
0xac: {  	s6 =	sshll.u32 s26, $0x1;
	_ =	strace $0x80000046;
	[dreg:$0x1] =	wrdreg $0xFFFFFFFF  }
0xad: {  	s28 =	simm.s32 $_size_execute0_lowered;
	s4 =	sadd.s32 s4, s6;
	[dreg:$0x0] =	wrdreg $0x0  }
0xae: {  	s6 =	sshll.u32 s28, $0x1;
	[dreg:$0x2] =	wrdreg s4  }
0xaf: {  	[dreg:$0x3] =	wrdreg s6  }
0xb0: {  	[dreg:$0x4] =	wrdreg $0xC0  }
0xb1: {  	_ =	task [dreg:s8], $0x5FFFF  }
0xb2: {  	[dreg:$0x1] =	wrdreg $0xFFFFFFFF  }
0xb3: {  	[dreg:$0x0] =	wrdreg $0x60  }
0xb4: {  	[dreg:$0x2] =	wrdreg s24  }
0xb5: {  	[dreg:$0x3] =	wrdreg s17  }
0xb6: {  	[dreg:$0x4] =	wrdreg s16  }
0xb7: {  	[dreg:$0x5] =	wrdreg $0x15B200  }
0xb8: {  	[dreg:$0x6] =	wrdreg $0x9  }
0xb9: {  	_ =	task.clear_ibuf [dreg:s8], $0x7FFFF;
	_ =	strace $0x90000046  }
0xba: {  	s29 =	simm.s32 $0x9;
	_ =	strace $0x80000048  }
0xbb: {  	_ =	swait.ge [sflag:s29], $0x1  }
0xbc: {  	[sflag:s29] =	ssyncadd.s32 $0xFFFFFFFF  }
0xbd: {  	_ =	strace $0x90000048  }
0xbe: {  	_ =	sfence  }
0xbf: {  	s30 =	sld [smem:$0x0];
	_ =	sdelay $0x2  }
0xc0: {  	s31 =	sshll.u32 s1, $0xD;
	s1 =	sshrl.u32 s1, $0x2  }
0xc1: {  	s3 =	sand.u32 $0x4000, s31;
	s1 =	sadd.s32 s1, s30  }
0xc2: {  	s0 =	sor.u32 s3, s0;
	s1 =	sshll.u32 s1, $0x11  }
0xc3: {  	s0 =	sor.u32 s1, s0  }
0xc4: {  	s0 =	sadd.s32 $0x8F2B, s0  }
0xc5: {  	[sflag:s0] =	ssyncadd.remote.s32 $0x1  }
0xc6: {  	_ =	sfence.sel $0xFFFF  }
0xc7: {  	[dreg:$0x0] =	wrdreg $0xFFFFFFFF;
	(pc) =	sbr.abs _section_cstart, $3  }
0xc8: {  	[dreg:$0x1] =	wrdreg $0xFFFFFFFF  }
0xc9: {  	_ =	task.clear_ibuf [dreg:s8], $0x2FFFF;
	_ =	strace $0x9FFFFFFF  }
0xca: {  	(tm) =	ssettm $0x7FFFFFFF  }
0xcb: {  	_ =	shalt  }
tec
execute0_lowered:
.L_overlay_start_1:
0x0: {  	(tag) =	ssettag $0x1  }
0x1: {  	s0 =	rddreg [dreg:$0x0]  }
0x2: {  	s1 =	rddreg [dreg:$0x1]  }
0x3: {  	s4 =	rddreg [dreg:$0x2];
	s24 =	stileid.u32  }
0x4: {  	s3 =	srdreg.scid;
	s7 =	smul.u32 $0x5, s24  }
0x5: {  	s2 =	rddreg [dreg:$0x3];
	s8 =	smul.u32 $0xA000, s24  }
0x6: {  	s29 =	simm.s32 $0x5;
	s31 =	simm.s32 $0xA000;
	s12 =	smul.u32 $0x9E00, s24  }
0x7: {  	s30 =	simm.s32 $0x4;
	s5 =	sand.u32 $0x1, s3;
	s28 =	smul.u32 $0x280, s24  }
0x8: {  	s3 =	simm.s32 $0x0;
	s9 =	sadd.s32 $0xC000, s0;
	s6 =	smul.u32 $0x9E000, s5  }
0x9: {  	p0 =	sgt.u32 s24, $0x1;
	p1 =	seq.s32 s24, $0xF;
	s10 =	smul.u32 $0xA0000, s5  }
0xa: {  	[smem:$0x7FF] =	sst s3;
	s13 =	ssub.s32 $0x2, s5;
	s5 =	smul.u32 $0x14000, s5  }
0xb: {  	s11 =	sadd.s32 $0x1, s7;
	s14 =	sshrl.u32 s13, $0x1;
	s20 =	sadd.s32 $0x3, s7  }
0xc: {  	s15 =	sshll.u32 s11, $0xD;
	s16 =	sadd.s32 s8, s10;
	s13 =	ssub.s32 s13, s14  }
0xd: {  	s6 =	sadd.s32 s12, s6;
	s17 =	sadd.s32 s10, s15;
	s21 =	sshrl.u32 s16, $0x3  }
0xe: {  	s6 =	sshrl.u32 s6, $0x3;
	s22 =	sshrl.u32 s17, $0x3;
	s14 =	sadd.s32 s9, s21  }
0xf: {  	s17 =	sadd.s32 $0x2, s7;
	s7 =	sadd.s32 $0x4, s7;
	s21 =	sshll.u32 s20, $0xD  }
0x10: {  	s6 =	sadd.s32 s6, s0;
	s20 =	sshll.u32 s20, $0x7;
	[dreg:$0x5] =	wrdreg s14  }
0x11: {  	s23 =	sadd.s32 s9, s22;
	s19 =	sshll.u32 s17, $0xD;
	s26 =	sadd.s32 s10, s21  }
0x12: {  	s22 =	smul.u32 $0xA00, s24;
	[dreg:$0x6] =	wrdreg s23;
	s25 =	sadd.s32 s10, s19  }
0x13: {  	s23 =	sshll.u32 s7, $0xD;
	s16 =	sshrl.u32 s26, $0x3;
	s19 =	sadd.s32 s19, s2  }
0x14: {  	s14 =	sshrl.u32 s25, $0x3;
	s10 =	sadd.s32 s10, s23;
	s18 =	sadd.s32 s9, s16  }
0x15: {  	s25 =	smul.u32 $0x5000, s24;
	s0 =	sadd.s32 s22, s0;
	s1 =	sadd.s32 s1, s22  }
0x16: {  	s10 =	sshrl.u32 s10, $0x3;
	s14 =	sadd.s32 s9, s14;
	[dreg:$0x8] =	wrdreg s18  }
0x17: {  	s26 =	sadd.s32 s4, s22;
	[dreg:$0x7] =	wrdreg s14;
	s10 =	sadd.s32 s9, s10  }
0x18: {  	s16 =	sadd.s32 s8, s2;
	s23 =	sadd.s32 s23, s2;
	[dreg:$0x9] =	wrdreg s10  }
0x19: {  	s0 =	sadd.s32 $0x2000, s0;
	_ =	strace $0x80000047;
	[dreg:$0xa] =	wrdreg s1  }
0x1a: {  	s18 =	sadd.s32 s15, s2;
	s4 =	sshrl.u32 s25, $0x2;
	[dreg:$0xb] =	wrdreg s26  }
0x1b: {  	s15 =	simm.s32 $0x11800;
	s14 =	sadd.s32 s4, s2;
	[dreg:$0xc] =	wrdreg s0  }
0x1c: {  	s9 =	sadd.s32 s9, s5;
	s25 =	sadd.s32 $0x34000, s6;
	[dreg:$0xd] =	wrdreg s14  }
0x1d: {  	s5 =	simm.s32 $0x1;
	s6 =	simm.s32 $0x2;
	[dreg:$0xe] =	wrdreg s16  }
0x1e: {  	s10 =	sshrl.u32 s22, $0x2;
	s22 =	sadd.s32 s21, s2;
	[dreg:$0xf] =	wrdreg s18  }
0x1f: {  	s4 =	simm.s32 $0x13A80;
	s14 =	sadd.s32 s10, s2;
	[dreg:$0x10] =	wrdreg s19  }
.Ltmp0:
0x20: {  	v0 =	vlaneseq.u32;
	v11 =	vimm.s32 $0x0;
	s16 =	sshll.u32 s11, $0x7;
	[dreg:$0x11] =	wrdreg s22;
	(pc) =	sbr.rel .LBB2_1-.Ltmp0, $4  }
0x21: {  	vm0 =	vcmask $0x300;
	v10 =	vimm.f32 $0.0e+00;
	v1 =	vor.u32 $0x10, v0;
	s18 =	sshll.u32 s17, $0x7;
	s22 =	sshll.u32 s7, $0x7;
	[dreg:$0x12] =	wrdreg s23  }
0x22: {  	v2 =	vor.u32 $0x20, v0;
	v3 =	vor.u32 $0x30, v0;
	v4 =	vor.u32 $0x40, v0;
	[dreg:$0x13] =	wrdreg s25;
	s26 =	sadd.s32 s12, s2;
	s25 =	smax.u32 s13, $0x1  }
0x23: {  	v5 =	vor.u32 $0x50, v0;
	v6 =	vor.u32 $0x60, v0;
	v7 =	vor.u32 $0x70, v0;
	s0 =	simm.s32 $0xF000;
	s23 =	simm.s32 $0x11A80;
	s1 =	simm.s32 $0x80  }
0x24: {  	v8 =	vor.u32 $0x80, v0;
	v9 =	vor.u32 $0x90, v0;
	v11 =	vsel vm0, $0x3, v11;
	s7 =	simm.s32 $0x3;
	s10 =	simm.s32 $0x0;
	s26 =	sshrl.u32 s26, $0x3  }
.LBB2_30:
0x25: {  	_ =	swait.ge [sflag:s30], $0x2000  }
0x26: {  	[sflag:s30] =	ssyncset.done $0x0  }
0x27: {  	s8 =	stileid.u32;
	s10 =	sadd.s32 $0x1, s10;
	[sflag:s30] =	ssyncadd.s32 $0xFFFFE000  }
0x28: {  	s8 =	sshll.u32 s8, $0x6;
	p2 =	sne.s32 s10, s25;
	[bflag:$0x0] =	sbarrier.arrive $0xFFFF  }
.Ltmp1:
0x29: {  	s8 =	sor.u32 $0x1C05, s8;
	s11 =	rddreg [dreg:$0x13];
	(pc) =	sbr.rel @!p2 .LBB2_31-.Ltmp1, $4  }
0x2a: {  	[hbm:s11], [sflag:s8] =	dma.local [spmem:s26], $0x13C0  }
0x2b: {  	_ =	swait.ge [sflag:s29], $0x13C0  }
0x2c: {  	[sflag:s29] =	ssyncset.done $0x0  }
0x2d: {  	s15 =	simm.s32 $0x11800;
	[sflag:s29] =	ssyncadd.s32 $0xFFFFEC40  }
.LBB2_1:
0x2e: {  	s8 =	rddreg [dreg:$0xa]  }
0x2f: {  	[tilespmem:s3], [sflag:$0x5] =	stream.linear.gather [hbm4b:s8+s3], $0x5000, $0x38;
	[tilespmem:$0x1F920] =	vst v63  }
0x30: {  	_ =	swait.ge [sflag:s29], $0x5000  }
0x31: {  	[sflag:s29] =	ssyncset.done $0x0  }
0x32: {  	s11 =	simm.s32 $0x5000;
	s21 =	rddreg [dreg:$0xb];
	[sflag:s29] =	ssyncadd.s32 $0xFFFFB000  }
0x33: {  	[tilespmem:s11], [sflag:$0x5] =	stream.linear.gather [hbm4b:s21+s3], $0x5000, $0x38;
	[tilespmem:$0x1F920] =	vst v63  }
0x34: {  	_ =	swait.ge [sflag:s29], $0x5000  }
0x35: {  	[sflag:s29] =	ssyncset.done $0x0  }
0x36: {  	s24 =	rddreg [dreg:$0xc];
	[sflag:s29] =	ssyncadd.s32 $0xFFFFB000  }
0x37: {  	[tilespmem:s31], [sflag:$0x5] =	stream.linear.gather [hbm4b:s24+s3], $0x5000, $0x38;
	[tilespmem:$0x1F920] =	vst v63  }
0x38: {  	_ =	swait.ge [sflag:s29], $0x5000  }
0x39: {  	[sflag:s29] =	ssyncset.done $0x0  }
0x3a: {  	[sflag:s29] =	ssyncadd.s32 $0xFFFFB000  }
0x3b: {  	[tilespmem:$0x15A80] =	vst v0  }
0x3c: {  	[tilespmem:$0x15A90] =	vst v1  }
0x3d: {  	[tilespmem:$0x15AA0] =	vst v2  }
0x3e: {  	[tilespmem:$0x15AB0] =	vst v3  }
0x3f: {  	[tilespmem:$0x15AC0] =	vst v4  }
0x40: {  	[tilespmem:$0x15AD0] =	vst v5  }
0x41: {  	[tilespmem:$0x15AE0] =	vst v6  }
0x42: {  	[tilespmem:$0x15AF0] =	vst v7  }
0x43: {  	[tilespmem:$0x15B00] =	vst v8  }
0x44: {  	s8 =	simm.s32 $0x0;
	[tilespmem:$0x15B10] =	vst v9  }
.LBB2_2:
0x45: {  	p2 =	sne.s32 s8, $0x7F00  }
.Ltmp2:
0x46: {  	s11 =	sshra.s32 s8, $0x2;
	(pc) =	sbr.rel @p2 .LBB2_2-.Ltmp2, $4  }
0x47: {  	[tilespmem:s11+$0x11A80] =	vst v10  }
0x48: {  	[tilespmem:s11+$0x11A90] =	vst v10  }
0x49: {  	[tilespmem:s11+$0x11AA0] =	vst v10  }
0x4a: {  	s8 =	sadd.s32 $0x100, s8;
	[tilespmem:s11+$0x11AB0] =	vst v10  }
0x4b: {  	s11 =	simm.s32 $0x100;
	s8 =	simm.s32 $0x0  }
.LBB2_4:
0x4c: {  	p2 =	sne.s32 s11, $0x9F00;
	[tilespmem:s8+$0xF030] =	vst v10;
	s12 =	smov.u32 s11;
	s11 =	sadd.s32 $0x100, s11  }
.Ltmp3:
0x4d: {  	[tilespmem:s8+$0xF020] =	vst v10;
	(pc) =	sbr.rel @p2 .LBB2_4-.Ltmp3, $3  }
0x4e: {  	[tilespmem:s8+$0xF000] =	vst v10  }
0x4f: {  	[tilespmem:s8+$0xF010] =	vst v10;
	_ =	sdelay $0x1  }
0x50: {  	s8 =	sshra.s32 s12, $0x2  }
0x51: {  	[tilespmem:s8+$0xF030] =	vst v10  }
0x52: {  	[tilespmem:s8+$0xF020] =	vst v10  }
0x53: {  	[tilespmem:s8+$0xF000] =	vst v10  }
0x54: {  	[tilespmem:s8+$0xF010] =	vst v10;
	s8 =	simm.s32 @!p0 $0x11A80;
	s11 =	rddreg [dreg:$0xd]  }
0x55: {  	[spmem:s11] =	stream.linear.scatter @!p0 [tilespmem:s8], [sflag:$0x5], $0x1400, $0x38;
	[tilespmem:$0x1F920] =	vst v63  }
0x56: {  	s8 =	simm.s32 @!p0 $0x5  }
0x57: {  	_ =	swait.ge @!p0 [sflag:s8], $0x1400  }
0x58: {  	[sflag:s8] =	ssyncset.done @!p0 $0x0  }
0x59: {  	[sflag:s8] =	ssyncadd.s32 @!p0 $0xFFFFEC00  }
0x5a: {  	s8 =	simm.s32 $0x0;
	[bflag:$0x0] =	sbarrier.arrive $0xFFFF  }
.LBB2_6:
0x5b: {  	s11 =	sshra.s32 s8, $0x2  }
0x5c: {  	v12 =	vld [tilespmem:s11+$0x5000];
	_ =	sdelay $0x2  }
0x5d: {  	v13 =	vld [tilespmem:s11+$0xA000];
	_ =	sdelay $0x4  }
0x5e: {  	[tilespmem:v12+s0+$0x0] =	vst.idx.add.f32.msk $0xffff, v13  }
0x5f: {  	v12 =	vld [tilespmem:s11+$0x5010];
	_ =	sdelay $0x2  }
0x60: {  	v13 =	vld [tilespmem:s11+$0xA010];
	_ =	sdelay $0x4  }
0x61: {  	[tilespmem:v12+s0+$0x0] =	vst.idx.add.f32.msk $0xffff, v13  }
0x62: {  	v12 =	vld [tilespmem:s11+$0x5020];
	_ =	sdelay $0x2  }
0x63: {  	v13 =	vld [tilespmem:s11+$0xA020];
	_ =	sdelay $0x4  }
0x64: {  	[tilespmem:v12+s0+$0x0] =	vst.idx.add.f32.msk $0xffff, v13  }
0x65: {  	v12 =	vld [tilespmem:s11+$0x5030];
	_ =	sdelay $0x2  }
0x66: {  	v13 =	vld [tilespmem:s11+$0xA030];
	_ =	sdelay $0x4  }
0x67: {  	[tilespmem:v12+s0+$0x0] =	vst.idx.add.f32.msk $0xffff, v13  }
0x68: {  	v12 =	vld [tilespmem:s11+$0x5040];
	_ =	sdelay $0x2  }
0x69: {  	v13 =	vld [tilespmem:s11+$0xA040];
	_ =	sdelay $0x4  }
0x6a: {  	[tilespmem:v12+s0+$0x0] =	vst.idx.add.f32.msk $0xffff, v13  }
0x6b: {  	v12 =	vld [tilespmem:s11+$0x5050];
	_ =	sdelay $0x2  }
0x6c: {  	v13 =	vld [tilespmem:s11+$0xA050];
	_ =	sdelay $0x4  }
0x6d: {  	[tilespmem:v12+s0+$0x0] =	vst.idx.add.f32.msk $0xffff, v13  }
0x6e: {  	v12 =	vld [tilespmem:s11+$0x5060];
	_ =	sdelay $0x2  }
0x6f: {  	v13 =	vld [tilespmem:s11+$0xA060];
	_ =	sdelay $0x4  }
0x70: {  	[tilespmem:v12+s0+$0x0] =	vst.idx.add.f32.msk $0xffff, v13  }
0x71: {  	v12 =	vld [tilespmem:s11+$0x5070];
	_ =	sdelay $0x2  }
0x72: {  	p2 =	sne.s32 s8, $0x13E00;
	v13 =	vld [tilespmem:s11+$0xA070]  }
.Ltmp4:
0x73: {  	_ = 	snop;
	(pc) =	sbr.rel @p2 .LBB2_6-.Ltmp4, $2  }
0x74: {  	_ =	sdelay $0x2  }
0x75: {  	s8 =	sadd.s32 $0x200, s8;
	[tilespmem:v12+s0+$0x0] =	vst.idx.add.f32.msk $0xffff, v13  }
0x76: {  	s8 =	simm.s32 $0x50;
	s11 =	simm.s32 $0x15A80  }
0x77: {  	[spmem:s2] =	stream.indirect.scatter.add.f32 [tilespmem:s0], [sflag:$0x5], $0x40, s11, s8, $0xb8;
	[tilespmem:$0x1F920] =	vst v63  }
0x78: {  	_ =	swait.ge [sflag:s29], $0x1400  }
0x79: {  	[sflag:s29] =	ssyncset.done $0x0  }
0x7a: {  	s24 =	simm.s32 $0x15AD0;
	s12 =	simm.s32 $0x10400;
	[sflag:s29] =	ssyncadd.s32 $0xFFFFEC00  }
0x7b: {  	[spmem:s2] =	stream.indirect.scatter.add.f32 [tilespmem:s12], [sflag:$0x5], $0x40, s24, s8, $0xb8;
	[tilespmem:$0x1F920] =	vst v63  }
0x7c: {  	_ =	swait.ge [sflag:s29], $0x1400  }
0x7d: {  	[sflag:s29] =	ssyncset.done $0x0  }
0x7e: {  	[sflag:s29] =	ssyncadd.s32 $0xFFFFEC00  }
0x7f: {  	[bflag:$0x0] =	sbarrier.arrive $0xFFFF  }
0x80: {  	[tilespmem:s15], [sflag:$0x5] =	stream.linear.gather [spmem:s14], $0x280, $0x38;
	[tilespmem:$0x1F920] =	vst v63  }
0x81: {  	_ =	swait.ge [sflag:s29], $0x280  }
0x82: {  	[sflag:s29] =	ssyncset.done $0x0  }
0x83: {  	s8 =	simm.s32 $0x0;
	[sflag:s29] =	ssyncadd.s32 $0xFFFFFD80  }
0x84: {  	v12 =	vld [tilespmem:s8+$0x11830];
	_ =	sdelay $0x4  }
0x85: {  	v12 =	vadd.f32 $1.000000000e+00, v12;
	_ =	sdelay $0x1  }
0x86: {  	v13 =	vshrl.u32 v12, $0x1;
	v12 =	vmul.f32 $5.000000000e-01, v12  }
0x87: {  	v13 =	vsub.s32 $0x5F3759DF, v13  }
0x88: {  	v14 =	vmul.f32 v13, v12;
	_ =	sdelay $0x1  }
0x89: {  	v14 =	vmul.f32 v13, v14;
	_ =	sdelay $0x1  }
0x8a: {  	v14 =	vsub.f32 $1.500000000e+00, v14;
	_ =	sdelay $0x1  }
0x8b: {  	v13 =	vmul.f32 v13, v14;
	_ =	sdelay $0x1  }
0x8c: {  	v14 =	vmul.f32 v13, v12;
	_ =	sdelay $0x1  }
0x8d: {  	v14 =	vmul.f32 v14, v13;
	_ =	sdelay $0x1  }
0x8e: {  	v14 =	vsub.f32 $1.500000000e+00, v14  }
0x8f: {  	v15 =	vld [tilespmem:s8+$0x11810]  }
0x90: {  	v13 =	vmul.f32 v14, v13;
	_ =	sdelay $0x1  }
0x91: {  	v14 =	vld [tilespmem:s8+$0x11820];
	v12 =	vmul.f32 v13, v12  }
0x92: {  	v17 =	vld [tilespmem:s8+$0x11800]  }
0x93: {  	v15 =	vadd.f32 $1.000000000e+00, v15;
	v12 =	vmul.f32 v12, v13;
	_ =	sdelay $0x1  }
0x94: {  	v19 =	vshrl.u32 v15, $0x1;
	v18 =	vsub.f32 $1.500000000e+00, v12  }
0x95: {  	v16 =	vadd.f32 $1.000000000e+00, v14;
	v14 =	vsub.s32 $0x5F3759DF, v19  }
0x96: {  	s11 =	simm.s32 $0x100;
	s12 =	simm.s32 $0x200;
	v12 =	vmul.f32 $5.000000000e-01, v15;
	v15 =	vadd.f32 $1.000000000e+00, v17;
	v13 =	vmul.f32 v18, v13  }
.LBB2_8:
0x97: {  	p2 =	sne.s32 s12, $0x900  }
0x98: {  	s13 =	sshra.s32 s11, $0x2;
	v17 =	vmul.f32 v14, v12;
	v18 =	vshrl.u32 v16, $0x1;
	v16 =	vmul.f32 $5.000000000e-01, v16;
	s11 =	smov.u32 s12;
	s12 =	sadd.s32 $0x100, s12  }
0x99: {  	v19 =	vshrl.u32 v15, $0x1;
	v15 =	vmul.f32 $5.000000000e-01, v15;
	v18 =	vsub.s32 $0x5F3759DF, v18;
	[tilespmem:s8+$0x11830] =	vst v13  }
0x9a: {  	v13 =	vld [tilespmem:s13+$0x11830];
	v19 =	vsub.s32 $0x5F3759DF, v19;
	v17 =	vmul.f32 v14, v17;
	v20 =	vmul.f32 v18, v16  }
0x9b: {  	v21 =	vmul.f32 v19, v15  }
0x9c: {  	v17 =	vsub.f32 $1.500000000e+00, v17;
	v20 =	vmul.f32 v18, v20  }
0x9d: {  	v21 =	vmul.f32 v19, v21  }
0x9e: {  	v14 =	vmul.f32 v14, v17;
	v17 =	vsub.f32 $1.500000000e+00, v20  }
0x9f: {  	v13 =	vadd.f32 $1.000000000e+00, v13;
	v20 =	vsub.f32 $1.500000000e+00, v21  }
0xa0: {  	v21 =	vmul.f32 v14, v12;
	v17 =	vmul.f32 v18, v17  }
0xa1: {  	v18 =	vshrl.u32 v13, $0x1;
	v13 =	vmul.f32 $5.000000000e-01, v13;
	v19 =	vmul.f32 v19, v20  }
0xa2: {  	v18 =	vsub.s32 $0x5F3759DF, v18;
	v20 =	vmul.f32 v21, v14;
	v21 =	vmul.f32 v17, v16  }
0xa3: {  	v22 =	vmul.f32 v18, v13;
	v23 =	vmul.f32 v19, v15  }
0xa4: {  	v20 =	vsub.f32 $1.500000000e+00, v20;
	v21 =	vmul.f32 v21, v17  }
0xa5: {  	v22 =	vmul.f32 v18, v22;
	v23 =	vmul.f32 v23, v19  }
0xa6: {  	v14 =	vmul.f32 v20, v14;
	v20 =	vsub.f32 $1.500000000e+00, v21  }
0xa7: {  	v21 =	vsub.f32 $1.500000000e+00, v22;
	v22 =	vsub.f32 $1.500000000e+00, v23  }
0xa8: {  	v12 =	vmul.f32 v14, v12;
	v17 =	vmul.f32 v20, v17  }
0xa9: {  	v18 =	vmul.f32 v18, v21;
	v19 =	vmul.f32 v22, v19  }
0xaa: {  	v12 =	vmul.f32 v12, v14;
	v16 =	vmul.f32 v17, v16  }
0xab: {  	v20 =	vmul.f32 v18, v13;
	v15 =	vmul.f32 v19, v15  }
0xac: {  	v12 =	vsub.f32 $1.500000000e+00, v12;
	v16 =	vmul.f32 v16, v17  }
0xad: {  	v20 =	vmul.f32 v20, v18;
	v15 =	vmul.f32 v15, v19  }
0xae: {  	v12 =	vmul.f32 v12, v14;
	v14 =	vsub.f32 $1.500000000e+00, v16  }
0xaf: {  	v16 =	vsub.f32 $1.500000000e+00, v20;
	v15 =	vsub.f32 $1.500000000e+00, v15  }
0xb0: {  	[tilespmem:s8+$0x11810] =	vst v12;
	v12 =	vmul.f32 v14, v17  }
0xb1: {  	v14 =	vld [tilespmem:s13+$0x11810];
	v17 =	vmul.f32 v16, v18;
	v15 =	vmul.f32 v15, v19  }
0xb2: {  	[tilespmem:s8+$0x11820] =	vst v12  }
0xb3: {  	v16 =	vld [tilespmem:s13+$0x11820];
	v12 =	vmul.f32 v17, v13;
	[tilespmem:s8+$0x11800] =	vst v15;
	s8 =	smov.u32 s13  }
0xb4: {  	v13 =	vld [tilespmem:s8+$0x11800]  }
.Ltmp5:
0xb5: {  	v12 =	vmul.f32 v12, v17;
	(pc) =	sbr.rel @p2 .LBB2_8-.Ltmp5, $4  }
0xb6: {  	v14 =	vadd.f32 $1.000000000e+00, v14  }
0xb7: {  	v18 =	vsub.f32 $1.500000000e+00, v12  }
0xb8: {  	v19 =	vshrl.u32 v14, $0x1;
	v12 =	vmul.f32 $5.000000000e-01, v14;
	v16 =	vadd.f32 $1.000000000e+00, v16  }
0xb9: {  	v15 =	vadd.f32 $1.000000000e+00, v13;
	v14 =	vsub.s32 $0x5F3759DF, v19;
	v13 =	vmul.f32 v18, v17  }
0xba: {  	v17 =	vmul.f32 v14, v12;
	v18 =	vshrl.u32 v16, $0x1;
	v32 =	vmul.f32 $5.000000000e-01, v16  }
0xbb: {  	v19 =	vshrl.u32 v15, $0x1;
	v15 =	vmul.f32 $5.000000000e-01, v15;
	v18 =	vsub.s32 $0x5F3759DF, v18  }
0xbc: {  	v19 =	vsub.s32 $0x5F3759DF, v19;
	v17 =	vmul.f32 v14, v17;
	v20 =	vmul.f32 v18, v32  }
0xbd: {  	v21 =	vmul.f32 v19, v15  }
0xbe: {  	v17 =	vsub.f32 $1.500000000e+00, v17;
	v20 =	vmul.f32 v18, v20  }
0xbf: {  	v21 =	vmul.f32 v19, v21  }
0xc0: {  	v14 =	vmul.f32 v14, v17;
	v33 =	vsub.f32 $1.500000000e+00, v20  }
0xc1: {  	v34 =	vsub.f32 $1.500000000e+00, v21  }
0xc2: {  	v35 =	vmul.f32 v14, v12;
	v17 =	vmul.f32 v18, v33  }
0xc3: {  	v36 =	vmul.f32 v19, v34  }
0xc4: {  	v37 =	vmul.f32 v35, v14;
	v38 =	vmul.f32 v17, v32  }
0xc5: {  	v39 =	vmul.f32 v36, v15  }
0xc6: {  	v19 =	vsub.f32 $1.500000000e+00, v37;
	v20 =	vmul.f32 v38, v17  }
0xc7: {  	v21 =	vmul.f32 v39, v36  }
0xc8: {  	v14 =	vmul.f32 v19, v14;
	v40 =	vsub.f32 $1.500000000e+00, v20  }
0xc9: {  	v41 =	vsub.f32 $1.500000000e+00, v21  }
0xca: {  	v12 =	vmul.f32 v14, v12;
	v17 =	vmul.f32 v40, v17  }
0xcb: {  	v18 =	vmul.f32 v41, v36  }
0xcc: {  	v12 =	vmul.f32 v12, v14;
	v16 =	vmul.f32 v17, v32  }
0xcd: {  	v15 =	vmul.f32 v18, v15  }
0xce: {  	v12 =	vsub.f32 $1.500000000e+00, v12;
	v16 =	vmul.f32 v16, v17  }
0xcf: {  	[tilespmem:s8+$0x11830] =	vst v13;
	v13 =	vmul.f32 v15, v18  }
0xd0: {  	s11 =	sshra.s32 s11, $0x2;
	v12 =	vmul.f32 v12, v14;
	v14 =	vsub.f32 $1.500000000e+00, v16  }
0xd1: {  	v15 =	vld [tilespmem:s11+$0x11830];
	v13 =	vsub.f32 $1.500000000e+00, v13  }
0xd2: {  	[tilespmem:s8+$0x11810] =	vst v12;
	v12 =	vmul.f32 v14, v17  }
0xd3: {  	v14 =	vld [tilespmem:s11+$0x11810];
	v13 =	vmul.f32 v13, v18  }
0xd4: {  	[tilespmem:s8+$0x11820] =	vst v12  }
0xd5: {  	v12 =	vld [tilespmem:s11+$0x11820];
	[tilespmem:s8+$0x11800] =	vst v13  }
0xd6: {  	v13 =	vadd.f32 $1.000000000e+00, v15;
	v15 =	vld [tilespmem:s11+$0x11800];
	_ =	sdelay $0x1  }
0xd7: {  	v42 =	vshrl.u32 v13, $0x1;
	v14 =	vadd.f32 $1.000000000e+00, v14  }
0xd8: {  	v13 =	vmul.f32 $5.000000000e-01, v13;
	v16 =	vsub.s32 $0x5F3759DF, v42  }
0xd9: {  	v43 =	vshrl.u32 v14, $0x1;
	v14 =	vmul.f32 $5.000000000e-01, v14;
	v12 =	vadd.f32 $1.000000000e+00, v12  }
0xda: {  	v44 =	vmul.f32 v16, v13;
	v15 =	vadd.f32 $1.000000000e+00, v15;
	v17 =	vsub.s32 $0x5F3759DF, v43  }
0xdb: {  	v45 =	vmul.f32 v17, v14;
	v46 =	vshrl.u32 v12, $0x1;
	v12 =	vmul.f32 $5.000000000e-01, v12  }
0xdc: {  	v47 =	vshrl.u32 v15, $0x1;
	v15 =	vmul.f32 $5.000000000e-01, v15;
	v20 =	vsub.s32 $0x5F3759DF, v46  }
0xdd: {  	v18 =	vmul.f32 v16, v44;
	v21 =	vsub.s32 $0x5F3759DF, v47;
	v22 =	vmul.f32 v20, v12  }
0xde: {  	v19 =	vmul.f32 v17, v45;
	v23 =	vmul.f32 v21, v15  }
0xdf: {  	v18 =	vsub.f32 $1.500000000e+00, v18;
	v22 =	vmul.f32 v20, v22  }
0xe0: {  	v19 =	vsub.f32 $1.500000000e+00, v19;
	v23 =	vmul.f32 v21, v23  }
0xe1: {  	v16 =	vmul.f32 v16, v18;
	v48 =	vsub.f32 $1.500000000e+00, v22  }
0xe2: {  	v17 =	vmul.f32 v17, v19;
	v49 =	vsub.f32 $1.500000000e+00, v23  }
0xe3: {  	v50 =	vmul.f32 v16, v13;
	v18 =	vmul.f32 v20, v48  }
0xe4: {  	v51 =	vmul.f32 v17, v14;
	v19 =	vmul.f32 v21, v49  }
0xe5: {  	v52 =	vmul.f32 v50, v16;
	v53 =	vmul.f32 v18, v12  }
0xe6: {  	v20 =	vmul.f32 v51, v17;
	v54 =	vmul.f32 v19, v15  }
0xe7: {  	v21 =	vsub.f32 $1.500000000e+00, v52;
	v22 =	vmul.f32 v53, v18  }
0xe8: {  	v20 =	vsub.f32 $1.500000000e+00, v20;
	v23 =	vmul.f32 v54, v19  }
0xe9: {  	v16 =	vmul.f32 v21, v16;
	v55 =	vsub.f32 $1.500000000e+00, v22  }
0xea: {  	v17 =	vmul.f32 v20, v17;
	v56 =	vsub.f32 $1.500000000e+00, v23  }
0xeb: {  	v13 =	vmul.f32 v16, v13;
	v18 =	vmul.f32 v55, v18  }
0xec: {  	v14 =	vmul.f32 v17, v14;
	v19 =	vmul.f32 v56, v19  }
0xed: {  	v13 =	vmul.f32 v13, v16;
	v12 =	vmul.f32 v18, v12  }
0xee: {  	v14 =	vmul.f32 v14, v17;
	v15 =	vmul.f32 v19, v15  }
0xef: {  	v13 =	vsub.f32 $1.500000000e+00, v13;
	v12 =	vmul.f32 v12, v18  }
0xf0: {  	v14 =	vsub.f32 $1.500000000e+00, v14;
	v15 =	vmul.f32 v15, v19  }
0xf1: {  	v13 =	vmul.f32 v13, v16;
	v12 =	vsub.f32 $1.500000000e+00, v12  }
0xf2: {  	v14 =	vmul.f32 v14, v17;
	v15 =	vsub.f32 $1.500000000e+00, v15  }
0xf3: {  	[tilespmem:s11+$0x11830] =	vst v13;
	v12 =	vmul.f32 v12, v18  }
0xf4: {  	[tilespmem:s11+$0x11810] =	vst v14;
	v13 =	vmul.f32 v15, v19  }
0xf5: {  	[tilespmem:s11+$0x11820] =	vst v12  }
0xf6: {  	[tilespmem:s11+$0x11800] =	vst v13  }
0xf7: {  	[spmem:s14] =	stream.linear.scatter [tilespmem:s15], [sflag:$0x5], $0x280, $0x38;
	[tilespmem:$0x1F920] =	vst v63  }
0xf8: {  	_ =	swait.ge [sflag:s29], $0x280  }
0xf9: {  	[sflag:s29] =	ssyncset.done $0x0  }
0xfa: {  	[sflag:s29] =	ssyncadd.s32 $0xFFFFFD80  }
0xfb: {  	[bflag:$0x0] =	sbarrier.arrive $0xFFFF  }
0xfc: {  	[tilespmem:s0], [sflag:$0x5] =	stream.linear.gather [spmem:s2], $0x2800, $0x38;
	[tilespmem:$0x1F920] =	vst v63  }
0xfd: {  	_ =	swait.ge [sflag:s29], $0x2800  }
0xfe: {  	[sflag:s29] =	ssyncset.done $0x0  }
0xff: {  	[sflag:s29] =	ssyncadd.s32 $0xFFFFD800  }
0x100: {  	s8 =	simm.s32 $0x0;
	[bflag:$0x0] =	sbarrier.arrive $0xFFFF  }
0x101: {  	v12 =	vld [tilespmem:s8+$0x0];
	_ =	sdelay $0x1  }
0x102: {  	v13 =	vld [tilespmem:s8+$0x5000];
	_ =	sdelay $0x4  }
0x103: {  	v14 =	vld [tilespmem:s8+$0xA000]  }
0x104: {  	v12 =	vld.idx.msk [tilespmem:v12+s0+$0x0], $0xffff  }
0x105: {  	v15 =	vld [tilespmem:s8+$0x10]  }
0x106: {  	v13 =	vld.idx.msk [tilespmem:v13+s0+$0x0], $0xffff  }
0x107: {  	v57 =	vld [tilespmem:s8+$0x5010];
	_ =	sdelay $0x1  }
0x108: {  	v12 =	vmul.f32 v12, v14;
	_ =	sdelay $0x1  }
0x109: {  	v12 =	vmul.f32 v13, v12;
	_ =	sdelay $0x1  }
0x10a: {  	v13 =	vld [tilespmem:s8+$0xA010];
	[tilespmem:s8+$0xA000] =	vst v12  }
0x10b: {  	v12 =	vld.idx.msk [tilespmem:v15+s0+$0x0], $0xffff  }
0x10c: {  	v14 =	vld.idx.msk [tilespmem:v57+s0+$0x0], $0xffff  }
0x10d: {  	v15 =	vld [tilespmem:s8+$0x20]  }
0x10e: {  	v58 =	vld [tilespmem:s8+$0x5020];
	_ =	sdelay $0x1  }
0x10f: {  	v12 =	vmul.f32 v12, v13;
	_ =	sdelay $0x1  }
0x110: {  	v12 =	vmul.f32 v14, v12;
	_ =	sdelay $0x1  }
0x111: {  	v13 =	vld [tilespmem:s8+$0xA020];
	[tilespmem:s8+$0xA010] =	vst v12  }
0x112: {  	v12 =	vld.idx.msk [tilespmem:v15+s0+$0x0], $0xffff  }
0x113: {  	v14 =	vld.idx.msk [tilespmem:v58+s0+$0x0], $0xffff  }
0x114: {  	v15 =	vld [tilespmem:s8+$0x30]  }
0x115: {  	v59 =	vld [tilespmem:s8+$0x5030];
	_ =	sdelay $0x1  }
0x116: {  	v12 =	vmul.f32 v12, v13;
	_ =	sdelay $0x1  }
0x117: {  	v12 =	vmul.f32 v14, v12;
	_ =	sdelay $0x1  }
0x118: {  	v13 =	vld [tilespmem:s8+$0xA030];
	[tilespmem:s8+$0xA020] =	vst v12  }
0x119: {  	v12 =	vld.idx.msk [tilespmem:v15+s0+$0x0], $0xffff  }
0x11a: {  	v14 =	vld.idx.msk [tilespmem:v59+s0+$0x0], $0xffff  }
0x11b: {  	v15 =	vld [tilespmem:s8+$0x40]  }
0x11c: {  	v60 =	vld [tilespmem:s8+$0x5040];
	_ =	sdelay $0x1  }
0x11d: {  	v12 =	vmul.f32 v12, v13;
	_ =	sdelay $0x1  }
0x11e: {  	v12 =	vmul.f32 v14, v12;
	_ =	sdelay $0x1  }
0x11f: {  	v13 =	vld [tilespmem:s8+$0xA040];
	[tilespmem:s8+$0xA030] =	vst v12  }
0x120: {  	v12 =	vld.idx.msk [tilespmem:v15+s0+$0x0], $0xffff  }
0x121: {  	v14 =	vld.idx.msk [tilespmem:v60+s0+$0x0], $0xffff  }
0x122: {  	v15 =	vld [tilespmem:s8+$0x50]  }
0x123: {  	v61 =	vld [tilespmem:s8+$0x5050];
	_ =	sdelay $0x1  }
0x124: {  	v12 =	vmul.f32 v12, v13;
	_ =	sdelay $0x1  }
0x125: {  	v12 =	vmul.f32 v14, v12;
	_ =	sdelay $0x1  }
0x126: {  	[tilespmem:s8+$0xA040] =	vst v12;
	v12 =	vld [tilespmem:s8+$0xA050]  }
0x127: {  	v13 =	vld.idx.msk [tilespmem:v15+s0+$0x0], $0xffff  }
0x128: {  	v14 =	vld.idx.msk [tilespmem:v61+s0+$0x0], $0xffff  }
0x129: {  	v15 =	vld [tilespmem:s8+$0x60]  }
0x12a: {  	v62 =	vld [tilespmem:s8+$0x5060];
	_ =	sdelay $0x1  }
0x12b: {  	v12 =	vmul.f32 v13, v12;
	_ =	sdelay $0x1  }
0x12c: {  	v12 =	vmul.f32 v14, v12;
	_ =	sdelay $0x1  }
0x12d: {  	[tilespmem:s8+$0xA050] =	vst v12;
	v12 =	vld [tilespmem:s8+$0xA060]  }
0x12e: {  	v13 =	vld.idx.msk [tilespmem:v15+s0+$0x0], $0xffff  }
0x12f: {  	v14 =	vld.idx.msk [tilespmem:v62+s0+$0x0], $0xffff  }
0x130: {  	v15 =	vld [tilespmem:s8+$0x70];
	_ =	sdelay $0x2  }
0x131: {  	v12 =	vmul.f32 v13, v12  }
0x132: {  	v63 =	vld [tilespmem:s8+$0x5070]  }
0x133: {  	v12 =	vmul.f32 v14, v12;
	_ =	sdelay $0x1  }
0x134: {  	[tilespmem:s8+$0xA060] =	vst v12;
	v12 =	vld [tilespmem:s8+$0xA070]  }
0x135: {  	v13 =	vld.idx.msk [tilespmem:v15+s0+$0x0], $0xffff;
	_ =	sdelay $0x3  }
0x136: {  	s13 =	simm.s32 $0x80;
	v14 =	vld.idx.msk [tilespmem:v63+s0+$0x0], $0xffff  }
0x137: {  	v15 =	vmul.f32 v13, v12;
	v13 =	vld [tilespmem:s13+$0x0];
	_ =	sdelay $0x1  }
0x138: {  	v12 =	vld [tilespmem:s13+$0x5000];
	_ =	sdelay $0x2  }
0x139: {  	s11 =	simm.s32 $0x400;
	v14 =	vmul.f32 v14, v15  }
.LBB2_10:
0x13a: {  	_ = 	snop  }
0x13b: {  	p2 =	sne.s32 s11, $0x13E00;
	s12 =	smov.u32 s11;
	s11 =	sadd.s32 $0x200, s11;
	[tilespmem:s8+$0xA070] =	vst v14  }
0x13c: {  	s8 =	smov.u32 s13;
	v13 =	vld.idx.msk [tilespmem:v13+s0+$0x0], $0xffff  }
0x13d: {  	v14 =	vld [tilespmem:s8+$0xA000]  }
0x13e: {  	v12 =	vld.idx.msk [tilespmem:v12+s0+$0x0], $0xffff  }
0x13f: {  	v15 =	vld [tilespmem:s8+$0x10];
	_ =	sdelay $0x1  }
0x140: {  	v16 =	vld [tilespmem:s8+$0x5010]  }
0x141: {  	v13 =	vmul.f32 v13, v14;
	_ =	sdelay $0x1  }
0x142: {  	v12 =	vmul.f32 v12, v13;
	_ =	sdelay $0x1  }
0x143: {  	[tilespmem:s8+$0xA000] =	vst v12  }
0x144: {  	v12 =	vld.idx.msk [tilespmem:v15+s0+$0x0], $0xffff  }
0x145: {  	v13 =	vld [tilespmem:s8+$0xA010]  }
0x146: {  	v14 =	vld.idx.msk [tilespmem:v16+s0+$0x0], $0xffff  }
0x147: {  	v15 =	vld [tilespmem:s8+$0x20];
	_ =	sdelay $0x1  }
0x148: {  	v16 =	vld [tilespmem:s8+$0x5020]  }
0x149: {  	v12 =	vmul.f32 v12, v13;
	_ =	sdelay $0x1  }
0x14a: {  	v12 =	vmul.f32 v14, v12;
	_ =	sdelay $0x1  }
0x14b: {  	[tilespmem:s8+$0xA010] =	vst v12  }
0x14c: {  	v12 =	vld.idx.msk [tilespmem:v15+s0+$0x0], $0xffff  }
0x14d: {  	v13 =	vld [tilespmem:s8+$0xA020]  }
0x14e: {  	v14 =	vld.idx.msk [tilespmem:v16+s0+$0x0], $0xffff  }
0x14f: {  	v15 =	vld [tilespmem:s8+$0x30];
	_ =	sdelay $0x1  }
0x150: {  	v16 =	vld [tilespmem:s8+$0x5030]  }
0x151: {  	v12 =	vmul.f32 v12, v13;
	_ =	sdelay $0x1  }
0x152: {  	v12 =	vmul.f32 v14, v12;
	_ =	sdelay $0x1  }
0x153: {  	[tilespmem:s8+$0xA020] =	vst v12  }
0x154: {  	v12 =	vld.idx.msk [tilespmem:v15+s0+$0x0], $0xffff  }
0x155: {  	v13 =	vld [tilespmem:s8+$0xA030]  }
0x156: {  	v14 =	vld.idx.msk [tilespmem:v16+s0+$0x0], $0xffff  }
0x157: {  	v15 =	vld [tilespmem:s8+$0x40];
	_ =	sdelay $0x1  }
0x158: {  	v16 =	vld [tilespmem:s8+$0x5040]  }
0x159: {  	v12 =	vmul.f32 v12, v13;
	_ =	sdelay $0x1  }
0x15a: {  	v12 =	vmul.f32 v14, v12;
	_ =	sdelay $0x1  }
0x15b: {  	[tilespmem:s8+$0xA030] =	vst v12  }
0x15c: {  	v12 =	vld.idx.msk [tilespmem:v15+s0+$0x0], $0xffff  }
0x15d: {  	v13 =	vld [tilespmem:s8+$0xA040]  }
0x15e: {  	v14 =	vld.idx.msk [tilespmem:v16+s0+$0x0], $0xffff  }
0x15f: {  	v15 =	vld [tilespmem:s8+$0x50]  }
0x160: {  	v16 =	vld [tilespmem:s8+$0x5050];
	_ =	sdelay $0x1  }
0x161: {  	v12 =	vmul.f32 v12, v13;
	_ =	sdelay $0x1  }
0x162: {  	v12 =	vmul.f32 v14, v12;
	_ =	sdelay $0x1  }
0x163: {  	[tilespmem:s8+$0xA040] =	vst v12;
	v12 =	vld [tilespmem:s8+$0xA050]  }
0x164: {  	v13 =	vld.idx.msk [tilespmem:v15+s0+$0x0], $0xffff  }
0x165: {  	v14 =	vld.idx.msk [tilespmem:v16+s0+$0x0], $0xffff;
	_ =	sdelay $0x1  }
0x166: {  	v15 =	vld [tilespmem:s8+$0x60]  }
0x167: {  	v16 =	vld [tilespmem:s8+$0x5060];
	_ =	sdelay $0x1  }
0x168: {  	v12 =	vmul.f32 v13, v12;
	_ =	sdelay $0x1  }
0x169: {  	v12 =	vmul.f32 v14, v12;
	_ =	sdelay $0x1  }
0x16a: {  	[tilespmem:s8+$0xA050] =	vst v12;
	v12 =	vld [tilespmem:s8+$0xA060]  }
0x16b: {  	v13 =	vld.idx.msk [tilespmem:v15+s0+$0x0], $0xffff  }
0x16c: {  	v14 =	vld.idx.msk [tilespmem:v16+s0+$0x0], $0xffff;
	_ =	sdelay $0x1  }
0x16d: {  	v15 =	vld [tilespmem:s8+$0x70]  }
0x16e: {  	v16 =	vld [tilespmem:s8+$0x5070];
	_ =	sdelay $0x1  }
0x16f: {  	v12 =	vmul.f32 v13, v12;
	_ =	sdelay $0x1  }
0x170: {  	v12 =	vmul.f32 v14, v12;
	_ =	sdelay $0x1  }
0x171: {  	[tilespmem:s8+$0xA060] =	vst v12;
	v14 =	vld [tilespmem:s8+$0xA070]  }
0x172: {  	v15 =	vld.idx.msk [tilespmem:v15+s0+$0x0], $0xffff  }
0x173: {  	v16 =	vld.idx.msk [tilespmem:v16+s0+$0x0], $0xffff  }
0x174: {  	s13 =	sshra.s32 s12, $0x2  }
0x175: {  	v13 =	vld [tilespmem:s13+$0x0]  }
.Ltmp6:
0x176: {  	v12 =	vld [tilespmem:s13+$0x5000];
	(pc) =	sbr.rel @p2 .LBB2_10-.Ltmp6, $3  }
0x177: {  	_ = 	snop  }
0x178: {  	v14 =	vmul.f32 v15, v14;
	_ =	sdelay $0x1  }
0x179: {  	v14 =	vmul.f32 v16, v14  }
0x17a: {  	_ =	sdelay $0x2  }
0x17b: {  	[tilespmem:s8+$0xA070] =	vst v14  }
0x17c: {  	v13 =	vld.idx.msk [tilespmem:v13+s0+$0x0], $0xffff  }
0x17d: {  	v14 =	vld [tilespmem:s13+$0xA000]  }
0x17e: {  	v12 =	vld.idx.msk [tilespmem:v12+s0+$0x0], $0xffff  }
0x17f: {  	v15 =	vld [tilespmem:s13+$0x10]  }
0x180: {  	v16 =	vld [tilespmem:s13+$0x5010];
	_ =	sdelay $0x1  }
0x181: {  	v13 =	vmul.f32 v13, v14;
	_ =	sdelay $0x1  }
0x182: {  	v12 =	vmul.f32 v12, v13;
	_ =	sdelay $0x1  }
0x183: {  	v13 =	vld [tilespmem:s13+$0xA010];
	[tilespmem:s13+$0xA000] =	vst v12  }
0x184: {  	v12 =	vld.idx.msk [tilespmem:v15+s0+$0x0], $0xffff  }
0x185: {  	v14 =	vld.idx.msk [tilespmem:v16+s0+$0x0], $0xffff  }
0x186: {  	v15 =	vld [tilespmem:s13+$0x20]  }
0x187: {  	v16 =	vld [tilespmem:s13+$0x5020];
	_ =	sdelay $0x1  }
0x188: {  	v12 =	vmul.f32 v12, v13;
	_ =	sdelay $0x1  }
0x189: {  	v12 =	vmul.f32 v14, v12;
	_ =	sdelay $0x1  }
0x18a: {  	v13 =	vld [tilespmem:s13+$0xA020];
	[tilespmem:s13+$0xA010] =	vst v12  }
0x18b: {  	v12 =	vld.idx.msk [tilespmem:v15+s0+$0x0], $0xffff  }
0x18c: {  	v14 =	vld.idx.msk [tilespmem:v16+s0+$0x0], $0xffff  }
0x18d: {  	v15 =	vld [tilespmem:s13+$0x30]  }
0x18e: {  	v16 =	vld [tilespmem:s13+$0x5030];
	_ =	sdelay $0x1  }
0x18f: {  	v12 =	vmul.f32 v12, v13;
	_ =	sdelay $0x1  }
0x190: {  	v12 =	vmul.f32 v14, v12;
	_ =	sdelay $0x1  }
0x191: {  	v13 =	vld [tilespmem:s13+$0xA030];
	[tilespmem:s13+$0xA020] =	vst v12  }
0x192: {  	v12 =	vld.idx.msk [tilespmem:v15+s0+$0x0], $0xffff  }
0x193: {  	v14 =	vld.idx.msk [tilespmem:v16+s0+$0x0], $0xffff  }
0x194: {  	v15 =	vld [tilespmem:s13+$0x40]  }
0x195: {  	v16 =	vld [tilespmem:s13+$0x5040];
	_ =	sdelay $0x1  }
0x196: {  	v12 =	vmul.f32 v12, v13;
	_ =	sdelay $0x1  }
0x197: {  	v12 =	vmul.f32 v14, v12;
	_ =	sdelay $0x1  }
0x198: {  	v13 =	vld [tilespmem:s13+$0xA040];
	[tilespmem:s13+$0xA030] =	vst v12  }
0x199: {  	v12 =	vld.idx.msk [tilespmem:v15+s0+$0x0], $0xffff  }
0x19a: {  	v14 =	vld.idx.msk [tilespmem:v16+s0+$0x0], $0xffff  }
0x19b: {  	v15 =	vld [tilespmem:s13+$0x50]  }
0x19c: {  	v16 =	vld [tilespmem:s13+$0x5050];
	_ =	sdelay $0x1  }
0x19d: {  	v12 =	vmul.f32 v12, v13;
	_ =	sdelay $0x1  }
0x19e: {  	v12 =	vmul.f32 v14, v12;
	_ =	sdelay $0x1  }
0x19f: {  	[tilespmem:s13+$0xA040] =	vst v12;
	v12 =	vld [tilespmem:s13+$0xA050]  }
0x1a0: {  	v13 =	vld.idx.msk [tilespmem:v15+s0+$0x0], $0xffff  }
0x1a1: {  	v14 =	vld.idx.msk [tilespmem:v16+s0+$0x0], $0xffff  }
0x1a2: {  	v15 =	vld [tilespmem:s13+$0x60]  }
0x1a3: {  	v16 =	vld [tilespmem:s13+$0x5060];
	_ =	sdelay $0x1  }
0x1a4: {  	v12 =	vmul.f32 v13, v12;
	_ =	sdelay $0x1  }
0x1a5: {  	v12 =	vmul.f32 v14, v12;
	_ =	sdelay $0x1  }
0x1a6: {  	[tilespmem:s13+$0xA050] =	vst v12;
	v12 =	vld [tilespmem:s13+$0xA060]  }
0x1a7: {  	v13 =	vld.idx.msk [tilespmem:v15+s0+$0x0], $0xffff  }
0x1a8: {  	v14 =	vld.idx.msk [tilespmem:v16+s0+$0x0], $0xffff  }
0x1a9: {  	v15 =	vld [tilespmem:s13+$0x70];
	_ =	sdelay $0x1  }
0x1aa: {  	v16 =	vld [tilespmem:s13+$0x5070]  }
0x1ab: {  	v12 =	vmul.f32 v13, v12;
	_ =	sdelay $0x1  }
0x1ac: {  	v12 =	vmul.f32 v14, v12;
	_ =	sdelay $0x1  }
0x1ad: {  	[tilespmem:s13+$0xA060] =	vst v12;
	v12 =	vld [tilespmem:s13+$0xA070]  }
0x1ae: {  	v13 =	vld.idx.msk [tilespmem:v15+s0+$0x0], $0xffff;
	_ =	sdelay $0x1  }
0x1af: {  	v14 =	vld.idx.msk [tilespmem:v16+s0+$0x0], $0xffff;
	_ =	sdelay $0x2  }
0x1b0: {  	v12 =	vmul.f32 v13, v12;
	_ =	sdelay $0x1  }
0x1b1: {  	v12 =	vmul.f32 v14, v12  }
0x1b2: {  	s21 =	sadd.s32 $0x0, s28  }
0x1b3: {  	s11 =	simm.s32 $0x0;
	s24 =	rddreg [dreg:$0x5];
	[tilespmem:s13+$0xA070] =	vst v12;
	v12 =	vmov s21  }
0x1b4: {  	[tilespmem:s23], [sflag:$0x5] =	stream.linear.gather [hbm4b:s24+s11], $0x2000, $0x38;
	[tilespmem:$0x1F920] =	vst v63  }
0x1b5: {  	_ =	swait.ge [sflag:s29], $0x2000  }
0x1b6: {  	[sflag:s29] =	ssyncset.done $0x0  }
0x1b7: {  	[sflag:s29] =	ssyncadd.s32 $0xFFFFE000  }
0x1b8: {  	v12 =	vld.idx.msk [tilespmem:v12+s0+$0x0], $0xffff  }
0x1b9: {  	s8 =	simm.s32 $0x11AA0  }
0x1ba: {  	v15 =	vld [tilespmem:s8+$0xFFFFFFF0]  }
0x1bb: {  	v16 =	vld [tilespmem:s8+$0xFFFFFFE0]  }
0x1bc: {  	v14 =	vld [tilespmem:s8+$0x0]  }
0x1bd: {  	v13 =	vmul.f32 v12, v12;
	v12 =	vld [tilespmem:s8+$0x10];
	_ =	sdelay $0x3  }
0x1be: {  	s12 =	sadd.s32 $0x1, s28;
	s11 =	simm.s32 $0x2;
	v16 =	vmul.f32 v13, v16;
	v15 =	vmul.f32 v15, v13  }
.LBB2_12:
0x1bf: {  	p2 =	sne.s32 s11, $0x7F;
	v17 =	vmov s12;
	v14 =	vmul.f32 v14, v13;
	v12 =	vmul.f32 v12, v13  }
0x1c0: {  	[tilespmem:s8+$0xFFFFFFE0] =	vst v16  }
0x1c1: {  	[tilespmem:s8+$0xFFFFFFF0] =	vst v15  }
0x1c2: {  	[tilespmem:s8+$0x0] =	vst v14  }
0x1c3: {  	[tilespmem:s8+$0x10] =	vst v12  }
0x1c4: {  	s8 =	sadd.s32 $0x40, s8;
	v13 =	vld.idx.msk [tilespmem:v17+s0+$0x0], $0xffff  }
0x1c5: {  	v15 =	vld [tilespmem:s8+$0xFFFFFFF0]  }
0x1c6: {  	v12 =	vld [tilespmem:s8+$0x10]  }
0x1c7: {  	v16 =	vld [tilespmem:s8+$0xFFFFFFE0]  }
.Ltmp7:
0x1c8: {  	v14 =	vld [tilespmem:s8+$0x0];
	(pc) =	sbr.rel @p2 .LBB2_12-.Ltmp7, $3  }
0x1c9: {  	_ = 	snop  }
0x1ca: {  	v13 =	vmul.f32 v13, v13;
	_ =	sdelay $0x1  }
0x1cb: {  	s12 =	sadd.s32 s11, s28;
	s11 =	sadd.s32 $0x1, s11;
	v15 =	vmul.f32 v15, v13;
	v16 =	vmul.f32 v13, v16  }
0x1cc: {  	v17 =	vmov s12  }
0x1cd: {  	v14 =	vmul.f32 v14, v13;
	[tilespmem:s8+$0xFFFFFFE0] =	vst v16  }
0x1ce: {  	v12 =	vmul.f32 v12, v13;
	[tilespmem:s8+$0xFFFFFFF0] =	vst v15  }
0x1cf: {  	[tilespmem:s8+$0x0] =	vst v14  }
0x1d0: {  	[tilespmem:s8+$0x10] =	vst v12  }
0x1d1: {  	v12 =	vld.idx.msk [tilespmem:v17+s0+$0x0], $0xffff  }
0x1d2: {  	s17 =	sadd.s32 $0x40, s8  }
0x1d3: {  	v13 =	vld [tilespmem:s17+$0xFFFFFFE0]  }
0x1d4: {  	v14 =	vld [tilespmem:s17+$0xFFFFFFF0]  }
0x1d5: {  	v15 =	vld [tilespmem:s17+$0x0]  }
0x1d6: {  	v16 =	vld [tilespmem:s17+$0x10];
	v12 =	vmul.f32 v12, v12;
	_ =	sdelay $0x1  }
0x1d7: {  	v13 =	vmul.f32 v12, v13  }
0x1d8: {  	v14 =	vmul.f32 v14, v12  }
0x1d9: {  	v15 =	vmul.f32 v15, v12;
	[tilespmem:s17+$0xFFFFFFE0] =	vst v13  }
0x1da: {  	v12 =	vmul.f32 v16, v12;
	[tilespmem:s17+$0xFFFFFFF0] =	vst v14  }
0x1db: {  	[tilespmem:s17+$0x0] =	vst v15  }
0x1dc: {  	s19 =	rddreg [dreg:$0xe];
	[tilespmem:s17+$0x10] =	vst v12  }
0x1dd: {  	[spmem:s19] =	stream.linear.scatter [tilespmem:s23], [sflag:$0x5], $0x2000, $0x38;
	[tilespmem:$0x1F920] =	vst v63  }
0x1de: {  	_ =	swait.ge [sflag:s29], $0x2000  }
0x1df: {  	s21 =	sadd.s32 $0x0, s16;
	[sflag:s29] =	ssyncset.done $0x0  }
0x1e0: {  	s11 =	simm.s32 $0x0;
	v12 =	vmov s21;
	s24 =	rddreg [dreg:$0x6];
	[sflag:s29] =	ssyncadd.s32 $0xFFFFE000  }
0x1e1: {  	[tilespmem:s23], [sflag:$0x5] =	stream.linear.gather [hbm4b:s24+s11], $0x2000, $0x38;
	[tilespmem:$0x1F920] =	vst v63  }
0x1e2: {  	_ =	swait.ge [sflag:s29], $0x2000  }
0x1e3: {  	[sflag:s29] =	ssyncset.done $0x0  }
0x1e4: {  	[sflag:s29] =	ssyncadd.s32 $0xFFFFE000  }
0x1e5: {  	v12 =	vld.idx.msk [tilespmem:v12+s0+$0x0], $0xffff  }
0x1e6: {  	s8 =	simm.s32 $0x11AA0  }
0x1e7: {  	v15 =	vld [tilespmem:s8+$0xFFFFFFF0]  }
0x1e8: {  	v16 =	vld [tilespmem:s8+$0xFFFFFFE0]  }
0x1e9: {  	v14 =	vld [tilespmem:s8+$0x0]  }
0x1ea: {  	v13 =	vmul.f32 v12, v12;
	v12 =	vld [tilespmem:s8+$0x10];
	_ =	sdelay $0x3  }
0x1eb: {  	s12 =	sadd.s32 $0x1, s16;
	s11 =	simm.s32 $0x2;
	v16 =	vmul.f32 v13, v16;
	v15 =	vmul.f32 v15, v13  }
.LBB2_14:
0x1ec: {  	p2 =	sne.s32 s11, $0x7F;
	v17 =	vmov s12;
	v14 =	vmul.f32 v14, v13;
	v12 =	vmul.f32 v12, v13  }
0x1ed: {  	[tilespmem:s8+$0xFFFFFFE0] =	vst v16  }
0x1ee: {  	[tilespmem:s8+$0xFFFFFFF0] =	vst v15  }
0x1ef: {  	[tilespmem:s8+$0x0] =	vst v14  }
0x1f0: {  	[tilespmem:s8+$0x10] =	vst v12  }
0x1f1: {  	s8 =	sadd.s32 $0x40, s8;
	v13 =	vld.idx.msk [tilespmem:v17+s0+$0x0], $0xffff  }
0x1f2: {  	v15 =	vld [tilespmem:s8+$0xFFFFFFF0]  }
0x1f3: {  	v12 =	vld [tilespmem:s8+$0x10]  }
0x1f4: {  	v16 =	vld [tilespmem:s8+$0xFFFFFFE0]  }
.Ltmp8:
0x1f5: {  	v14 =	vld [tilespmem:s8+$0x0];
	(pc) =	sbr.rel @p2 .LBB2_14-.Ltmp8, $3  }
0x1f6: {  	_ = 	snop  }
0x1f7: {  	v13 =	vmul.f32 v13, v13;
	_ =	sdelay $0x1  }
0x1f8: {  	s12 =	sadd.s32 s11, s16;
	s11 =	sadd.s32 $0x1, s11;
	v15 =	vmul.f32 v15, v13;
	v16 =	vmul.f32 v13, v16  }
0x1f9: {  	v17 =	vmov s12  }
0x1fa: {  	v14 =	vmul.f32 v14, v13;
	[tilespmem:s8+$0xFFFFFFE0] =	vst v16  }
0x1fb: {  	v12 =	vmul.f32 v12, v13;
	[tilespmem:s8+$0xFFFFFFF0] =	vst v15  }
0x1fc: {  	[tilespmem:s8+$0x0] =	vst v14  }
0x1fd: {  	[tilespmem:s8+$0x10] =	vst v12  }
0x1fe: {  	v12 =	vld.idx.msk [tilespmem:v17+s0+$0x0], $0xffff  }
0x1ff: {  	s17 =	sadd.s32 $0x40, s8  }
0x200: {  	v13 =	vld [tilespmem:s17+$0xFFFFFFE0]  }
0x201: {  	v14 =	vld [tilespmem:s17+$0xFFFFFFF0]  }
0x202: {  	v15 =	vld [tilespmem:s17+$0x0]  }
0x203: {  	v16 =	vld [tilespmem:s17+$0x10];
	v12 =	vmul.f32 v12, v12;
	_ =	sdelay $0x1  }
0x204: {  	v13 =	vmul.f32 v12, v13  }
0x205: {  	v14 =	vmul.f32 v14, v12  }
0x206: {  	v15 =	vmul.f32 v15, v12;
	[tilespmem:s17+$0xFFFFFFE0] =	vst v13  }
0x207: {  	v12 =	vmul.f32 v16, v12;
	[tilespmem:s17+$0xFFFFFFF0] =	vst v14  }
0x208: {  	[tilespmem:s17+$0x0] =	vst v15  }
0x209: {  	s19 =	rddreg [dreg:$0xf];
	[tilespmem:s17+$0x10] =	vst v12  }
0x20a: {  	[spmem:s19] =	stream.linear.scatter [tilespmem:s23], [sflag:$0x5], $0x2000, $0x38;
	[tilespmem:$0x1F920] =	vst v63  }
0x20b: {  	_ =	swait.ge [sflag:s29], $0x2000  }
0x20c: {  	s21 =	sadd.s32 $0x0, s18;
	[sflag:s29] =	ssyncset.done $0x0  }
0x20d: {  	s11 =	simm.s32 $0x0;
	v12 =	vmov s21;
	s24 =	rddreg [dreg:$0x7];
	[sflag:s29] =	ssyncadd.s32 $0xFFFFE000  }
0x20e: {  	[tilespmem:s23], [sflag:$0x5] =	stream.linear.gather [hbm4b:s24+s11], $0x2000, $0x38;
	[tilespmem:$0x1F920] =	vst v63  }
0x20f: {  	_ =	swait.ge [sflag:s29], $0x2000  }
0x210: {  	[sflag:s29] =	ssyncset.done $0x0  }
0x211: {  	[sflag:s29] =	ssyncadd.s32 $0xFFFFE000  }
0x212: {  	v12 =	vld.idx.msk [tilespmem:v12+s0+$0x0], $0xffff  }
0x213: {  	s8 =	simm.s32 $0x11AA0  }
0x214: {  	v15 =	vld [tilespmem:s8+$0xFFFFFFF0]  }
0x215: {  	v16 =	vld [tilespmem:s8+$0xFFFFFFE0]  }
0x216: {  	v14 =	vld [tilespmem:s8+$0x0]  }
0x217: {  	v13 =	vmul.f32 v12, v12;
	v12 =	vld [tilespmem:s8+$0x10];
	_ =	sdelay $0x3  }
0x218: {  	s12 =	sadd.s32 $0x1, s18;
	s11 =	simm.s32 $0x2;
	v16 =	vmul.f32 v13, v16;
	v15 =	vmul.f32 v15, v13  }
.LBB2_16:
0x219: {  	p2 =	sne.s32 s11, $0x7F;
	v17 =	vmov s12;
	v14 =	vmul.f32 v14, v13;
	v12 =	vmul.f32 v12, v13  }
0x21a: {  	[tilespmem:s8+$0xFFFFFFE0] =	vst v16  }
0x21b: {  	[tilespmem:s8+$0xFFFFFFF0] =	vst v15  }
0x21c: {  	[tilespmem:s8+$0x0] =	vst v14  }
0x21d: {  	[tilespmem:s8+$0x10] =	vst v12  }
0x21e: {  	s8 =	sadd.s32 $0x40, s8;
	v13 =	vld.idx.msk [tilespmem:v17+s0+$0x0], $0xffff  }
0x21f: {  	v15 =	vld [tilespmem:s8+$0xFFFFFFF0]  }
0x220: {  	v12 =	vld [tilespmem:s8+$0x10]  }
0x221: {  	v16 =	vld [tilespmem:s8+$0xFFFFFFE0]  }
.Ltmp9:
0x222: {  	v14 =	vld [tilespmem:s8+$0x0];
	(pc) =	sbr.rel @p2 .LBB2_16-.Ltmp9, $3  }
0x223: {  	_ = 	snop  }
0x224: {  	v13 =	vmul.f32 v13, v13;
	_ =	sdelay $0x1  }
0x225: {  	s12 =	sadd.s32 s11, s18;
	s11 =	sadd.s32 $0x1, s11;
	v15 =	vmul.f32 v15, v13;
	v16 =	vmul.f32 v13, v16  }
0x226: {  	v17 =	vmov s12  }
0x227: {  	v14 =	vmul.f32 v14, v13;
	[tilespmem:s8+$0xFFFFFFE0] =	vst v16  }
0x228: {  	v12 =	vmul.f32 v12, v13;
	[tilespmem:s8+$0xFFFFFFF0] =	vst v15  }
0x229: {  	[tilespmem:s8+$0x0] =	vst v14  }
0x22a: {  	[tilespmem:s8+$0x10] =	vst v12  }
0x22b: {  	v12 =	vld.idx.msk [tilespmem:v17+s0+$0x0], $0xffff  }
0x22c: {  	s17 =	sadd.s32 $0x40, s8  }
0x22d: {  	v13 =	vld [tilespmem:s17+$0xFFFFFFE0]  }
0x22e: {  	v14 =	vld [tilespmem:s17+$0xFFFFFFF0]  }
0x22f: {  	v15 =	vld [tilespmem:s17+$0x0]  }
0x230: {  	v16 =	vld [tilespmem:s17+$0x10];
	v12 =	vmul.f32 v12, v12;
	_ =	sdelay $0x1  }
0x231: {  	v13 =	vmul.f32 v12, v13  }
0x232: {  	v14 =	vmul.f32 v14, v12  }
0x233: {  	v15 =	vmul.f32 v15, v12;
	[tilespmem:s17+$0xFFFFFFE0] =	vst v13  }
0x234: {  	v12 =	vmul.f32 v16, v12;
	[tilespmem:s17+$0xFFFFFFF0] =	vst v14  }
0x235: {  	[tilespmem:s17+$0x0] =	vst v15  }
0x236: {  	s19 =	rddreg [dreg:$0x10];
	[tilespmem:s17+$0x10] =	vst v12  }
0x237: {  	[spmem:s19] =	stream.linear.scatter [tilespmem:s23], [sflag:$0x5], $0x2000, $0x38;
	[tilespmem:$0x1F920] =	vst v63  }
0x238: {  	_ =	swait.ge [sflag:s29], $0x2000  }
0x239: {  	s21 =	sadd.s32 $0x0, s20;
	[sflag:s29] =	ssyncset.done $0x0  }
0x23a: {  	s11 =	simm.s32 $0x0;
	v12 =	vmov s21;
	s24 =	rddreg [dreg:$0x8];
	[sflag:s29] =	ssyncadd.s32 $0xFFFFE000  }
0x23b: {  	[tilespmem:s23], [sflag:$0x5] =	stream.linear.gather [hbm4b:s24+s11], $0x2000, $0x38;
	[tilespmem:$0x1F920] =	vst v63  }
0x23c: {  	_ =	swait.ge [sflag:s29], $0x2000  }
0x23d: {  	[sflag:s29] =	ssyncset.done $0x0  }
0x23e: {  	[sflag:s29] =	ssyncadd.s32 $0xFFFFE000  }
0x23f: {  	v12 =	vld.idx.msk [tilespmem:v12+s0+$0x0], $0xffff  }
0x240: {  	s8 =	simm.s32 $0x11AA0  }
0x241: {  	v15 =	vld [tilespmem:s8+$0xFFFFFFF0]  }
0x242: {  	v16 =	vld [tilespmem:s8+$0xFFFFFFE0]  }
0x243: {  	v14 =	vld [tilespmem:s8+$0x0]  }
0x244: {  	v13 =	vmul.f32 v12, v12;
	v12 =	vld [tilespmem:s8+$0x10];
	_ =	sdelay $0x3  }
0x245: {  	s12 =	sadd.s32 $0x1, s20;
	s11 =	simm.s32 $0x2;
	v16 =	vmul.f32 v13, v16;
	v15 =	vmul.f32 v15, v13  }
.LBB2_18:
0x246: {  	p2 =	sne.s32 s11, $0x7F;
	v17 =	vmov s12;
	v14 =	vmul.f32 v14, v13;
	v12 =	vmul.f32 v12, v13  }
0x247: {  	[tilespmem:s8+$0xFFFFFFE0] =	vst v16  }
0x248: {  	[tilespmem:s8+$0xFFFFFFF0] =	vst v15  }
0x249: {  	[tilespmem:s8+$0x0] =	vst v14  }
0x24a: {  	[tilespmem:s8+$0x10] =	vst v12  }
0x24b: {  	s8 =	sadd.s32 $0x40, s8;
	v13 =	vld.idx.msk [tilespmem:v17+s0+$0x0], $0xffff  }
0x24c: {  	v15 =	vld [tilespmem:s8+$0xFFFFFFF0]  }
0x24d: {  	v12 =	vld [tilespmem:s8+$0x10]  }
0x24e: {  	v16 =	vld [tilespmem:s8+$0xFFFFFFE0]  }
.Ltmp10:
0x24f: {  	v14 =	vld [tilespmem:s8+$0x0];
	(pc) =	sbr.rel @p2 .LBB2_18-.Ltmp10, $3  }
0x250: {  	_ = 	snop  }
0x251: {  	v13 =	vmul.f32 v13, v13;
	_ =	sdelay $0x1  }
0x252: {  	s12 =	sadd.s32 s11, s20;
	s11 =	sadd.s32 $0x1, s11;
	v15 =	vmul.f32 v15, v13;
	v16 =	vmul.f32 v13, v16  }
0x253: {  	v17 =	vmov s12  }
0x254: {  	v14 =	vmul.f32 v14, v13;
	[tilespmem:s8+$0xFFFFFFE0] =	vst v16  }
0x255: {  	v12 =	vmul.f32 v12, v13;
	[tilespmem:s8+$0xFFFFFFF0] =	vst v15  }
0x256: {  	[tilespmem:s8+$0x0] =	vst v14  }
0x257: {  	[tilespmem:s8+$0x10] =	vst v12  }
0x258: {  	v12 =	vld.idx.msk [tilespmem:v17+s0+$0x0], $0xffff  }
0x259: {  	s21 =	sadd.s32 $0x40, s8  }
0x25a: {  	v63 =	vld [tilespmem:s21+$0xFFFFFFE0]  }
0x25b: {  	v14 =	vld [tilespmem:s21+$0xFFFFFFF0]  }
0x25c: {  	v15 =	vld [tilespmem:s21+$0x0]  }
0x25d: {  	v16 =	vld [tilespmem:s21+$0x10];
	v12 =	vmul.f32 v12, v12;
	_ =	sdelay $0x1  }
0x25e: {  	v13 =	vmul.f32 v12, v63  }
0x25f: {  	v14 =	vmul.f32 v14, v12  }
0x260: {  	v15 =	vmul.f32 v15, v12;
	[tilespmem:s21+$0xFFFFFFE0] =	vst v13  }
0x261: {  	v12 =	vmul.f32 v16, v12;
	[tilespmem:s21+$0xFFFFFFF0] =	vst v14  }
0x262: {  	[tilespmem:s21+$0x0] =	vst v15  }
.Ltmp11:
0x263: {  	s24 =	rddreg [dreg:$0x11];
	[tilespmem:s21+$0x10] =	vst v12;
	(pc) =	sbr.rel @p1 .LBB2_23-.Ltmp11, $4  }
0x264: {  	[spmem:s24] =	stream.linear.scatter [tilespmem:s23], [sflag:$0x5], $0x2000, $0x38;
	[tilespmem:$0x1F920] =	vst v63  }
0x265: {  	_ =	swait.ge [sflag:s29], $0x2000  }
0x266: {  	[sflag:s29] =	ssyncset.done $0x0  }
0x267: {  	[sflag:s29] =	ssyncadd.s32 $0xFFFFE000  }
0x268: {  	s8 =	sadd.s32 $0x0, s22  }
0x269: {  	s11 =	simm.s32 $0x0;
	s24 =	rddreg [dreg:$0x9];
	v12 =	vmov s8  }
0x26a: {  	[tilespmem:s23], [sflag:$0x5] =	stream.linear.gather [hbm4b:s24+s11], $0x2000, $0x38;
	[tilespmem:$0x1F920] =	vst v63  }
0x26b: {  	_ =	swait.ge [sflag:s29], $0x2000  }
0x26c: {  	[sflag:s29] =	ssyncset.done $0x0  }
0x26d: {  	[sflag:s29] =	ssyncadd.s32 $0xFFFFE000  }
0x26e: {  	v12 =	vld.idx.msk [tilespmem:v12+s0+$0x0], $0xffff  }
0x26f: {  	s8 =	simm.s32 $0x11AA0  }
0x270: {  	v15 =	vld [tilespmem:s8+$0xFFFFFFF0]  }
0x271: {  	v16 =	vld [tilespmem:s8+$0xFFFFFFE0]  }
0x272: {  	v14 =	vld [tilespmem:s8+$0x0]  }
0x273: {  	v13 =	vmul.f32 v12, v12;
	v12 =	vld [tilespmem:s8+$0x10];
	_ =	sdelay $0x3  }
0x274: {  	s12 =	sadd.s32 $0x1, s22;
	s11 =	simm.s32 $0x2;
	v16 =	vmul.f32 v13, v16;
	v15 =	vmul.f32 v15, v13  }
.LBB2_21:
0x275: {  	p2 =	sne.s32 s11, $0x7F;
	v17 =	vmov s12;
	v14 =	vmul.f32 v14, v13;
	v12 =	vmul.f32 v12, v13  }
0x276: {  	[tilespmem:s8+$0xFFFFFFE0] =	vst v16  }
0x277: {  	[tilespmem:s8+$0xFFFFFFF0] =	vst v15  }
0x278: {  	[tilespmem:s8+$0x0] =	vst v14  }
0x279: {  	[tilespmem:s8+$0x10] =	vst v12  }
0x27a: {  	s8 =	sadd.s32 $0x40, s8;
	v13 =	vld.idx.msk [tilespmem:v17+s0+$0x0], $0xffff  }
0x27b: {  	v15 =	vld [tilespmem:s8+$0xFFFFFFF0]  }
0x27c: {  	v12 =	vld [tilespmem:s8+$0x10]  }
0x27d: {  	v16 =	vld [tilespmem:s8+$0xFFFFFFE0]  }
.Ltmp12:
0x27e: {  	v14 =	vld [tilespmem:s8+$0x0];
	(pc) =	sbr.rel @p2 .LBB2_21-.Ltmp12, $3  }
0x27f: {  	_ = 	snop  }
0x280: {  	v13 =	vmul.f32 v13, v13;
	_ =	sdelay $0x1  }
0x281: {  	s12 =	sadd.s32 s11, s22;
	s11 =	sadd.s32 $0x1, s11;
	v15 =	vmul.f32 v15, v13;
	v16 =	vmul.f32 v13, v16  }
0x282: {  	v17 =	vmov s12  }
0x283: {  	v14 =	vmul.f32 v14, v13;
	[tilespmem:s8+$0xFFFFFFE0] =	vst v16  }
0x284: {  	v12 =	vmul.f32 v12, v13;
	[tilespmem:s8+$0xFFFFFFF0] =	vst v15  }
0x285: {  	[tilespmem:s8+$0x0] =	vst v14  }
0x286: {  	[tilespmem:s8+$0x10] =	vst v12  }
0x287: {  	v12 =	vld.idx.msk [tilespmem:v17+s0+$0x0], $0xffff  }
0x288: {  	s21 =	sadd.s32 $0x40, s8  }
0x289: {  	v63 =	vld [tilespmem:s21+$0xFFFFFFE0]  }
0x28a: {  	v14 =	vld [tilespmem:s21+$0xFFFFFFF0]  }
0x28b: {  	v15 =	vld [tilespmem:s21+$0x0]  }
0x28c: {  	v16 =	vld [tilespmem:s21+$0x10];
	v12 =	vmul.f32 v12, v12;
	_ =	sdelay $0x1  }
0x28d: {  	v13 =	vmul.f32 v12, v63  }
0x28e: {  	v14 =	vmul.f32 v14, v12  }
0x28f: {  	v15 =	vmul.f32 v15, v12;
	[tilespmem:s21+$0xFFFFFFE0] =	vst v13  }
0x290: {  	v12 =	vmul.f32 v16, v12;
	[tilespmem:s21+$0xFFFFFFF0] =	vst v14  }
0x291: {  	[tilespmem:s21+$0x0] =	vst v15  }
0x292: {  	s24 =	rddreg [dreg:$0x12];
	[tilespmem:s21+$0x10] =	vst v12  }
0x293: {  	[spmem:s24] =	stream.linear.scatter [tilespmem:s23], [sflag:$0x5], $0x2000, $0x38;
	[tilespmem:$0x1F920] =	vst v63  }
0x294: {  	_ =	swait.ge [sflag:s29], $0x2000  }
0x295: {  	[sflag:s29] =	ssyncset.done $0x0  }
0x296: {  	[sflag:s29] =	ssyncadd.s32 $0xFFFFE000  }
.LBB2_23:
0x297: {  	[bflag:$0x0] =	sbarrier.arrive $0xFFFF;
	s11 =	simm.s32 $0x0  }
0x298: {  	[tilespmem:s23], [sflag:$0x1] =	stream.indirect.gather [hbm4b:s9+s1], $0x40, s11, s1, $0xb8;
	[tilespmem:$0x1F920] =	vst v63  }
0x299: {  	_ = 	snop  }
0x29a: {  	[tilespmem:s4], [sflag:$0x2] =	stream.indirect.gather [hbm4b:s9+s1], $0x40, s1, s1, $0xb8;
	[tilespmem:$0x1F920] =	vst v63  }
.LBB2_24:
0x29b: {  	s8 =	simm.s32 $0x0  }
0x29c: {  	v12 =	vmov s8  }
0x29d: {  	s13 =	sshll.u32 s11, $0x8;
	v13 =	vshrl.u32 v12, $0x3  }
0x29e: {  	v12 =	vmov s13;
	v13 =	vshll.u32 v13, v11  }
0x29f: {  	v13 =	vadd.s32 v12, v13  }
0x2a0: {  	v13 =	vbroadcast v13, $0x0;
	_ =	sdelay $0x1  }
0x2a1: {  	_ =	swait.ge [sflag:s5], $0x2000  }
0x2a2: {  	[sflag:s5] =	ssyncset.done $0x0  }
0x2a3: {  	s12 =	simm.s32 $0x11B80;
	[sflag:s5] =	ssyncadd.s32 $0xFFFFE000  }
0x2a4: {  	v15 =	vld [tilespmem:s12+$0xFFFFFF10]  }
0x2a5: {  	s15 =	simm.s32 $0x1;
	v14 =	vld.idx.msk [tilespmem:v13+s31+$0x0], $0xffff  }
0x2a6: {  	v16 =	vld [tilespmem:s12+$0xFFFFFF30];
	v13 =	vmov s15  }
0x2a7: {  	v18 =	vld [tilespmem:s12+$0xFFFFFF00];
	v17 =	vshrl.u32 v13, $0x3  }
0x2a8: {  	v19 =	vld [tilespmem:s12+$0xFFFFFF20];
	v13 =	vor.u32 $0x1, v12;
	v17 =	vshll.u32 v17, v11  }
0x2a9: {  	v17 =	vadd.s32 v17, v13  }
0x2aa: {  	v17 =	vbroadcast v17, $0x0;
	v15 =	vmul.f32 v15, v14  }
0x2ab: {  	v16 =	vmul.f32 v16, v14  }
0x2ac: {  	v18 =	vmul.f32 v18, v14;
	[tilespmem:s12+$0xFFFFFF10] =	vst v15  }
0x2ad: {  	v14 =	vmul.f32 v19, v14;
	[tilespmem:s12+$0xFFFFFF30] =	vst v16  }
0x2ae: {  	[tilespmem:s12+$0xFFFFFF00] =	vst v18  }
0x2af: {  	v20 =	vld [tilespmem:s12+$0xFFFFFF50];
	[tilespmem:s12+$0xFFFFFF20] =	vst v14  }
0x2b0: {  	s17 =	simm.s32 $0x2;
	v15 =	vld.idx.msk [tilespmem:v17+s31+$0x0], $0xffff  }
0x2b1: {  	v14 =	vmov s17;
	v16 =	vld [tilespmem:s12+$0xFFFFFF70]  }
0x2b2: {  	v18 =	vld [tilespmem:s12+$0xFFFFFF60];
	v17 =	vshrl.u32 v14, $0x3  }
0x2b3: {  	v19 =	vld [tilespmem:s12+$0xFFFFFF40];
	v14 =	vor.u32 $0x2, v12;
	v17 =	vshll.u32 v17, v11  }
0x2b4: {  	v17 =	vadd.s32 v17, v14  }
0x2b5: {  	v17 =	vbroadcast v17, $0x0;
	v20 =	vmul.f32 v20, v15  }
0x2b6: {  	v16 =	vmul.f32 v16, v15  }
0x2b7: {  	v18 =	vmul.f32 v18, v15;
	[tilespmem:s12+$0xFFFFFF50] =	vst v20  }
0x2b8: {  	v15 =	vmul.f32 v19, v15;
	[tilespmem:s12+$0xFFFFFF70] =	vst v16  }
0x2b9: {  	[tilespmem:s12+$0xFFFFFF60] =	vst v18  }
0x2ba: {  	v21 =	vld [tilespmem:s12+$0xFFFFFF80];
	[tilespmem:s12+$0xFFFFFF40] =	vst v15  }
0x2bb: {  	s19 =	simm.s32 $0x3;
	v16 =	vld.idx.msk [tilespmem:v17+s31+$0x0], $0xffff  }
0x2bc: {  	v15 =	vmov s19;
	v17 =	vld [tilespmem:s12+$0xFFFFFFB0]  }
0x2bd: {  	v22 =	vld [tilespmem:s12+$0xFFFFFF90];
	v18 =	vshrl.u32 v15, $0x3  }
0x2be: {  	v19 =	vld [tilespmem:s12+$0xFFFFFFA0];
	v15 =	vor.u32 $0x3, v12;
	v18 =	vshll.u32 v18, v11  }
0x2bf: {  	v18 =	vadd.s32 v18, v15  }
0x2c0: {  	v18 =	vbroadcast v18, $0x0;
	v20 =	vmul.f32 v21, v16  }
0x2c1: {  	v17 =	vmul.f32 v17, v16  }
0x2c2: {  	v21 =	vmul.f32 v22, v16;
	[tilespmem:s12+$0xFFFFFF80] =	vst v20  }
0x2c3: {  	v16 =	vmul.f32 v19, v16;
	[tilespmem:s12+$0xFFFFFFB0] =	vst v17  }
0x2c4: {  	[tilespmem:s12+$0xFFFFFF90] =	vst v21  }
0x2c5: {  	v20 =	vld [tilespmem:s12+$0xFFFFFFF0];
	[tilespmem:s12+$0xFFFFFFA0] =	vst v16  }
0x2c6: {  	s21 =	simm.s32 $0x4;
	v16 =	vld.idx.msk [tilespmem:v18+s31+$0x0], $0xffff  }
0x2c7: {  	v17 =	vmov s21;
	v18 =	vld [tilespmem:s12+$0xFFFFFFE0]  }
0x2c8: {  	v19 =	vld [tilespmem:s12+$0xFFFFFFD0];
	v21 =	vshrl.u32 v17, $0x3  }
0x2c9: {  	v22 =	vld [tilespmem:s12+$0xFFFFFFC0];
	v17 =	vor.u32 $0x4, v12;
	v21 =	vshll.u32 v21, v11  }
0x2ca: {  	v21 =	vadd.s32 v21, v17  }
0x2cb: {  	v24 =	vbroadcast v21, $0x0;
	v20 =	vmul.f32 v20, v16  }
0x2cc: {  	v18 =	vmul.f32 v18, v16  }
0x2cd: {  	v19 =	vmul.f32 v19, v16;
	[tilespmem:s12+$0xFFFFFFF0] =	vst v20  }
0x2ce: {  	s24 =	simm.s32 $0x5;
	v23 =	vld [tilespmem:s12+$0x20];
	v16 =	vmul.f32 v22, v16;
	[tilespmem:s12+$0xFFFFFFE0] =	vst v18  }
0x2cf: {  	v25 =	vld [tilespmem:s12+$0x10];
	v18 =	vmov s24;
	[tilespmem:s12+$0xFFFFFFD0] =	vst v19  }
0x2d0: {  	v21 =	vld [tilespmem:s12+$0x0];
	[tilespmem:s12+$0xFFFFFFC0] =	vst v16;
	v18 =	vshrl.u32 v18, $0x3  }
0x2d1: {  	v19 =	vor.u32 $0x5, v12;
	v16 =	vshll.u32 v18, v11;
	v24 =	vld.idx.msk [tilespmem:v24+s31+$0x0], $0xffff  }
0x2d2: {  	s8 =	simm.s32 $0x7;
	v20 =	vld [tilespmem:s12+$0x30];
	v22 =	vadd.s32 v16, v19  }
0x2d3: {  	s13 =	sshll.u32 s11, $0x1;
	s15 =	simm.s32 $0x11B80;
	s17 =	simm.s32 $0xF;
	v18 =	vor.u32 $0x6, v12;
	v16 =	vor.u32 $0x7, v12;
	v22 =	vbroadcast v22, $0x0  }
.LBB2_25:
0x2d4: {  	p2 =	sne.s32 s17, $0x7F  }
0x2d5: {  	s12 =	sadd.s32 $0x200, s12;
	s19 =	smov.u32 s17;
	s17 =	sadd.s32 $0x8, s17  }
0x2d6: {  	v23 =	vmul.f32 v23, v24;
	v25 =	vmul.f32 v25, v24  }
0x2d7: {  	v21 =	vmul.f32 v21, v24;
	v20 =	vmul.f32 v20, v24;
	v24 =	vld [tilespmem:s15+$0x70]  }
0x2d8: {  	[tilespmem:s15+$0x10] =	vst v25;
	v25 =	vld [tilespmem:s15+$0x40]  }
0x2d9: {  	[tilespmem:s15+$0x0] =	vst v21  }
0x2da: {  	[tilespmem:s15+$0x20] =	vst v23  }
0x2db: {  	[tilespmem:s15+$0x30] =	vst v20;
	v20 =	vld [tilespmem:s15+$0x60]  }
0x2dc: {  	v21 =	vld.idx.msk [tilespmem:v22+s31+$0x0], $0xffff  }
0x2dd: {  	v22 =	vld [tilespmem:s15+$0x50]  }
0x2de: {  	s21 =	sadd.s32 $0xFFFFFFFF, s8  }
0x2df: {  	v23 =	vmov s21  }
0x2e0: {  	v23 =	vshrl.u32 v23, $0x3  }
0x2e1: {  	v23 =	vshll.u32 v23, v11  }
0x2e2: {  	v23 =	vadd.s32 v23, v18;
	v20 =	vmul.f32 v20, v21;
	v22 =	vmul.f32 v22, v21  }
0x2e3: {  	v23 =	vbroadcast v23, $0x0;
	v25 =	vmul.f32 v25, v21  }
0x2e4: {  	[tilespmem:s15+$0x60] =	vst v20;
	v20 =	vmul.f32 v24, v21  }
0x2e5: {  	[tilespmem:s15+$0x50] =	vst v22;
	v21 =	vld [tilespmem:s15+$0xB0]  }
0x2e6: {  	[tilespmem:s15+$0x40] =	vst v25  }
0x2e7: {  	s21 =	sadd.s32 $0xFFFFFFF9, s19  }
0x2e8: {  	v22 =	vmov s21;
	[tilespmem:s15+$0x70] =	vst v20;
	v20 =	vld [tilespmem:s15+$0x90]  }
0x2e9: {  	v22 =	vshrl.u32 v22, $0x3;
	v23 =	vld.idx.msk [tilespmem:v23+s31+$0x0], $0xffff  }
0x2ea: {  	v22 =	vshll.u32 v22, v11;
	v24 =	vld [tilespmem:s15+$0xA0]  }
0x2eb: {  	v22 =	vadd.s32 v12, v22;
	v25 =	vld [tilespmem:s15+$0x80]  }
0x2ec: {  	v26 =	vmov s8;
	s8 =	smov.u32 s19;
	v22 =	vbroadcast v22, $0x0  }
0x2ed: {  	v26 =	vshrl.u32 v26, $0x3  }
0x2ee: {  	v26 =	vshll.u32 v26, v11  }
0x2ef: {  	v26 =	vadd.s32 v26, v16;
	v21 =	vmul.f32 v21, v23;
	v24 =	vmul.f32 v24, v23  }
0x2f0: {  	v26 =	vbroadcast v26, $0x0;
	v25 =	vmul.f32 v25, v23;
	v27 =	vld [tilespmem:s15+$0xD0]  }
0x2f1: {  	v20 =	vmul.f32 v20, v23;
	v28 =	vld [tilespmem:s12+$0xFFFFFF30];
	[tilespmem:s15+$0xA0] =	vst v24  }
0x2f2: {  	[tilespmem:s15+$0x80] =	vst v25  }
0x2f3: {  	s19 =	sadd.s32 $0xFFFFFFFA, s8;
	[tilespmem:s15+$0x90] =	vst v20;
	v20 =	vld [tilespmem:s15+$0xC0]  }
0x2f4: {  	v23 =	vmov s19;
	[tilespmem:s15+$0xB0] =	vst v21  }
0x2f5: {  	v21 =	vshrl.u32 v23, $0x3;
	v23 =	vld [tilespmem:s15+$0xF0]  }
0x2f6: {  	v21 =	vshll.u32 v21, v11;
	v24 =	vld.idx.msk [tilespmem:v26+s31+$0x0], $0xffff  }
0x2f7: {  	v21 =	vadd.s32 v21, v13  }
0x2f8: {  	v21 =	vbroadcast v21, $0x0;
	v25 =	vld [tilespmem:s15+$0xE0];
	_ =	sdelay $0x3  }
0x2f9: {  	v20 =	vmul.f32 v20, v24;
	v26 =	vmul.f32 v27, v24  }
0x2fa: {  	v23 =	vmul.f32 v23, v24;
	v25 =	vmul.f32 v25, v24  }
0x2fb: {  	v24 =	vld [tilespmem:s12+$0xFFFFFF20];
	[tilespmem:s15+$0xC0] =	vst v20  }
0x2fc: {  	[tilespmem:s15+$0xE0] =	vst v25  }
0x2fd: {  	[tilespmem:s15+$0xF0] =	vst v23  }
0x2fe: {  	[tilespmem:s15+$0xD0] =	vst v26;
	s15 =	smov.u32 s12  }
0x2ff: {  	v20 =	vld.idx.msk [tilespmem:v22+s31+$0x0], $0xffff  }
0x300: {  	v22 =	vld [tilespmem:s12+$0xFFFFFF10]  }
0x301: {  	v23 =	vld [tilespmem:s12+$0xFFFFFF00];
	_ =	sdelay $0x1  }
0x302: {  	v25 =	vld [tilespmem:s12+$0xFFFFFF50];
	_ =	sdelay $0x1  }
0x303: {  	s19 =	sadd.s32 $0xFFFFFFFB, s8;
	v24 =	vmul.f32 v24, v20;
	v22 =	vmul.f32 v22, v20  }
0x304: {  	v26 =	vmov s19;
	v23 =	vmul.f32 v23, v20;
	v20 =	vmul.f32 v28, v20  }
0x305: {  	v26 =	vshrl.u32 v26, $0x3;
	[tilespmem:s12+$0xFFFFFF10] =	vst v22;
	v22 =	vld [tilespmem:s12+$0xFFFFFF70]  }
0x306: {  	[tilespmem:s12+$0xFFFFFF30] =	vst v20;
	v20 =	vshll.u32 v26, v11  }
0x307: {  	[tilespmem:s12+$0xFFFFFF00] =	vst v23;
	v20 =	vadd.s32 v20, v14  }
0x308: {  	[tilespmem:s12+$0xFFFFFF20] =	vst v24  }
0x309: {  	v20 =	vbroadcast v20, $0x0;
	v21 =	vld.idx.msk [tilespmem:v21+s31+$0x0], $0xffff  }
0x30a: {  	v23 =	vld [tilespmem:s12+$0xFFFFFF40]  }
0x30b: {  	v24 =	vld [tilespmem:s12+$0xFFFFFF60];
	_ =	sdelay $0x2  }
0x30c: {  	v26 =	vld [tilespmem:s12+$0xFFFFFF90]  }
0x30d: {  	v25 =	vmul.f32 v25, v21;
	v23 =	vmul.f32 v23, v21  }
0x30e: {  	s19 =	sadd.s32 $0xFFFFFFFC, s8;
	v24 =	vmul.f32 v24, v21;
	v21 =	vmul.f32 v22, v21;
	v22 =	vld [tilespmem:s12+$0xFFFFFF80]  }
0x30f: {  	[tilespmem:s12+$0xFFFFFF50] =	vst v25;
	v25 =	vmov s19  }
0x310: {  	[tilespmem:s12+$0xFFFFFF70] =	vst v21;
	v21 =	vshrl.u32 v25, $0x3  }
0x311: {  	[tilespmem:s12+$0xFFFFFF60] =	vst v24;
	v21 =	vshll.u32 v21, v11  }
0x312: {  	[tilespmem:s12+$0xFFFFFF40] =	vst v23;
	v23 =	vld [tilespmem:s12+$0xFFFFFFA0];
	v21 =	vadd.s32 v21, v15  }
0x313: {  	v20 =	vld.idx.msk [tilespmem:v20+s31+$0x0], $0xffff  }
0x314: {  	v24 =	vld [tilespmem:s12+$0xFFFFFFB0]  }
0x315: {  	v21 =	vbroadcast v21, $0x0;
	_ =	sdelay $0x3  }
0x316: {  	v22 =	vmul.f32 v22, v20;
	v24 =	vmul.f32 v24, v20  }
0x317: {  	v25 =	vmul.f32 v26, v20;
	v20 =	vmul.f32 v23, v20  }
0x318: {  	[tilespmem:s12+$0xFFFFFF80] =	vst v22;
	v22 =	vld [tilespmem:s12+$0xFFFFFFF0]  }
0x319: {  	[tilespmem:s12+$0xFFFFFFB0] =	vst v24;
	v23 =	vld [tilespmem:s12+$0xFFFFFFD0]  }
0x31a: {  	[tilespmem:s12+$0xFFFFFF90] =	vst v25  }
0x31b: {  	[tilespmem:s12+$0xFFFFFFA0] =	vst v20;
	v20 =	vld [tilespmem:s12+$0xFFFFFFC0]  }
0x31c: {  	s19 =	sadd.s32 $0xFFFFFFFD, s8;
	v24 =	vld [tilespmem:s12+$0xFFFFFFE0]  }
0x31d: {  	v25 =	vmov s19;
	v21 =	vld.idx.msk [tilespmem:v21+s31+$0x0], $0xffff  }
0x31e: {  	v25 =	vshrl.u32 v25, $0x3  }
0x31f: {  	v25 =	vshll.u32 v25, v11  }
0x320: {  	v25 =	vadd.s32 v25, v17  }
0x321: {  	v25 =	vbroadcast v25, $0x0;
	_ =	sdelay $0x1  }
0x322: {  	v26 =	vmul.f32 v20, v21;
	v20 =	vmul.f32 v22, v21  }
0x323: {  	v22 =	vmul.f32 v23, v21;
	v21 =	vmul.f32 v24, v21  }
0x324: {  	[tilespmem:s12+$0xFFFFFFF0] =	vst v20;
	v20 =	vld [tilespmem:s12+$0x30]  }
0x325: {  	[tilespmem:s12+$0xFFFFFFE0] =	vst v21;
	v21 =	vld [tilespmem:s12+$0x0]  }
0x326: {  	[tilespmem:s12+$0xFFFFFFD0] =	vst v22  }
0x327: {  	s19 =	sadd.s32 $0xFFFFFFFE, s8;
	[tilespmem:s12+$0xFFFFFFC0] =	vst v26  }
0x328: {  	v22 =	vmov s19;
	v23 =	vld [tilespmem:s12+$0x20]  }
.Ltmp13:
0x329: {  	v22 =	vshrl.u32 v22, $0x3;
	v24 =	vld.idx.msk [tilespmem:v25+s31+$0x0], $0xffff;
	(pc) =	sbr.rel @p2 .LBB2_25-.Ltmp13, $3  }
0x32a: {  	v22 =	vshll.u32 v22, v11;
	v25 =	vld [tilespmem:s12+$0x10]  }
0x32b: {  	v22 =	vadd.s32 v22, v19;
	_ =	sdelay $0x1  }
0x32c: {  	v22 =	vbroadcast v22, $0x0  }
0x32d: {  	v13 =	vmul.f32 v21, v24  }
0x32e: {  	v12 =	vmul.f32 v25, v24  }
0x32f: {  	v14 =	vmul.f32 v23, v24;
	[tilespmem:s15+$0x0] =	vst v13  }
0x330: {  	[tilespmem:s15+$0x10] =	vst v12;
	v12 =	vmul.f32 v20, v24  }
0x331: {  	[tilespmem:s15+$0x20] =	vst v14  }
0x332: {  	[tilespmem:s15+$0x30] =	vst v12;
	v12 =	vld [tilespmem:s15+$0x60]  }
0x333: {  	s12 =	sadd.s32 $0xFFFFFFFF, s8;
	v13 =	vld.idx.msk [tilespmem:v22+s31+$0x0], $0xffff  }
0x334: {  	v17 =	vmov s12;
	v14 =	vld [tilespmem:s15+$0x50]  }
0x335: {  	v15 =	vld [tilespmem:s15+$0x40];
	v17 =	vshrl.u32 v17, $0x3  }
0x336: {  	v19 =	vld [tilespmem:s15+$0x70];
	v17 =	vshll.u32 v17, v11  }
0x337: {  	v17 =	vadd.s32 v17, v18  }
0x338: {  	v17 =	vbroadcast v17, $0x0;
	v12 =	vmul.f32 v12, v13  }
0x339: {  	v14 =	vmul.f32 v14, v13  }
0x33a: {  	v15 =	vmul.f32 v15, v13;
	[tilespmem:s15+$0x60] =	vst v12  }
0x33b: {  	v12 =	vmul.f32 v19, v13;
	[tilespmem:s15+$0x50] =	vst v14  }
0x33c: {  	[tilespmem:s15+$0x40] =	vst v15  }
0x33d: {  	v13 =	vld [tilespmem:s15+$0xA0];
	[tilespmem:s15+$0x70] =	vst v12  }
0x33e: {  	v12 =	vld.idx.msk [tilespmem:v17+s31+$0x0], $0xffff  }
0x33f: {  	v14 =	vld [tilespmem:s15+$0x80];
	v17 =	vmov s8  }
0x340: {  	v15 =	vld [tilespmem:s15+$0x90];
	v17 =	vshrl.u32 v17, $0x3  }
0x341: {  	v18 =	vld [tilespmem:s15+$0xB0];
	v17 =	vshll.u32 v17, v11  }
0x342: {  	v16 =	vadd.s32 v17, v16  }
0x343: {  	v16 =	vbroadcast v16, $0x0;
	v13 =	vmul.f32 v13, v12  }
0x344: {  	v14 =	vmul.f32 v14, v12  }
0x345: {  	v15 =	vmul.f32 v15, v12;
	[tilespmem:s15+$0xA0] =	vst v13  }
0x346: {  	v12 =	vmul.f32 v18, v12;
	[tilespmem:s15+$0x80] =	vst v14  }
0x347: {  	[tilespmem:s15+$0x90] =	vst v15  }
0x348: {  	v13 =	vld [tilespmem:s15+$0xC0];
	[tilespmem:s15+$0xB0] =	vst v12  }
0x349: {  	v14 =	vld.idx.msk [tilespmem:v16+s31+$0x0], $0xffff  }
0x34a: {  	v12 =	vld [tilespmem:s15+$0xE0]  }
0x34b: {  	v15 =	vld [tilespmem:s15+$0xF0]  }
0x34c: {  	v17 =	vld [tilespmem:s15+$0xD0];
	_ =	sdelay $0x1  }
0x34d: {  	s17 =	simm.s32 $0x0;
	v13 =	vmul.f32 v13, v14  }
0x34e: {  	s19 =	sor.u32 $0x1, s13;
	v16 =	vmov s17;
	v18 =	vmul.f32 v12, v14  }
0x34f: {  	s13 =	sshll.u32 s19, $0x7;
	v16 =	vshrl.u32 v16, $0x3;
	v15 =	vmul.f32 v15, v14;
	[tilespmem:s15+$0xC0] =	vst v13  }
0x350: {  	s21 =	sshll.u32 s11, $0xA;
	v12 =	vmov s13;
	v14 =	vmul.f32 v17, v14;
	v13 =	vshll.u32 v16, v11;
	[tilespmem:s15+$0xE0] =	vst v18  }
0x351: {  	s12 =	sshrl.u32 s21, $0x2;
	[tilespmem:s15+$0xF0] =	vst v15;
	v13 =	vadd.s32 v12, v13  }
0x352: {  	s8 =	sadd.s32 $0x5000, s12;
	[tilespmem:s15+$0xD0] =	vst v14;
	v13 =	vbroadcast v13, $0x0  }
0x353: {  	[spmem:s2] =	stream.indirect.scatter.add.f32 [tilespmem:s23], [sflag:$0x3], $0x40, s8, s1, $0xb8;
	[tilespmem:$0x1F920] =	vst v63  }
0x354: {  	_ =	swait.ge [sflag:s6], $0x2000  }
0x355: {  	[sflag:s6] =	ssyncset.done $0x0  }
0x356: {  	s15 =	simm.s32 $0x13B80;
	[sflag:s6] =	ssyncadd.s32 $0xFFFFE000  }
0x357: {  	v15 =	vld [tilespmem:s15+$0xFFFFFF10]  }
0x358: {  	s24 =	simm.s32 $0x1;
	v14 =	vld.idx.msk [tilespmem:v13+s31+$0x0], $0xffff  }
0x359: {  	v16 =	vld [tilespmem:s15+$0xFFFFFF30];
	v13 =	vmov s24  }
0x35a: {  	v18 =	vld [tilespmem:s15+$0xFFFFFF00];
	v17 =	vshrl.u32 v13, $0x3  }
0x35b: {  	v19 =	vld [tilespmem:s15+$0xFFFFFF20];
	v13 =	vor.u32 $0x1, v12;
	v17 =	vshll.u32 v17, v11  }
0x35c: {  	v17 =	vadd.s32 v17, v13  }
0x35d: {  	v17 =	vbroadcast v17, $0x0;
	v15 =	vmul.f32 v15, v14  }
0x35e: {  	v16 =	vmul.f32 v16, v14  }
0x35f: {  	v18 =	vmul.f32 v18, v14;
	[tilespmem:s15+$0xFFFFFF10] =	vst v15  }
0x360: {  	v14 =	vmul.f32 v19, v14;
	[tilespmem:s15+$0xFFFFFF30] =	vst v16  }
0x361: {  	[tilespmem:s15+$0xFFFFFF00] =	vst v18  }
0x362: {  	v20 =	vld [tilespmem:s15+$0xFFFFFF50];
	[tilespmem:s15+$0xFFFFFF20] =	vst v14  }
0x363: {  	s17 =	simm.s32 $0x2;
	v15 =	vld.idx.msk [tilespmem:v17+s31+$0x0], $0xffff  }
0x364: {  	v14 =	vmov s17;
	v16 =	vld [tilespmem:s15+$0xFFFFFF70]  }
0x365: {  	v18 =	vld [tilespmem:s15+$0xFFFFFF60];
	v17 =	vshrl.u32 v14, $0x3  }
0x366: {  	v19 =	vld [tilespmem:s15+$0xFFFFFF40];
	v14 =	vor.u32 $0x2, v12;
	v17 =	vshll.u32 v17, v11  }
0x367: {  	v17 =	vadd.s32 v17, v14  }
0x368: {  	v17 =	vbroadcast v17, $0x0;
	v20 =	vmul.f32 v20, v15  }
0x369: {  	v16 =	vmul.f32 v16, v15  }
0x36a: {  	v18 =	vmul.f32 v18, v15;
	[tilespmem:s15+$0xFFFFFF50] =	vst v20  }
0x36b: {  	v15 =	vmul.f32 v19, v15;
	[tilespmem:s15+$0xFFFFFF70] =	vst v16  }
0x36c: {  	[tilespmem:s15+$0xFFFFFF60] =	vst v18  }
0x36d: {  	v21 =	vld [tilespmem:s15+$0xFFFFFF80];
	[tilespmem:s15+$0xFFFFFF40] =	vst v15  }
0x36e: {  	s19 =	simm.s32 $0x3;
	v16 =	vld.idx.msk [tilespmem:v17+s31+$0x0], $0xffff  }
0x36f: {  	v15 =	vmov s19;
	v17 =	vld [tilespmem:s15+$0xFFFFFFB0]  }
0x370: {  	v22 =	vld [tilespmem:s15+$0xFFFFFF90];
	v18 =	vshrl.u32 v15, $0x3  }
0x371: {  	v19 =	vld [tilespmem:s15+$0xFFFFFFA0];
	v15 =	vor.u32 $0x3, v12;
	v18 =	vshll.u32 v18, v11  }
0x372: {  	v18 =	vadd.s32 v18, v15  }
0x373: {  	v18 =	vbroadcast v18, $0x0;
	v20 =	vmul.f32 v21, v16  }
0x374: {  	v17 =	vmul.f32 v17, v16  }
0x375: {  	v21 =	vmul.f32 v22, v16;
	[tilespmem:s15+$0xFFFFFF80] =	vst v20  }
0x376: {  	v16 =	vmul.f32 v19, v16;
	[tilespmem:s15+$0xFFFFFFB0] =	vst v17  }
0x377: {  	[tilespmem:s15+$0xFFFFFF90] =	vst v21  }
0x378: {  	v20 =	vld [tilespmem:s15+$0xFFFFFFF0];
	[tilespmem:s15+$0xFFFFFFA0] =	vst v16  }
0x379: {  	s21 =	simm.s32 $0x4;
	v16 =	vld.idx.msk [tilespmem:v18+s31+$0x0], $0xffff  }
0x37a: {  	v17 =	vmov s21;
	v18 =	vld [tilespmem:s15+$0xFFFFFFE0]  }
0x37b: {  	v19 =	vld [tilespmem:s15+$0xFFFFFFD0];
	v21 =	vshrl.u32 v17, $0x3  }
0x37c: {  	v22 =	vld [tilespmem:s15+$0xFFFFFFC0];
	v17 =	vor.u32 $0x4, v12;
	v21 =	vshll.u32 v21, v11  }
0x37d: {  	v21 =	vadd.s32 v21, v17  }
0x37e: {  	v23 =	vbroadcast v21, $0x0;
	v20 =	vmul.f32 v20, v16  }
0x37f: {  	v18 =	vmul.f32 v18, v16  }
0x380: {  	v19 =	vmul.f32 v19, v16;
	[tilespmem:s15+$0xFFFFFFF0] =	vst v20  }
0x381: {  	v24 =	vld [tilespmem:s15+$0x20];
	s24 =	simm.s32 $0x5;
	v16 =	vmul.f32 v22, v16;
	[tilespmem:s15+$0xFFFFFFE0] =	vst v18  }
0x382: {  	v25 =	vld [tilespmem:s15+$0x10];
	v18 =	vmov s24;
	[tilespmem:s15+$0xFFFFFFD0] =	vst v19  }
0x383: {  	v21 =	vld [tilespmem:s15+$0x0];
	[tilespmem:s15+$0xFFFFFFC0] =	vst v16;
	v18 =	vshrl.u32 v18, $0x3  }
0x384: {  	v19 =	vor.u32 $0x5, v12;
	v16 =	vshll.u32 v18, v11;
	v23 =	vld.idx.msk [tilespmem:v23+s31+$0x0], $0xffff  }
0x385: {  	v20 =	vld [tilespmem:s15+$0x30];
	v22 =	vadd.s32 v16, v19  }
0x386: {  	s8 =	simm.s32 $0x13B80;
	s17 =	simm.s32 $0x7;
	s19 =	simm.s32 $0xF;
	v18 =	vor.u32 $0x6, v12;
	v16 =	vor.u32 $0x7, v12;
	v22 =	vbroadcast v22, $0x0  }
.LBB2_27:
0x387: {  	p2 =	sne.s32 s19, $0x7F  }
0x388: {  	s15 =	sadd.s32 $0x200, s15;
	s21 =	smov.u32 s19;
	s19 =	sadd.s32 $0x8, s19  }
0x389: {  	v24 =	vmul.f32 v24, v23;
	v25 =	vmul.f32 v25, v23  }
0x38a: {  	v21 =	vmul.f32 v21, v23;
	v20 =	vmul.f32 v20, v23;
	v23 =	vld [tilespmem:s8+$0x70]  }
0x38b: {  	[tilespmem:s8+$0x10] =	vst v25;
	v25 =	vld [tilespmem:s8+$0x40]  }
0x38c: {  	[tilespmem:s8+$0x0] =	vst v21  }
0x38d: {  	[tilespmem:s8+$0x20] =	vst v24  }
0x38e: {  	[tilespmem:s8+$0x30] =	vst v20;
	v20 =	vld [tilespmem:s8+$0x60]  }
0x38f: {  	v21 =	vld.idx.msk [tilespmem:v22+s31+$0x0], $0xffff  }
0x390: {  	v22 =	vld [tilespmem:s8+$0x50]  }
0x391: {  	s24 =	sadd.s32 $0xFFFFFFFF, s17  }
0x392: {  	v24 =	vmov s24  }
0x393: {  	v24 =	vshrl.u32 v24, $0x3  }
0x394: {  	v24 =	vshll.u32 v24, v11  }
0x395: {  	v24 =	vadd.s32 v24, v18;
	v20 =	vmul.f32 v20, v21;
	v22 =	vmul.f32 v22, v21  }
0x396: {  	v24 =	vbroadcast v24, $0x0;
	v25 =	vmul.f32 v25, v21  }
0x397: {  	[tilespmem:s8+$0x60] =	vst v20;
	v20 =	vmul.f32 v23, v21  }
0x398: {  	[tilespmem:s8+$0x50] =	vst v22;
	v21 =	vld [tilespmem:s8+$0xB0]  }
0x399: {  	[tilespmem:s8+$0x40] =	vst v25  }
0x39a: {  	s24 =	sadd.s32 $0xFFFFFFF9, s21  }
0x39b: {  	v22 =	vmov s24;
	[tilespmem:s8+$0x70] =	vst v20;
	v20 =	vld [tilespmem:s8+$0x90]  }
0x39c: {  	v22 =	vshrl.u32 v22, $0x3;
	v23 =	vld.idx.msk [tilespmem:v24+s31+$0x0], $0xffff  }
0x39d: {  	v22 =	vshll.u32 v22, v11;
	v24 =	vld [tilespmem:s8+$0xA0]  }
0x39e: {  	v22 =	vadd.s32 v12, v22;
	v25 =	vld [tilespmem:s8+$0x80]  }
0x39f: {  	v26 =	vmov s17;
	s17 =	smov.u32 s21;
	v22 =	vbroadcast v22, $0x0  }
0x3a0: {  	v26 =	vshrl.u32 v26, $0x3  }
0x3a1: {  	v26 =	vshll.u32 v26, v11  }
0x3a2: {  	v26 =	vadd.s32 v26, v16;
	v21 =	vmul.f32 v21, v23;
	v24 =	vmul.f32 v24, v23  }
0x3a3: {  	v26 =	vbroadcast v26, $0x0;
	v25 =	vmul.f32 v25, v23;
	v27 =	vld [tilespmem:s8+$0xD0]  }
0x3a4: {  	v20 =	vmul.f32 v20, v23;
	v28 =	vld [tilespmem:s15+$0xFFFFFF30];
	[tilespmem:s8+$0xA0] =	vst v24  }
0x3a5: {  	[tilespmem:s8+$0x80] =	vst v25  }
0x3a6: {  	s21 =	sadd.s32 $0xFFFFFFFA, s17;
	[tilespmem:s8+$0x90] =	vst v20;
	v20 =	vld [tilespmem:s8+$0xC0]  }
0x3a7: {  	v23 =	vmov s21;
	[tilespmem:s8+$0xB0] =	vst v21  }
0x3a8: {  	v21 =	vshrl.u32 v23, $0x3;
	v23 =	vld [tilespmem:s8+$0xF0]  }
0x3a9: {  	v21 =	vshll.u32 v21, v11;
	v24 =	vld.idx.msk [tilespmem:v26+s31+$0x0], $0xffff  }
0x3aa: {  	v21 =	vadd.s32 v21, v13  }
0x3ab: {  	v21 =	vbroadcast v21, $0x0;
	v25 =	vld [tilespmem:s8+$0xE0];
	_ =	sdelay $0x3  }
0x3ac: {  	v20 =	vmul.f32 v20, v24;
	v26 =	vmul.f32 v27, v24  }
0x3ad: {  	v23 =	vmul.f32 v23, v24;
	v25 =	vmul.f32 v25, v24  }
0x3ae: {  	v24 =	vld [tilespmem:s15+$0xFFFFFF20];
	[tilespmem:s8+$0xC0] =	vst v20  }
0x3af: {  	[tilespmem:s8+$0xE0] =	vst v25  }
0x3b0: {  	[tilespmem:s8+$0xF0] =	vst v23  }
0x3b1: {  	[tilespmem:s8+$0xD0] =	vst v26;
	s8 =	smov.u32 s15  }
0x3b2: {  	v20 =	vld.idx.msk [tilespmem:v22+s31+$0x0], $0xffff  }
0x3b3: {  	v22 =	vld [tilespmem:s15+$0xFFFFFF10]  }
0x3b4: {  	v23 =	vld [tilespmem:s15+$0xFFFFFF00];
	_ =	sdelay $0x1  }
0x3b5: {  	v25 =	vld [tilespmem:s15+$0xFFFFFF50];
	_ =	sdelay $0x1  }
0x3b6: {  	s21 =	sadd.s32 $0xFFFFFFFB, s17;
	v24 =	vmul.f32 v24, v20;
	v22 =	vmul.f32 v22, v20  }
0x3b7: {  	v26 =	vmov s21;
	v23 =	vmul.f32 v23, v20;
	v20 =	vmul.f32 v28, v20  }
0x3b8: {  	v26 =	vshrl.u32 v26, $0x3;
	[tilespmem:s15+$0xFFFFFF10] =	vst v22;
	v22 =	vld [tilespmem:s15+$0xFFFFFF70]  }
0x3b9: {  	[tilespmem:s15+$0xFFFFFF30] =	vst v20;
	v20 =	vshll.u32 v26, v11  }
0x3ba: {  	[tilespmem:s15+$0xFFFFFF00] =	vst v23;
	v20 =	vadd.s32 v20, v14  }
0x3bb: {  	[tilespmem:s15+$0xFFFFFF20] =	vst v24  }
0x3bc: {  	v20 =	vbroadcast v20, $0x0;
	v21 =	vld.idx.msk [tilespmem:v21+s31+$0x0], $0xffff  }
0x3bd: {  	v23 =	vld [tilespmem:s15+$0xFFFFFF40]  }
0x3be: {  	v24 =	vld [tilespmem:s15+$0xFFFFFF60];
	_ =	sdelay $0x2  }
0x3bf: {  	v26 =	vld [tilespmem:s15+$0xFFFFFF90]  }
0x3c0: {  	v25 =	vmul.f32 v25, v21;
	v23 =	vmul.f32 v23, v21  }
0x3c1: {  	s21 =	sadd.s32 $0xFFFFFFFC, s17;
	v24 =	vmul.f32 v24, v21;
	v21 =	vmul.f32 v22, v21;
	v22 =	vld [tilespmem:s15+$0xFFFFFF80]  }
0x3c2: {  	[tilespmem:s15+$0xFFFFFF50] =	vst v25;
	v25 =	vmov s21  }
0x3c3: {  	[tilespmem:s15+$0xFFFFFF70] =	vst v21;
	v21 =	vshrl.u32 v25, $0x3  }
0x3c4: {  	[tilespmem:s15+$0xFFFFFF60] =	vst v24;
	v21 =	vshll.u32 v21, v11  }
0x3c5: {  	[tilespmem:s15+$0xFFFFFF40] =	vst v23;
	v23 =	vld [tilespmem:s15+$0xFFFFFFA0];
	v21 =	vadd.s32 v21, v15  }
0x3c6: {  	v20 =	vld.idx.msk [tilespmem:v20+s31+$0x0], $0xffff  }
0x3c7: {  	v24 =	vld [tilespmem:s15+$0xFFFFFFB0]  }
0x3c8: {  	v21 =	vbroadcast v21, $0x0;
	_ =	sdelay $0x3  }
0x3c9: {  	v22 =	vmul.f32 v22, v20;
	v24 =	vmul.f32 v24, v20  }
0x3ca: {  	v25 =	vmul.f32 v26, v20;
	v20 =	vmul.f32 v23, v20  }
0x3cb: {  	[tilespmem:s15+$0xFFFFFF80] =	vst v22;
	v22 =	vld [tilespmem:s15+$0xFFFFFFF0]  }
0x3cc: {  	[tilespmem:s15+$0xFFFFFFB0] =	vst v24;
	v23 =	vld [tilespmem:s15+$0xFFFFFFD0]  }
0x3cd: {  	[tilespmem:s15+$0xFFFFFF90] =	vst v25  }
0x3ce: {  	[tilespmem:s15+$0xFFFFFFA0] =	vst v20;
	v20 =	vld [tilespmem:s15+$0xFFFFFFC0]  }
0x3cf: {  	s21 =	sadd.s32 $0xFFFFFFFD, s17;
	v24 =	vld [tilespmem:s15+$0xFFFFFFE0]  }
0x3d0: {  	v25 =	vmov s21;
	v21 =	vld.idx.msk [tilespmem:v21+s31+$0x0], $0xffff  }
0x3d1: {  	v25 =	vshrl.u32 v25, $0x3  }
0x3d2: {  	v25 =	vshll.u32 v25, v11  }
0x3d3: {  	v25 =	vadd.s32 v25, v17  }
0x3d4: {  	v25 =	vbroadcast v25, $0x0;
	_ =	sdelay $0x1  }
0x3d5: {  	v26 =	vmul.f32 v20, v21;
	v20 =	vmul.f32 v22, v21  }
0x3d6: {  	v22 =	vmul.f32 v23, v21;
	v21 =	vmul.f32 v24, v21  }
0x3d7: {  	[tilespmem:s15+$0xFFFFFFF0] =	vst v20;
	v20 =	vld [tilespmem:s15+$0x30]  }
0x3d8: {  	[tilespmem:s15+$0xFFFFFFE0] =	vst v21;
	v21 =	vld [tilespmem:s15+$0x0]  }
0x3d9: {  	[tilespmem:s15+$0xFFFFFFD0] =	vst v22  }
0x3da: {  	s21 =	sadd.s32 $0xFFFFFFFE, s17;
	[tilespmem:s15+$0xFFFFFFC0] =	vst v26  }
0x3db: {  	v22 =	vmov s21;
	v24 =	vld [tilespmem:s15+$0x20]  }
.Ltmp14:
0x3dc: {  	v22 =	vshrl.u32 v22, $0x3;
	v23 =	vld.idx.msk [tilespmem:v25+s31+$0x0], $0xffff;
	(pc) =	sbr.rel @p2 .LBB2_27-.Ltmp14, $3  }
0x3dd: {  	v22 =	vshll.u32 v22, v11;
	v25 =	vld [tilespmem:s15+$0x10]  }
0x3de: {  	v22 =	vadd.s32 v22, v19;
	_ =	sdelay $0x1  }
0x3df: {  	v22 =	vbroadcast v22, $0x0  }
0x3e0: {  	v13 =	vmul.f32 v21, v23  }
0x3e1: {  	v14 =	vmul.f32 v24, v23  }
0x3e2: {  	v51 =	vmul.f32 v20, v23;
	[tilespmem:s8+$0x0] =	vst v13  }
0x3e3: {  	v12 =	vmul.f32 v25, v23;
	[tilespmem:s8+$0x20] =	vst v14  }
0x3e4: {  	[tilespmem:s8+$0x30] =	vst v51  }
0x3e5: {  	v52 =	vld [tilespmem:s8+$0x60];
	[tilespmem:s8+$0x10] =	vst v12  }
0x3e6: {  	s15 =	sadd.s32 $0xFFFFFFFF, s17;
	v13 =	vld.idx.msk [tilespmem:v22+s31+$0x0], $0xffff  }
0x3e7: {  	v53 =	vld [tilespmem:s8+$0x50];
	v17 =	vmov s15  }
0x3e8: {  	v15 =	vld [tilespmem:s8+$0x40];
	v17 =	vshrl.u32 v17, $0x3  }
0x3e9: {  	v19 =	vld [tilespmem:s8+$0x70];
	v17 =	vshll.u32 v17, v11  }
0x3ea: {  	v17 =	vadd.s32 v17, v18  }
0x3eb: {  	v17 =	vbroadcast v17, $0x0;
	v12 =	vmul.f32 v52, v13  }
0x3ec: {  	v14 =	vmul.f32 v53, v13  }
0x3ed: {  	v15 =	vmul.f32 v15, v13;
	[tilespmem:s8+$0x60] =	vst v12  }
0x3ee: {  	v54 =	vmul.f32 v19, v13;
	[tilespmem:s8+$0x50] =	vst v14  }
0x3ef: {  	[tilespmem:s8+$0x40] =	vst v15  }
0x3f0: {  	v55 =	vld [tilespmem:s8+$0xA0];
	[tilespmem:s8+$0x70] =	vst v54  }
0x3f1: {  	v12 =	vld.idx.msk [tilespmem:v17+s31+$0x0], $0xffff  }
0x3f2: {  	v56 =	vld [tilespmem:s8+$0x80];
	v58 =	vmov s17  }
0x3f3: {  	v57 =	vld [tilespmem:s8+$0x90];
	v17 =	vshrl.u32 v58, $0x3  }
0x3f4: {  	v59 =	vld [tilespmem:s8+$0xB0];
	v17 =	vshll.u32 v17, v11  }
0x3f5: {  	v16 =	vadd.s32 v17, v16  }
0x3f6: {  	v16 =	vbroadcast v16, $0x0;
	v13 =	vmul.f32 v55, v12  }
0x3f7: {  	v14 =	vmul.f32 v56, v12  }
0x3f8: {  	v15 =	vmul.f32 v57, v12;
	[tilespmem:s8+$0xA0] =	vst v13  }
0x3f9: {  	v12 =	vmul.f32 v59, v12;
	[tilespmem:s8+$0x80] =	vst v14  }
0x3fa: {  	[tilespmem:s8+$0x90] =	vst v15  }
0x3fb: {  	v61 =	vld [tilespmem:s8+$0xC0];
	[tilespmem:s8+$0xB0] =	vst v12  }
0x3fc: {  	v12 =	vld.idx.msk [tilespmem:v16+s31+$0x0], $0xffff  }
0x3fd: {  	v62 =	vld [tilespmem:s8+$0xE0]  }
0x3fe: {  	v63 =	vld [tilespmem:s8+$0xF0]  }
0x3ff: {  	v60 =	vld [tilespmem:s8+$0xD0];
	_ =	sdelay $0x1  }
0x400: {  	v13 =	vmul.f32 v61, v12  }
0x401: {  	v14 =	vmul.f32 v62, v12  }
0x402: {  	v15 =	vmul.f32 v63, v12;
	[tilespmem:s8+$0xC0] =	vst v13  }
0x403: {  	v12 =	vmul.f32 v60, v12;
	[tilespmem:s8+$0xE0] =	vst v14  }
0x404: {  	s13 =	sand.u32 $0x3FFFFF80, s13;
	p2 =	seq.s32 s11, $0x4F;
	[tilespmem:s8+$0xF0] =	vst v15  }
.Ltmp15:
0x405: {  	s24 =	sadd.s32 $0x5000, s13;
	[tilespmem:s8+$0xD0] =	vst v12;
	(pc) =	sbr.rel @p2 .LBB2_30-.Ltmp15, $4  }
0x406: {  	[spmem:s2] =	stream.indirect.scatter.add.f32 [tilespmem:s4], [sflag:$0x4], $0x40, s24, s1, $0xb8;
	[tilespmem:$0x1F920] =	vst v63  }
0x407: {  	_ =	swait.ge [sflag:s7], $0x2000  }
0x408: {  	[sflag:s7] =	ssyncset.done $0x0  }
0x409: {  	[sflag:s7] =	ssyncadd.s32 $0xFFFFE000  }
0x40a: {  	s8 =	sadd.s32 $0x100, s12  }
0x40b: {  	[tilespmem:s23], [sflag:$0x1] =	stream.indirect.gather [hbm4b:s9+s1], $0x40, s8, s1, $0xb8;
	[tilespmem:$0x1F920] =	vst v63  }
.Ltmp16:
0x40c: {  	_ = 	snop;
	(pc) =	sbr.rel .LBB2_24-.Ltmp16, $4  }
0x40d: {  	_ =	swait.ge [sflag:s30], $0x2000  }
0x40e: {  	[sflag:s30] =	ssyncset.done $0x0  }
0x40f: {  	s24 =	sadd.s32 $0x180, s12;
	s11 =	sadd.s32 $0x1, s11;
	[sflag:s30] =	ssyncadd.s32 $0xFFFFE000  }
0x410: {  	[tilespmem:s4], [sflag:$0x2] =	stream.indirect.gather [hbm4b:s9+s1], $0x40, s24, s1, $0xb8;
	[tilespmem:$0x1F920] =	vst v63  }
.LBB2_31:
0x411: {  	_ =	sfence.sel $0x180000  }
0x412: {  	[bflag:$0x0] =	sbarrier.arrive $0xFFFF  }
0x413: {  	_ =	strace $0x90000047  }
0x414: {  	s0 =	stileid.u32;
	[bflag:$0x2] =	sbarrier.arrive $0xFFFF  }
0x415: {  	p0 =	sne.s32 s0, $0x0;
	s0 =	rddreg [dreg:$0x4]  }
0x416: {  	s0 =	sadd.s32 @!p0 $0x100000, s0  }
0x417: {  	[sflag:s0] =	ssyncadd.tile.s32 @!p0 $0x1;
	_ =	shalt  }
.Lfunc_end2:
_tile_overlayer_lowered:
.L_overlay_start_2:
0x418: {  	(tag) =	ssettag $0x2  }
0x419: {  	s0 =	rddreg [dreg:$0x0];
	s2 =	stileid.u32  }
0x41a: {  	s1 =	rddreg [dreg:$0x1];
	p0 =	sne.s32 s2, $0x0  }
0x41b: {  	s3 =	rddreg [dreg:$0x2];
	[bflag:$0x3] =	sbarrier.arrive $0xFFFF;
	s2 =	simm.s32 @!p0 $0x1C05  }
0x41c: {  	[timem:s3], [sflag:s2] =	dma.local @!p0 [hbm:s0], s1  }
0x41d: {  	s0 =	simm.s32 @!p0 $0x5  }
0x41e: {  	_ =	swait.ge @!p0 [sflag:s0], s1  }
0x41f: {  	s1 =	ssub.s32 @!p0 $0x0, s1;
	[sflag:s0] =	ssyncset.done @!p0 $0x0  }
0x420: {  	[sflag:s0] =	ssyncadd.s32 @!p0 s1  }
0x421: {  	[bflag:$0x3] =	sbarrier.arrive $0xFFFF  }
0x422: {  	_ =	shalt  }

</sc_bundles>
